<compile_context>
chip_gen: v7x
topology: tpu7x:2x2x1
jax: 0.10.2.dev20260603
libtpu: 0.0.44.dev20260713+nightly
codegen_flags: <defaults>
</compile_context>

<pallas_src>
import functools

import jax
import jax.numpy as jnp
from jax import lax
from jax.experimental import pallas as pl
from jax.experimental.pallas import tpu as pltpu
from jax.experimental.pallas import tpu_sc as plsc



def _make_segment_sum_sc(n, d, e):
    info = plsc.get_sparse_core_info()
    nc, ns = info.num_cores, info.num_subcores
    nw = nc * ns

    chunk = 80
    edges_per_worker = e // nw
    nchunks = edges_per_worker // chunk
    assert edges_per_worker * nw == e and nchunks * chunk == edges_per_worker

    rows_per_tile = (n // ns) // 8 * 8
    rows_rem = n - rows_per_tile * ns
    assert rows_rem % 8 == 0

    nbuf = 3
    nouter = nchunks // nbuf
    ntail = nchunks - nouter * nbuf

    mesh = plsc.VectorSubcoreMesh(core_axis_name="c", subcore_axis_name="s")

    @functools.partial(
        pl.kernel,
        mesh=mesh,
        out_type=jax.ShapeDtypeStruct((nc, n, d), jnp.float32),
        scratch_types=(
            [pltpu.VMEM((edges_per_worker,), jnp.int32)]
            + [pltpu.VMEM((chunk,), jnp.int32) for _ in range(nbuf)]
            + [pltpu.VMEM((chunk, d), jnp.float32) for _ in range(nbuf)]
            + [pltpu.VMEM_SHARED((n, d), jnp.float32)]
            + [pltpu.SemaphoreType.DMA for _ in range(2 * nbuf + 1)]
        ),
    )
    def seg_sum(h_hbm, src_hbm, dst_hbm, out_hbm, *scratch):
        src_all = scratch[0]
        dst_ring = scratch[1:1 + nbuf]
        rows_ring = scratch[1 + nbuf:1 + 2 * nbuf]
        acc_sh = scratch[1 + 2 * nbuf]
        sem_d = scratch[2 + 2 * nbuf:2 + 3 * nbuf]
        sem_g = scratch[2 + 3 * nbuf:2 + 4 * nbuf]
        sem_z = scratch[2 + 4 * nbuf]

        cid = lax.axis_index("c")
        sid = lax.axis_index("s")
        wid = cid * ns + sid
        ebase = wid * edges_per_worker

        pltpu.async_copy(src_hbm.at[pl.ds(ebase, edges_per_worker)], src_all,
                         sem_z)

        rows_v = rows_ring[0]
        zero16 = jnp.zeros((16,), jnp.float32)

        def _zero_row(r, _):
            for j in range(d // 16):
                rows_v[r, pl.ds(j * 16, 16)] = zero16
            return 0

        lax.fori_loop(0, chunk, _zero_row, 0)
        pltpu.make_async_copy(src_hbm.at[pl.ds(ebase, edges_per_worker)],
                              src_all, sem_z).wait()

        row0 = sid * rows_per_tile

        def _row_chunks(count):
            done = 0
            while done < count:
                step = min(chunk, count - done)
                yield done, step
                done += step

        zcopies = []
        for off, step in _row_chunks(rows_per_tile):
            zcopies.append(pltpu.async_copy(
                rows_v.at[pl.ds(0, step)],
                acc_sh.at[pl.ds(row0 + off, step)], sem_z))

        @pl.when(sid == ns - 1)
        def _zero_tail():
            tail = []
            for off, step in _row_chunks(rows_rem):
                tail.append(pltpu.async_copy(
                    rows_v.at[pl.ds(0, step)],
                    acc_sh.at[pl.ds(ns * rows_per_tile + off, step)], sem_z))
            for cp in tail:
                cp.wait()

        for cp in zcopies:
            cp.wait()

        plsc.subcore_barrier()

        def _issue(j, k):
            pltpu.async_copy(dst_hbm.at[pl.ds(ebase + j * chunk, chunk)],
                             dst_ring[k], sem_d[k])
            pltpu.async_copy(h_hbm.at[src_all.at[pl.ds(j * chunk, chunk)]],
                             rows_ring[k], sem_g[k])

        def _wait(j, k):
            pltpu.make_async_copy(
                dst_hbm.at[pl.ds(ebase + j * chunk, chunk)],
                dst_ring[k], sem_d[k]).wait()
            pltpu.make_async_copy(
                h_hbm.at[src_all.at[pl.ds(j * chunk, chunk)]],
                rows_ring[k], sem_g[k]).wait()

        for k in range(nbuf):
            _issue(k, k)

        def _outer(i, _):
            for k in range(nbuf):
                j = i * nbuf + k
                _wait(j, k)
                pltpu.sync_copy(rows_ring[k], acc_sh.at[dst_ring[k]], add=True)
                jn = j + nbuf

                @pl.when(jn < nchunks)
                def _reissue():
                    _issue(jn, k)
            return 0

        lax.fori_loop(0, nouter, _outer, 0)
        for t in range(ntail):
            j = nouter * nbuf + t
            k = j % nbuf
            _wait(j, k)
            pltpu.sync_copy(rows_ring[k], acc_sh.at[dst_ring[k]], add=True)

        plsc.subcore_barrier()

        pltpu.sync_copy(acc_sh.at[pl.ds(row0, rows_per_tile)],
                        out_hbm.at[cid, pl.ds(row0, rows_per_tile)])

        @pl.when(sid == ns - 1)
        def _write_tail():
            base = ns * rows_per_tile
            pltpu.sync_copy(acc_sh.at[pl.ds(base, rows_rem)],
                            out_hbm.at[cid, pl.ds(base, rows_rem)])

    return seg_sum



def _layer_body(eps_ref, h_ref, a0_ref, a1_ref, w1_ref, b1_ref, w2_ref,
                b2_ref, g_ref, be_ref, out_ref):
    z = h_ref[...] * (1.0 + eps_ref[0]) + a0_ref[...] + a1_ref[...]
    z = jnp.dot(z, w1_ref[...], preferred_element_type=jnp.float32)
    z = jnp.maximum(z + b1_ref[...], 0.0)
    z = jnp.dot(z, w2_ref[...], preferred_element_type=jnp.float32)
    z = jnp.maximum(z + b2_ref[...], 0.0)
    mu = jnp.mean(z, axis=0, keepdims=True)
    var = jnp.mean(jnp.square(z - mu), axis=0, keepdims=True)
    out_ref[...] = ((z - mu) * lax.rsqrt(var + 1e-5) * g_ref[...]
                    + be_ref[...])


def _head_body(h_ref, batch_ref, l1w_ref, l1b_ref, l2w_ref, l2b_ref, out_ref):
    n = h_ref.shape[0]
    g = out_ref.shape[0]
    b = batch_ref[...]
    gids = lax.broadcasted_iota(jnp.int32, (n, g), 1)
    onehot = (b == gids).astype(jnp.float32)
    sums = lax.dot_general(onehot, h_ref[...], (((0,), (0,)), ((), ())),
                           preferred_element_type=jnp.float32)
    counts = jnp.sum(onehot, axis=0)[:, None]
    pooled = sums / jnp.maximum(counts, 1.0)
    y = jnp.dot(pooled, l1w_ref[...], preferred_element_type=jnp.float32)
    y = jnp.maximum(y + l1b_ref[...], 0.0)
    y = jnp.dot(y, l2w_ref[...], preferred_element_type=jnp.float32)
    y = y + l2b_ref[...]
    m = jnp.max(y, axis=-1, keepdims=True)
    lse = jnp.log(jnp.sum(jnp.exp(y - m), axis=-1, keepdims=True)) + m
    out_ref[...] = y - lse



def kernel(x, edge_index, batch, W1, b1, W2, b2, gamma, beta, eps,
           lin1_W, lin1_b, lin2_W, lin2_b):
    n, d = x.shape
    e = edge_index.shape[1]
    h_dim = W1.shape[2]
    out_dim = lin2_W.shape[1]
    num_layers = W1.shape[0]
    g = 64

    src = edge_index[0]
    dst = edge_index[1]

    seg_sum = _make_segment_sum_sc(n, d, e)

    layer_call = pl.pallas_call(
        _layer_body,
        out_shape=jax.ShapeDtypeStruct((n, h_dim), jnp.float32),
        in_specs=[pl.BlockSpec(memory_space=pltpu.SMEM)] + [pl.BlockSpec()] * 9,
        out_specs=pl.BlockSpec(),
    )

    head_call = pl.pallas_call(
        _head_body,
        out_shape=jax.ShapeDtypeStruct((g, out_dim), jnp.float32),
    )

    h = x
    for i in range(num_layers):
        agg = seg_sum(h, src, dst)
        h = layer_call(
            jnp.reshape(1.0 * eps[i], (1,)),
            h, agg[0], agg[1],
            W1[i], jnp.reshape(b1[i], (1, h_dim)),
            W2[i], jnp.reshape(b2[i], (1, h_dim)),
            jnp.reshape(gamma[i], (1, h_dim)),
            jnp.reshape(beta[i], (1, h_dim)),
        )

    out = head_call(
        h,
        jnp.reshape(batch, (n, 1)),
        lin1_W, jnp.reshape(lin1_b, (1, h_dim)),
        lin2_W, jnp.reshape(lin2_b, (1, out_dim)),
    )
    return out

# --- scband reference (transcript-rebuilt; emitter-appended) ---
"""Pipeline reference for scband-gin-28278064677524 (READ-ONLY COPY).

The authoritative reference and input builder live on the scoring server;
editing this copy changes nothing except your own understanding.
"""

import jax, jax.numpy as jnp
import numpy as np

N = 10000
E = 320000
D = 128
H = 128
OUT = 128
L = 3
G = 64


def setup_inputs(seed: int = 0) -> dict:
    key = jax.random.key(seed)
    ks = jax.random.split(key, 16)
    x = jax.random.normal(ks[0], (N, D), dtype=jnp.float32)
    edge_index = jax.random.randint(ks[1], (2, E), 0, N, dtype=jnp.int32)
    batch = jnp.sort(jax.random.randint(ks[2], (N,), 0, G, dtype=jnp.int32))
    # stacked MLP params for the L GINConv layers (in_dim == hidden_dim == 128)
    W1 = jax.random.normal(ks[3], (L, D, H), dtype=jnp.float32) * 0.05
    b1 = jnp.zeros((L, H), dtype=jnp.float32)
    W2 = jax.random.normal(ks[4], (L, H, H), dtype=jnp.float32) * 0.05
    b2 = jnp.zeros((L, H), dtype=jnp.float32)
    gamma = jnp.ones((L, H), dtype=jnp.float32)
    beta = jnp.zeros((L, H), dtype=jnp.float32)
    eps = jnp.zeros((L,), dtype=jnp.float32)  # train_eps=True, init 0
    lin1_W = jax.random.normal(ks[5], (H, H), dtype=jnp.float32) * 0.05
    lin1_b = jnp.zeros((H,), dtype=jnp.float32)
    lin2_W = jax.random.normal(ks[6], (H, OUT), dtype=jnp.float32) * 0.05
    lin2_b = jnp.zeros((OUT,), dtype=jnp.float32)
    return {"x": x, "edge_index": edge_index, "batch": batch,
            "W1": W1, "b1": b1, "W2": W2, "b2": b2,
            "gamma": gamma, "beta": beta, "eps": eps,
            "lin1_W": lin1_W, "lin1_b": lin1_b,
            "lin2_W": lin2_W, "lin2_b": lin2_b}


def reference(x, edge_index, batch, W1, b1, W2, b2, gamma, beta, eps,
              lin1_W, lin1_b, lin2_W, lin2_b):
    src = edge_index[0]
    dst = edge_index[1]

    def gin_conv(h, i):
        # sum aggregation of neighbor messages: out[i] = mlp((1+eps)*h_i + sum_j h_j)
        agg = jax.ops.segment_sum(h[src], dst, num_segments=h.shape[0])
        z = (1.0 + eps[i]) * h + agg
        z = jnp.maximum(z @ W1[i] + b1[i], 0.0)
        z = jnp.maximum(z @ W2[i] + b2[i], 0.0)
        # BatchNorm1d (training-mode batch statistics)
        mu = jnp.mean(z, axis=0)
        var = jnp.var(z, axis=0)
        z = (z - mu) / jnp.sqrt(var + 1e-5) * gamma[i] + beta[i]
        return z

    h = x
    for i in range(L):
        h = gin_conv(h, i)

    # global mean pool over graphs
    sums = jax.ops.segment_sum(h, batch, num_segments=G)
    counts = jax.ops.segment_sum(jnp.ones((h.shape[0], 1), dtype=h.dtype), batch, num_segments=G)
    pooled = sums / jnp.maximum(counts, 1.0)

    y = jnp.maximum(pooled @ lin1_W + lin1_b, 0.0)
    # dropout: identity in deterministic reference
    y = y @ lin2_W + lin2_b
    return jax.nn.log_softmax(y, axis=-1)

if __name__ == "__main__":
    import jax
    _d = setup_inputs()
    print(jax.jit(kernel)(*tuple(_d.values())))

</pallas_src>

<mosaic_0001>
#map = affine_map<(d0, d1) -> (0, 0)>
#map1 = affine_map<(d0, d1) -> (0)>
#map2 = affine_map<(d0, d1) -> (0, 0, 0)>
module attributes {stable_mosaic.version = 14 : i64} {
  func.func @seg_sum(%arg0: i32, %arg1: i32, %arg2: memref<10000x128xf32, #tpu.memory_space<hbm>>, %arg3: memref<320000xi32, #tpu.memory_space<hbm>>, %arg4: memref<320000xi32, #tpu.memory_space<hbm>>, %arg5: memref<2x10000x128xf32, #tpu.memory_space<hbm>>, %arg6: memref<10000xi32, #tpu.memory_space<vmem>>, %arg7: memref<80xi32, #tpu.memory_space<vmem>>, %arg8: memref<80xi32, #tpu.memory_space<vmem>>, %arg9: memref<80xi32, #tpu.memory_space<vmem>>, %arg10: memref<80x128xf32, #tpu.memory_space<vmem>>, %arg11: memref<80x128xf32, #tpu.memory_space<vmem>>, %arg12: memref<80x128xf32, #tpu.memory_space<vmem>>, %arg13: memref<10000x128xf32, #tpu.memory_space<vmem_shared>>, %arg14: memref<!tpu.dma_semaphore, #tpu.memory_space<semaphore_mem>>, %arg15: memref<!tpu.dma_semaphore, #tpu.memory_space<semaphore_mem>>, %arg16: memref<!tpu.dma_semaphore, #tpu.memory_space<semaphore_mem>>, %arg17: memref<!tpu.dma_semaphore, #tpu.memory_space<semaphore_mem>>, %arg18: memref<!tpu.dma_semaphore, #tpu.memory_space<semaphore_mem>>, %arg19: memref<!tpu.dma_semaphore, #tpu.memory_space<semaphore_mem>>, %arg20: memref<!tpu.dma_semaphore, #tpu.memory_space<semaphore_mem>>) attributes {dimension_semantics = [#tpu.dimension_semantics<core_parallel>, #tpu.dimension_semantics<subcore_parallel>], iteration_bounds = array<i64: 2, 16>, scalar_prefetch = 0 : i64, scratch_operands = 15 : i64, tpu.core_type = #tpu.core_type<sc_vector_subcore>, window_params = [{transform_indices = #map}, {transform_indices = #map1}, {transform_indices = #map1}, {transform_indices = #map2}]} {
    %mul3A = arith.constant 16 : i32
    %mul3A_0 = arith.muli %arg0, %mul3A : i32
    %add3A = arith.addi %mul3A_0, %arg1 : i32
    %mul3A_1 = arith.constant 10000 : i32
    %mul3A_2 = arith.muli %add3A, %mul3A_1 : i32
    %dma_start3A = tpu.memref_slice %arg3[%mul3A_2] : memref<320000xi32, #tpu.memory_space<hbm>> -> memref<10000xi32, #tpu.memory_space<hbm>>
    %dma_start3A_3 = tpu.memref_slice %arg3[%mul3A_2] : memref<320000xi32, #tpu.memory_space<hbm>> -> memref<10000xi32, #tpu.memory_space<hbm>>
    tpu.enqueue_dma source(%dma_start3A_3 : memref<10000xi32, #tpu.memory_space<hbm>>) target(%arg6 : memref<10000xi32, #tpu.memory_space<vmem>>) target_semaphore(%arg20 : memref<!tpu.dma_semaphore, #tpu.memory_space<semaphore_mem>>)
    %broadcast_in_dim3A = arith.constant 0.000000e+00 : f32
    %broadcast_in_dim3A_4 = vector.broadcast %broadcast_in_dim3A : f32 to vector<16xf32>
    %scan3A = arith.constant 0 : i32
    %scan3A_5 = arith.constant 0 : i32
    %scan3A_6 = arith.constant 80 : i32
    %scan3A_7 = arith.addi %scan3A_5, %scan3A_6 : i32
    %scan3A_8 = arith.constant 1 : i32
    %scan3A_9 = scf.for %scan3A_250 = %scan3A_5 to %scan3A_7 step %scan3A_8 iter_args(%scan3A_251 = %scan3A) -> (i32)  : i32 {
      %swap3A = arith.index_cast %scan3A_250 : i32 to index
      %swap3A_252 = arith.constant 0 : index
      %swap3A_253 = tpu.vector_load %arg10[%swap3A, %swap3A_252] {strides = array<i32>} : memref<80x128xf32, #tpu.memory_space<vmem>>, vector<1x16xf32>,
      %swap3A_254 = vector.shape_cast %swap3A_253 : vector<1x16xf32> to vector<16xf32>
      %swap3A_255 = vector.shape_cast %broadcast_in_dim3A_4 : vector<16xf32> to vector<1x16xf32>
      tpu.vector_store %arg10[%swap3A, %swap3A_252], %swap3A_255 {strides = array<i32>} : memref<80x128xf32, #tpu.memory_space<vmem>>, vector<1x16xf32>,
      %swap3A_256 = arith.index_cast %scan3A_250 : i32 to index
      %swap3A_257 = arith.constant 16 : index
      %swap3A_258 = tpu.vector_load %arg10[%swap3A_256, %swap3A_257] {strides = array<i32>} : memref<80x128xf32, #tpu.memory_space<vmem>>, vector<1x16xf32>,
      %swap3A_259 = vector.shape_cast %swap3A_258 : vector<1x16xf32> to vector<16xf32>
      %swap3A_260 = vector.shape_cast %broadcast_in_dim3A_4 : vector<16xf32> to vector<1x16xf32>
      tpu.vector_store %arg10[%swap3A_256, %swap3A_257], %swap3A_260 {strides = array<i32>} : memref<80x128xf32, #tpu.memory_space<vmem>>, vector<1x16xf32>,
      %swap3A_261 = arith.index_cast %scan3A_250 : i32 to index
      %swap3A_262 = arith.constant 32 : index
      %swap3A_263 = tpu.vector_load %arg10[%swap3A_261, %swap3A_262] {strides = array<i32>} : memref<80x128xf32, #tpu.memory_space<vmem>>, vector<1x16xf32>,
      %swap3A_264 = vector.shape_cast %swap3A_263 : vector<1x16xf32> to vector<16xf32>
      %swap3A_265 = vector.shape_cast %broadcast_in_dim3A_4 : vector<16xf32> to vector<1x16xf32>
      tpu.vector_store %arg10[%swap3A_261, %swap3A_262], %swap3A_265 {strides = array<i32>} : memref<80x128xf32, #tpu.memory_space<vmem>>, vector<1x16xf32>,
      %swap3A_266 = arith.index_cast %scan3A_250 : i32 to index
      %swap3A_267 = arith.constant 48 : index
      %swap3A_268 = tpu.vector_load %arg10[%swap3A_266, %swap3A_267] {strides = array<i32>} : memref<80x128xf32, #tpu.memory_space<vmem>>, vector<1x16xf32>,
      %swap3A_269 = vector.shape_cast %swap3A_268 : vector<1x16xf32> to vector<16xf32>
      %swap3A_270 = vector.shape_cast %broadcast_in_dim3A_4 : vector<16xf32> to vector<1x16xf32>
      tpu.vector_store %arg10[%swap3A_266, %swap3A_267], %swap3A_270 {strides = array<i32>} : memref<80x128xf32, #tpu.memory_space<vmem>>, vector<1x16xf32>,
      %swap3A_271 = arith.index_cast %scan3A_250 : i32 to index
      %swap3A_272 = arith.constant 64 : index
      %swap3A_273 = tpu.vector_load %arg10[%swap3A_271, %swap3A_272] {strides = array<i32>} : memref<80x128xf32, #tpu.memory_space<vmem>>, vector<1x16xf32>,
      %swap3A_274 = vector.shape_cast %swap3A_273 : vector<1x16xf32> to vector<16xf32>
      %swap3A_275 = vector.shape_cast %broadcast_in_dim3A_4 : vector<16xf32> to vector<1x16xf32>
      tpu.vector_store %arg10[%swap3A_271, %swap3A_272], %swap3A_275 {strides = array<i32>} : memref<80x128xf32, #tpu.memory_space<vmem>>, vector<1x16xf32>,
      %swap3A_276 = arith.index_cast %scan3A_250 : i32 to index
      %swap3A_277 = arith.constant 80 : index
      %swap3A_278 = tpu.vector_load %arg10[%swap3A_276, %swap3A_277] {strides = array<i32>} : memref<80x128xf32, #tpu.memory_space<vmem>>, vector<1x16xf32>,
      %swap3A_279 = vector.shape_cast %swap3A_278 : vector<1x16xf32> to vector<16xf32>
      %swap3A_280 = vector.shape_cast %broadcast_in_dim3A_4 : vector<16xf32> to vector<1x16xf32>
      tpu.vector_store %arg10[%swap3A_276, %swap3A_277], %swap3A_280 {strides = array<i32>} : memref<80x128xf32, #tpu.memory_space<vmem>>, vector<1x16xf32>,
      %swap3A_281 = arith.index_cast %scan3A_250 : i32 to index
      %swap3A_282 = arith.constant 96 : index
      %swap3A_283 = tpu.vector_load %arg10[%swap3A_281, %swap3A_282] {strides = array<i32>} : memref<80x128xf32, #tpu.memory_space<vmem>>, vector<1x16xf32>,
      %swap3A_284 = vector.shape_cast %swap3A_283 : vector<1x16xf32> to vector<16xf32>
      %swap3A_285 = vector.shape_cast %broadcast_in_dim3A_4 : vector<16xf32> to vector<1x16xf32>
      tpu.vector_store %arg10[%swap3A_281, %swap3A_282], %swap3A_285 {strides = array<i32>} : memref<80x128xf32, #tpu.memory_space<vmem>>, vector<1x16xf32>,
      %swap3A_286 = arith.index_cast %scan3A_250 : i32 to index
      %swap3A_287 = arith.constant 112 : index
      %swap3A_288 = tpu.vector_load %arg10[%swap3A_286, %swap3A_287] {strides = array<i32>} : memref<80x128xf32, #tpu.memory_space<vmem>>, vector<1x16xf32>,
      %swap3A_289 = vector.shape_cast %swap3A_288 : vector<1x16xf32> to vector<16xf32>
      %swap3A_290 = vector.shape_cast %broadcast_in_dim3A_4 : vector<16xf32> to vector<1x16xf32>
      tpu.vector_store %arg10[%swap3A_286, %swap3A_287], %swap3A_290 {strides = array<i32>} : memref<80x128xf32, #tpu.memory_space<vmem>>, vector<1x16xf32>,
      %scan3A_291 = arith.constant 0 : i32
      scf.yield %scan3A_291 : i32
    }
    %scan3A_10 = arith.constant 80 : i32
    %dma_wait3A = tpu.memref_slice %arg3[%mul3A_2] : memref<320000xi32, #tpu.memory_space<hbm>> -> memref<10000xi32, #tpu.memory_space<hbm>>
    %dma_wait3A_11 = tpu.memref_slice %arg3[%mul3A_2] : memref<320000xi32, #tpu.memory_space<hbm>> -> memref<10000xi32, #tpu.memory_space<hbm>>
    tpu.wait_dma2 semaphore(%arg20 : memref<!tpu.dma_semaphore, #tpu.memory_space<semaphore_mem>>) src(%dma_wait3A_11 : memref<10000xi32, #tpu.memory_space<hbm>>) dst(%arg6 : memref<10000xi32, #tpu.memory_space<vmem>>)
    %mul3A_12 = arith.constant 624 : i32
    %mul3A_13 = arith.muli %arg1, %mul3A_12 : i32
    %add3A_14 = arith.constant 0 : i32
    %add3A_15 = arith.addi %mul3A_13, %add3A_14 : i32
    %dma_start3A_16 = arith.constant 0 : i32
    %dma_start3A_17 = arith.constant 0 : i32
    %dma_start3A_18 = tpu.memref_slice %arg10[%dma_start3A_16, %dma_start3A_17] : memref<80x128xf32, #tpu.memory_space<vmem>> -> memref<80x128xf32, #tpu.memory_space<vmem>>
    %dma_start3A_19 = arith.constant 0 : i32
    %dma_start3A_20 = tpu.memref_slice %arg13[%add3A_15, %dma_start3A_19] : memref<10000x128xf32, #tpu.memory_space<vmem_shared>> -> memref<80x128xf32, #tpu.memory_space<vmem_shared>>
    %dma_start3A_21 = arith.constant 0 : i32
    %dma_start3A_22 = tpu.memref_slice %arg13[%add3A_15, %dma_start3A_21] : memref<10000x128xf32, #tpu.memory_space<vmem_shared>> -> memref<80x128xf32, #tpu.memory_space<vmem_shared>>
    %dma_start3A_23 = arith.constant 0 : i32
    %dma_start3A_24 = arith.constant 0 : i32
    %dma_start3A_25 = tpu.memref_slice %arg10[%dma_start3A_23, %dma_start3A_24] : memref<80x128xf32, #tpu.memory_space<vmem>> -> memref<80x128xf32, #tpu.memory_space<vmem>>
    tpu.enqueue_dma source(%dma_start3A_25 : memref<80x128xf32, #tpu.memory_space<vmem>>) target(%dma_start3A_22 : memref<80x128xf32, #tpu.memory_space<vmem_shared>>) target_semaphore(%arg20 : memref<!tpu.dma_semaphore, #tpu.memory_space<semaphore_mem>>)
    %add3A_26 = arith.constant 80 : i32
    %add3A_27 = arith.addi %mul3A_13, %add3A_26 : i32
    %dma_start3A_28 = arith.constant 0 : i32
    %dma_start3A_29 = arith.constant 0 : i32
    %dma_start3A_30 = tpu.memref_slice %arg10[%dma_start3A_28, %dma_start3A_29] : memref<80x128xf32, #tpu.memory_space<vmem>> -> memref<80x128xf32, #tpu.memory_space<vmem>>
    %dma_start3A_31 = arith.constant 0 : i32
    %dma_start3A_32 = tpu.memref_slice %arg13[%add3A_27, %dma_start3A_31] : memref<10000x128xf32, #tpu.memory_space<vmem_shared>> -> memref<80x128xf32, #tpu.memory_space<vmem_shared>>
    %dma_start3A_33 = arith.constant 0 : i32
    %dma_start3A_34 = tpu.memref_slice %arg13[%add3A_27, %dma_start3A_33] : memref<10000x128xf32, #tpu.memory_space<vmem_shared>> -> memref<80x128xf32, #tpu.memory_space<vmem_shared>>
    %dma_start3A_35 = arith.constant 0 : i32
    %dma_start3A_36 = arith.constant 0 : i32
    %dma_start3A_37 = tpu.memref_slice %arg10[%dma_start3A_35, %dma_start3A_36] : memref<80x128xf32, #tpu.memory_space<vmem>> -> memref<80x128xf32, #tpu.memory_space<vmem>>
    tpu.enqueue_dma source(%dma_start3A_37 : memref<80x128xf32, #tpu.memory_space<vmem>>) target(%dma_start3A_34 : memref<80x128xf32, #tpu.memory_space<vmem_shared>>) target_semaphore(%arg20 : memref<!tpu.dma_semaphore, #tpu.memory_space<semaphore_mem>>)
    %add3A_38 = arith.constant 160 : i32
    %add3A_39 = arith.addi %mul3A_13, %add3A_38 : i32
    %dma_start3A_40 = arith.constant 0 : i32
    %dma_start3A_41 = arith.constant 0 : i32
    %dma_start3A_42 = tpu.memref_slice %arg10[%dma_start3A_40, %dma_start3A_41] : memref<80x128xf32, #tpu.memory_space<vmem>> -> memref<80x128xf32, #tpu.memory_space<vmem>>
    %dma_start3A_43 = arith.constant 0 : i32
    %dma_start3A_44 = tpu.memref_slice %arg13[%add3A_39, %dma_start3A_43] : memref<10000x128xf32, #tpu.memory_space<vmem_shared>> -> memref<80x128xf32, #tpu.memory_space<vmem_shared>>
    %dma_start3A_45 = arith.constant 0 : i32
    %dma_start3A_46 = tpu.memref_slice %arg13[%add3A_39, %dma_start3A_45] : memref<10000x128xf32, #tpu.memory_space<vmem_shared>> -> memref<80x128xf32, #tpu.memory_space<vmem_shared>>
    %dma_start3A_47 = arith.constant 0 : i32
    %dma_start3A_48 = arith.constant 0 : i32
    %dma_start3A_49 = tpu.memref_slice %arg10[%dma_start3A_47, %dma_start3A_48] : memref<80x128xf32, #tpu.memory_space<vmem>> -> memref<80x128xf32, #tpu.memory_space<vmem>>
    tpu.enqueue_dma source(%dma_start3A_49 : memref<80x128xf32, #tpu.memory_space<vmem>>) target(%dma_start3A_46 : memref<80x128xf32, #tpu.memory_space<vmem_shared>>) target_semaphore(%arg20 : memref<!tpu.dma_semaphore, #tpu.memory_space<semaphore_mem>>)
    %add3A_50 = arith.constant 240 : i32
    %add3A_51 = arith.addi %mul3A_13, %add3A_50 : i32
    %dma_start3A_52 = arith.constant 0 : i32
    %dma_start3A_53 = arith.constant 0 : i32
    %dma_start3A_54 = tpu.memref_slice %arg10[%dma_start3A_52, %dma_start3A_53] : memref<80x128xf32, #tpu.memory_space<vmem>> -> memref<80x128xf32, #tpu.memory_space<vmem>>
    %dma_start3A_55 = arith.constant 0 : i32
    %dma_start3A_56 = tpu.memref_slice %arg13[%add3A_51, %dma_start3A_55] : memref<10000x128xf32, #tpu.memory_space<vmem_shared>> -> memref<80x128xf32, #tpu.memory_space<vmem_shared>>
    %dma_start3A_57 = arith.constant 0 : i32
    %dma_start3A_58 = tpu.memref_slice %arg13[%add3A_51, %dma_start3A_57] : memref<10000x128xf32, #tpu.memory_space<vmem_shared>> -> memref<80x128xf32, #tpu.memory_space<vmem_shared>>
    %dma_start3A_59 = arith.constant 0 : i32
    %dma_start3A_60 = arith.constant 0 : i32
    %dma_start3A_61 = tpu.memref_slice %arg10[%dma_start3A_59, %dma_start3A_60] : memref<80x128xf32, #tpu.memory_space<vmem>> -> memref<80x128xf32, #tpu.memory_space<vmem>>
    tpu.enqueue_dma source(%dma_start3A_61 : memref<80x128xf32, #tpu.memory_space<vmem>>) target(%dma_start3A_58 : memref<80x128xf32, #tpu.memory_space<vmem_shared>>) target_semaphore(%arg20 : memref<!tpu.dma_semaphore, #tpu.memory_space<semaphore_mem>>)
    %add3A_62 = arith.constant 320 : i32
    %add3A_63 = arith.addi %mul3A_13, %add3A_62 : i32
    %dma_start3A_64 = arith.constant 0 : i32
    %dma_start3A_65 = arith.constant 0 : i32
    %dma_start3A_66 = tpu.memref_slice %arg10[%dma_start3A_64, %dma_start3A_65] : memref<80x128xf32, #tpu.memory_space<vmem>> -> memref<80x128xf32, #tpu.memory_space<vmem>>
    %dma_start3A_67 = arith.constant 0 : i32
    %dma_start3A_68 = tpu.memref_slice %arg13[%add3A_63, %dma_start3A_67] : memref<10000x128xf32, #tpu.memory_space<vmem_shared>> -> memref<80x128xf32, #tpu.memory_space<vmem_shared>>
    %dma_start3A_69 = arith.constant 0 : i32
    %dma_start3A_70 = tpu.memref_slice %arg13[%add3A_63, %dma_start3A_69] : memref<10000x128xf32, #tpu.memory_space<vmem_shared>> -> memref<80x128xf32, #tpu.memory_space<vmem_shared>>
    %dma_start3A_71 = arith.constant 0 : i32
    %dma_start3A_72 = arith.constant 0 : i32
    %dma_start3A_73 = tpu.memref_slice %arg10[%dma_start3A_71, %dma_start3A_72] : memref<80x128xf32, #tpu.memory_space<vmem>> -> memref<80x128xf32, #tpu.memory_space<vmem>>
    tpu.enqueue_dma source(%dma_start3A_73 : memref<80x128xf32, #tpu.memory_space<vmem>>) target(%dma_start3A_70 : memref<80x128xf32, #tpu.memory_space<vmem_shared>>) target_semaphore(%arg20 : memref<!tpu.dma_semaphore, #tpu.memory_space<semaphore_mem>>)
    %add3A_74 = arith.constant 400 : i32
    %add3A_75 = arith.addi %mul3A_13, %add3A_74 : i32
    %dma_start3A_76 = arith.constant 0 : i32
    %dma_start3A_77 = arith.constant 0 : i32
    %dma_start3A_78 = tpu.memref_slice %arg10[%dma_start3A_76, %dma_start3A_77] : memref<80x128xf32, #tpu.memory_space<vmem>> -> memref<80x128xf32, #tpu.memory_space<vmem>>
    %dma_start3A_79 = arith.constant 0 : i32
    %dma_start3A_80 = tpu.memref_slice %arg13[%add3A_75, %dma_start3A_79] : memref<10000x128xf32, #tpu.memory_space<vmem_shared>> -> memref<80x128xf32, #tpu.memory_space<vmem_shared>>
    %dma_start3A_81 = arith.constant 0 : i32
    %dma_start3A_82 = tpu.memref_slice %arg13[%add3A_75, %dma_start3A_81] : memref<10000x128xf32, #tpu.memory_space<vmem_shared>> -> memref<80x128xf32, #tpu.memory_space<vmem_shared>>
    %dma_start3A_83 = arith.constant 0 : i32
    %dma_start3A_84 = arith.constant 0 : i32
    %dma_start3A_85 = tpu.memref_slice %arg10[%dma_start3A_83, %dma_start3A_84] : memref<80x128xf32, #tpu.memory_space<vmem>> -> memref<80x128xf32, #tpu.memory_space<vmem>>
    tpu.enqueue_dma source(%dma_start3A_85 : memref<80x128xf32, #tpu.memory_space<vmem>>) target(%dma_start3A_82 : memref<80x128xf32, #tpu.memory_space<vmem_shared>>) target_semaphore(%arg20 : memref<!tpu.dma_semaphore, #tpu.memory_space<semaphore_mem>>)
    %add3A_86 = arith.constant 480 : i32
    %add3A_87 = arith.addi %mul3A_13, %add3A_86 : i32
    %dma_start3A_88 = arith.constant 0 : i32
    %dma_start3A_89 = arith.constant 0 : i32
    %dma_start3A_90 = tpu.memref_slice %arg10[%dma_start3A_88, %dma_start3A_89] : memref<80x128xf32, #tpu.memory_space<vmem>> -> memref<80x128xf32, #tpu.memory_space<vmem>>
    %dma_start3A_91 = arith.constant 0 : i32
    %dma_start3A_92 = tpu.memref_slice %arg13[%add3A_87, %dma_start3A_91] : memref<10000x128xf32, #tpu.memory_space<vmem_shared>> -> memref<80x128xf32, #tpu.memory_space<vmem_shared>>
    %dma_start3A_93 = arith.constant 0 : i32
    %dma_start3A_94 = tpu.memref_slice %arg13[%add3A_87, %dma_start3A_93] : memref<10000x128xf32, #tpu.memory_space<vmem_shared>> -> memref<80x128xf32, #tpu.memory_space<vmem_shared>>
    %dma_start3A_95 = arith.constant 0 : i32
    %dma_start3A_96 = arith.constant 0 : i32
    %dma_start3A_97 = tpu.memref_slice %arg10[%dma_start3A_95, %dma_start3A_96] : memref<80x128xf32, #tpu.memory_space<vmem>> -> memref<80x128xf32, #tpu.memory_space<vmem>>
    tpu.enqueue_dma source(%dma_start3A_97 : memref<80x128xf32, #tpu.memory_space<vmem>>) target(%dma_start3A_94 : memref<80x128xf32, #tpu.memory_space<vmem_shared>>) target_semaphore(%arg20 : memref<!tpu.dma_semaphore, #tpu.memory_space<semaphore_mem>>)
    %add3A_98 = arith.constant 560 : i32
    %add3A_99 = arith.addi %mul3A_13, %add3A_98 : i32
    %dma_start3A_100 = arith.constant 0 : i32
    %dma_start3A_101 = arith.constant 0 : i32
    %dma_start3A_102 = tpu.memref_slice %arg10[%dma_start3A_100, %dma_start3A_101] : memref<80x128xf32, #tpu.memory_space<vmem>> -> memref<64x128xf32, #tpu.memory_space<vmem>>
    %dma_start3A_103 = arith.constant 0 : i32
    %dma_start3A_104 = tpu.memref_slice %arg13[%add3A_99, %dma_start3A_103] : memref<10000x128xf32, #tpu.memory_space<vmem_shared>> -> memref<64x128xf32, #tpu.memory_space<vmem_shared>>
    %dma_start3A_105 = arith.constant 0 : i32
    %dma_start3A_106 = tpu.memref_slice %arg13[%add3A_99, %dma_start3A_105] : memref<10000x128xf32, #tpu.memory_space<vmem_shared>> -> memref<64x128xf32, #tpu.memory_space<vmem_shared>>
    %dma_start3A_107 = arith.constant 0 : i32
    %dma_start3A_108 = arith.constant 0 : i32
    %dma_start3A_109 = tpu.memref_slice %arg10[%dma_start3A_107, %dma_start3A_108] : memref<80x128xf32, #tpu.memory_space<vmem>> -> memref<64x128xf32, #tpu.memory_space<vmem>>
    tpu.enqueue_dma source(%dma_start3A_109 : memref<64x128xf32, #tpu.memory_space<vmem>>) target(%dma_start3A_106 : memref<64x128xf32, #tpu.memory_space<vmem_shared>>) target_semaphore(%arg20 : memref<!tpu.dma_semaphore, #tpu.memory_space<semaphore_mem>>)
    %eq3A = arith.constant 15 : i32
    %eq3A_110 = arith.cmpi eq, %arg1, %eq3A : i32
    %convert_element_type3A = arith.extui %eq3A_110 : i1 to i32
    %cond3A = arith.constant 0 : i32
    %cond3A_111 = arith.cmpi ne, %convert_element_type3A, %cond3A : i32
    scf.if %cond3A_111 {
      %dma_start3A_250 = arith.constant 0 : i32
      %dma_start3A_251 = arith.constant 0 : i32
      %dma_start3A_252 = tpu.memref_slice %arg10[%dma_start3A_250, %dma_start3A_251] : memref<80x128xf32, #tpu.memory_space<vmem>> -> memref<16x128xf32, #tpu.memory_space<vmem>>
      %dma_start3A_253 = arith.constant 9984 : i32
      %dma_start3A_254 = arith.constant 0 : i32
      %dma_start3A_255 = tpu.memref_slice %arg13[%dma_start3A_253, %dma_start3A_254] : memref<10000x128xf32, #tpu.memory_space<vmem_shared>> -> memref<16x128xf32, #tpu.memory_space<vmem_shared>>
      %dma_start3A_256 = arith.constant 9984 : i32
      %dma_start3A_257 = arith.constant 0 : i32
      %dma_start3A_258 = tpu.memref_slice %arg13[%dma_start3A_256, %dma_start3A_257] : memref<10000x128xf32, #tpu.memory_space<vmem_shared>> -> memref<16x128xf32, #tpu.memory_space<vmem_shared>>
      %dma_start3A_259 = arith.constant 0 : i32
      %dma_start3A_260 = arith.constant 0 : i32
      %dma_start3A_261 = tpu.memref_slice %arg10[%dma_start3A_259, %dma_start3A_260] : memref<80x128xf32, #tpu.memory_space<vmem>> -> memref<16x128xf32, #tpu.memory_space<vmem>>
      tpu.enqueue_dma source(%dma_start3A_261 : memref<16x128xf32, #tpu.memory_space<vmem>>) target(%dma_start3A_258 : memref<16x128xf32, #tpu.memory_space<vmem_shared>>) target_semaphore(%arg20 : memref<!tpu.dma_semaphore, #tpu.memory_space<semaphore_mem>>)
      %dma_wait3A_262 = arith.constant 0 : i32
      %dma_wait3A_263 = arith.constant 0 : i32
      %dma_wait3A_264 = tpu.memref_slice %arg10[%dma_wait3A_262, %dma_wait3A_263] : memref<80x128xf32, #tpu.memory_space<vmem>> -> memref<16x128xf32, #tpu.memory_space<vmem>>
      %dma_wait3A_265 = arith.constant 9984 : i32
      %dma_wait3A_266 = arith.constant 0 : i32
      %dma_wait3A_267 = tpu.memref_slice %arg13[%dma_wait3A_265, %dma_wait3A_266] : memref<10000x128xf32, #tpu.memory_space<vmem_shared>> -> memref<16x128xf32, #tpu.memory_space<vmem_shared>>
      %dma_wait3A_268 = arith.constant 9984 : i32
      %dma_wait3A_269 = arith.constant 0 : i32
      %dma_wait3A_270 = tpu.memref_slice %arg13[%dma_wait3A_268, %dma_wait3A_269] : memref<10000x128xf32, #tpu.memory_space<vmem_shared>> -> memref<16x128xf32, #tpu.memory_space<vmem_shared>>
      %dma_wait3A_271 = arith.constant 0 : i32
      %dma_wait3A_272 = arith.constant 0 : i32
      %dma_wait3A_273 = tpu.memref_slice %arg10[%dma_wait3A_271, %dma_wait3A_272] : memref<80x128xf32, #tpu.memory_space<vmem>> -> memref<16x128xf32, #tpu.memory_space<vmem>>
      tpu.wait_dma2 semaphore(%arg20 : memref<!tpu.dma_semaphore, #tpu.memory_space<semaphore_mem>>) src(%dma_wait3A_273 : memref<16x128xf32, #tpu.memory_space<vmem>>) dst(%dma_wait3A_270 : memref<16x128xf32, #tpu.memory_space<vmem_shared>>)
    } else {
    }
    %dma_wait3A_112 = arith.constant 0 : i32
    %dma_wait3A_113 = arith.constant 0 : i32
    %dma_wait3A_114 = tpu.memref_slice %arg10[%dma_wait3A_112, %dma_wait3A_113] : memref<80x128xf32, #tpu.memory_space<vmem>> -> memref<80x128xf32, #tpu.memory_space<vmem>>
    %dma_wait3A_115 = arith.constant 0 : i32
    %dma_wait3A_116 = tpu.memref_slice %arg13[%add3A_15, %dma_wait3A_115] : memref<10000x128xf32, #tpu.memory_space<vmem_shared>> -> memref<80x128xf32, #tpu.memory_space<vmem_shared>>
    %dma_wait3A_117 = arith.constant 0 : i32
    %dma_wait3A_118 = tpu.memref_slice %arg13[%add3A_15, %dma_wait3A_117] : memref<10000x128xf32, #tpu.memory_space<vmem_shared>> -> memref<80x128xf32, #tpu.memory_space<vmem_shared>>
    %dma_wait3A_119 = arith.constant 0 : i32
    %dma_wait3A_120 = arith.constant 0 : i32
    %dma_wait3A_121 = tpu.memref_slice %arg10[%dma_wait3A_119, %dma_wait3A_120] : memref<80x128xf32, #tpu.memory_space<vmem>> -> memref<80x128xf32, #tpu.memory_space<vmem>>
    tpu.wait_dma2 semaphore(%arg20 : memref<!tpu.dma_semaphore, #tpu.memory_space<semaphore_mem>>) src(%dma_wait3A_121 : memref<80x128xf32, #tpu.memory_space<vmem>>) dst(%dma_wait3A_118 : memref<80x128xf32, #tpu.memory_space<vmem_shared>>)
    %dma_wait3A_122 = arith.constant 0 : i32
    %dma_wait3A_123 = arith.constant 0 : i32
    %dma_wait3A_124 = tpu.memref_slice %arg10[%dma_wait3A_122, %dma_wait3A_123] : memref<80x128xf32, #tpu.memory_space<vmem>> -> memref<80x128xf32, #tpu.memory_space<vmem>>
    %dma_wait3A_125 = arith.constant 0 : i32
    %dma_wait3A_126 = tpu.memref_slice %arg13[%add3A_27, %dma_wait3A_125] : memref<10000x128xf32, #tpu.memory_space<vmem_shared>> -> memref<80x128xf32, #tpu.memory_space<vmem_shared>>
    %dma_wait3A_127 = arith.constant 0 : i32
    %dma_wait3A_128 = tpu.memref_slice %arg13[%add3A_27, %dma_wait3A_127] : memref<10000x128xf32, #tpu.memory_space<vmem_shared>> -> memref<80x128xf32, #tpu.memory_space<vmem_shared>>
    %dma_wait3A_129 = arith.constant 0 : i32
    %dma_wait3A_130 = arith.constant 0 : i32
    %dma_wait3A_131 = tpu.memref_slice %arg10[%dma_wait3A_129, %dma_wait3A_130] : memref<80x128xf32, #tpu.memory_space<vmem>> -> memref<80x128xf32, #tpu.memory_space<vmem>>
    tpu.wait_dma2 semaphore(%arg20 : memref<!tpu.dma_semaphore, #tpu.memory_space<semaphore_mem>>) src(%dma_wait3A_131 : memref<80x128xf32, #tpu.memory_space<vmem>>) dst(%dma_wait3A_128 : memref<80x128xf32, #tpu.memory_space<vmem_shared>>)
    %dma_wait3A_132 = arith.constant 0 : i32
    %dma_wait3A_133 = arith.constant 0 : i32
    %dma_wait3A_134 = tpu.memref_slice %arg10[%dma_wait3A_132, %dma_wait3A_133] : memref<80x128xf32, #tpu.memory_space<vmem>> -> memref<80x128xf32, #tpu.memory_space<vmem>>
    %dma_wait3A_135 = arith.constant 0 : i32
    %dma_wait3A_136 = tpu.memref_slice %arg13[%add3A_39, %dma_wait3A_135] : memref<10000x128xf32, #tpu.memory_space<vmem_shared>> -> memref<80x128xf32, #tpu.memory_space<vmem_shared>>
    %dma_wait3A_137 = arith.constant 0 : i32
    %dma_wait3A_138 = tpu.memref_slice %arg13[%add3A_39, %dma_wait3A_137] : memref<10000x128xf32, #tpu.memory_space<vmem_shared>> -> memref<80x128xf32, #tpu.memory_space<vmem_shared>>
    %dma_wait3A_139 = arith.constant 0 : i32
    %dma_wait3A_140 = arith.constant 0 : i32
    %dma_wait3A_141 = tpu.memref_slice %arg10[%dma_wait3A_139, %dma_wait3A_140] : memref<80x128xf32, #tpu.memory_space<vmem>> -> memref<80x128xf32, #tpu.memory_space<vmem>>
    tpu.wait_dma2 semaphore(%arg20 : memref<!tpu.dma_semaphore, #tpu.memory_space<semaphore_mem>>) src(%dma_wait3A_141 : memref<80x128xf32, #tpu.memory_space<vmem>>) dst(%dma_wait3A_138 : memref<80x128xf32, #tpu.memory_space<vmem_shared>>)
    %dma_wait3A_142 = arith.constant 0 : i32
    %dma_wait3A_143 = arith.constant 0 : i32
    %dma_wait3A_144 = tpu.memref_slice %arg10[%dma_wait3A_142, %dma_wait3A_143] : memref<80x128xf32, #tpu.memory_space<vmem>> -> memref<80x128xf32, #tpu.memory_space<vmem>>
    %dma_wait3A_145 = arith.constant 0 : i32
    %dma_wait3A_146 = tpu.memref_slice %arg13[%add3A_51, %dma_wait3A_145] : memref<10000x128xf32, #tpu.memory_space<vmem_shared>> -> memref<80x128xf32, #tpu.memory_space<vmem_shared>>
    %dma_wait3A_147 = arith.constant 0 : i32
    %dma_wait3A_148 = tpu.memref_slice %arg13[%add3A_51, %dma_wait3A_147] : memref<10000x128xf32, #tpu.memory_space<vmem_shared>> -> memref<80x128xf32, #tpu.memory_space<vmem_shared>>
    %dma_wait3A_149 = arith.constant 0 : i32
    %dma_wait3A_150 = arith.constant 0 : i32
    %dma_wait3A_151 = tpu.memref_slice %arg10[%dma_wait3A_149, %dma_wait3A_150] : memref<80x128xf32, #tpu.memory_space<vmem>> -> memref<80x128xf32, #tpu.memory_space<vmem>>
    tpu.wait_dma2 semaphore(%arg20 : memref<!tpu.dma_semaphore, #tpu.memory_space<semaphore_mem>>) src(%dma_wait3A_151 : memref<80x128xf32, #tpu.memory_space<vmem>>) dst(%dma_wait3A_148 : memref<80x128xf32, #tpu.memory_space<vmem_shared>>)
    %dma_wait3A_152 = arith.constant 0 : i32
    %dma_wait3A_153 = arith.constant 0 : i32
    %dma_wait3A_154 = tpu.memref_slice %arg10[%dma_wait3A_152, %dma_wait3A_153] : memref<80x128xf32, #tpu.memory_space<vmem>> -> memref<80x128xf32, #tpu.memory_space<vmem>>
    %dma_wait3A_155 = arith.constant 0 : i32
    %dma_wait3A_156 = tpu.memref_slice %arg13[%add3A_63, %dma_wait3A_155] : memref<10000x128xf32, #tpu.memory_space<vmem_shared>> -> memref<80x128xf32, #tpu.memory_space<vmem_shared>>
    %dma_wait3A_157 = arith.constant 0 : i32
    %dma_wait3A_158 = tpu.memref_slice %arg13[%add3A_63, %dma_wait3A_157] : memref<10000x128xf32, #tpu.memory_space<vmem_shared>> -> memref<80x128xf32, #tpu.memory_space<vmem_shared>>
    %dma_wait3A_159 = arith.constant 0 : i32
    %dma_wait3A_160 = arith.constant 0 : i32
    %dma_wait3A_161 = tpu.memref_slice %arg10[%dma_wait3A_159, %dma_wait3A_160] : memref<80x128xf32, #tpu.memory_space<vmem>> -> memref<80x128xf32, #tpu.memory_space<vmem>>
    tpu.wait_dma2 semaphore(%arg20 : memref<!tpu.dma_semaphore, #tpu.memory_space<semaphore_mem>>) src(%dma_wait3A_161 : memref<80x128xf32, #tpu.memory_space<vmem>>) dst(%dma_wait3A_158 : memref<80x128xf32, #tpu.memory_space<vmem_shared>>)
    %dma_wait3A_162 = arith.constant 0 : i32
    %dma_wait3A_163 = arith.constant 0 : i32
    %dma_wait3A_164 = tpu.memref_slice %arg10[%dma_wait3A_162, %dma_wait3A_163] : memref<80x128xf32, #tpu.memory_space<vmem>> -> memref<80x128xf32, #tpu.memory_space<vmem>>
    %dma_wait3A_165 = arith.constant 0 : i32
    %dma_wait3A_166 = tpu.memref_slice %arg13[%add3A_75, %dma_wait3A_165] : memref<10000x128xf32, #tpu.memory_space<vmem_shared>> -> memref<80x128xf32, #tpu.memory_space<vmem_shared>>
    %dma_wait3A_167 = arith.constant 0 : i32
    %dma_wait3A_168 = tpu.memref_slice %arg13[%add3A_75, %dma_wait3A_167] : memref<10000x128xf32, #tpu.memory_space<vmem_shared>> -> memref<80x128xf32, #tpu.memory_space<vmem_shared>>
    %dma_wait3A_169 = arith.constant 0 : i32
    %dma_wait3A_170 = arith.constant 0 : i32
    %dma_wait3A_171 = tpu.memref_slice %arg10[%dma_wait3A_169, %dma_wait3A_170] : memref<80x128xf32, #tpu.memory_space<vmem>> -> memref<80x128xf32, #tpu.memory_space<vmem>>
    tpu.wait_dma2 semaphore(%arg20 : memref<!tpu.dma_semaphore, #tpu.memory_space<semaphore_mem>>) src(%dma_wait3A_171 : memref<80x128xf32, #tpu.memory_space<vmem>>) dst(%dma_wait3A_168 : memref<80x128xf32, #tpu.memory_space<vmem_shared>>)
    %dma_wait3A_172 = arith.constant 0 : i32
    %dma_wait3A_173 = arith.constant 0 : i32
    %dma_wait3A_174 = tpu.memref_slice %arg10[%dma_wait3A_172, %dma_wait3A_173] : memref<80x128xf32, #tpu.memory_space<vmem>> -> memref<80x128xf32, #tpu.memory_space<vmem>>
    %dma_wait3A_175 = arith.constant 0 : i32
    %dma_wait3A_176 = tpu.memref_slice %arg13[%add3A_87, %dma_wait3A_175] : memref<10000x128xf32, #tpu.memory_space<vmem_shared>> -> memref<80x128xf32, #tpu.memory_space<vmem_shared>>
    %dma_wait3A_177 = arith.constant 0 : i32
    %dma_wait3A_178 = tpu.memref_slice %arg13[%add3A_87, %dma_wait3A_177] : memref<10000x128xf32, #tpu.memory_space<vmem_shared>> -> memref<80x128xf32, #tpu.memory_space<vmem_shared>>
    %dma_wait3A_179 = arith.constant 0 : i32
    %dma_wait3A_180 = arith.constant 0 : i32
    %dma_wait3A_181 = tpu.memref_slice %arg10[%dma_wait3A_179, %dma_wait3A_180] : memref<80x128xf32, #tpu.memory_space<vmem>> -> memref<80x128xf32, #tpu.memory_space<vmem>>
    tpu.wait_dma2 semaphore(%arg20 : memref<!tpu.dma_semaphore, #tpu.memory_space<semaphore_mem>>) src(%dma_wait3A_181 : memref<80x128xf32, #tpu.memory_space<vmem>>) dst(%dma_wait3A_178 : memref<80x128xf32, #tpu.memory_space<vmem_shared>>)
    %dma_wait3A_182 = arith.constant 0 : i32
    %dma_wait3A_183 = arith.constant 0 : i32
    %dma_wait3A_184 = tpu.memref_slice %arg10[%dma_wait3A_182, %dma_wait3A_183] : memref<80x128xf32, #tpu.memory_space<vmem>> -> memref<64x128xf32, #tpu.memory_space<vmem>>
    %dma_wait3A_185 = arith.constant 0 : i32
    %dma_wait3A_186 = tpu.memref_slice %arg13[%add3A_99, %dma_wait3A_185] : memref<10000x128xf32, #tpu.memory_space<vmem_shared>> -> memref<64x128xf32, #tpu.memory_space<vmem_shared>>
    %dma_wait3A_187 = arith.constant 0 : i32
    %dma_wait3A_188 = tpu.memref_slice %arg13[%add3A_99, %dma_wait3A_187] : memref<10000x128xf32, #tpu.memory_space<vmem_shared>> -> memref<64x128xf32, #tpu.memory_space<vmem_shared>>
    %dma_wait3A_189 = arith.constant 0 : i32
    %dma_wait3A_190 = arith.constant 0 : i32
    %dma_wait3A_191 = tpu.memref_slice %arg10[%dma_wait3A_189, %dma_wait3A_190] : memref<80x128xf32, #tpu.memory_space<vmem>> -> memref<64x128xf32, #tpu.memory_space<vmem>>
    tpu.wait_dma2 semaphore(%arg20 : memref<!tpu.dma_semaphore, #tpu.memory_space<semaphore_mem>>) src(%dma_wait3A_191 : memref<64x128xf32, #tpu.memory_space<vmem>>) dst(%dma_wait3A_188 : memref<64x128xf32, #tpu.memory_space<vmem_shared>>)
    %barrier3A = arith.constant 0 : index
    tpu.barrier barrier_id(%barrier3A)
    %add3A_192 = arith.constant 0 : i32
    %add3A_193 = arith.addi %mul3A_2, %add3A_192 : i32
    %dma_start3A_194 = tpu.memref_slice %arg4[%add3A_193] : memref<320000xi32, #tpu.memory_space<hbm>> -> memref<80xi32, #tpu.memory_space<hbm>>
    %dma_start3A_195 = tpu.memref_slice %arg4[%add3A_193] : memref<320000xi32, #tpu.memory_space<hbm>> -> memref<80xi32, #tpu.memory_space<hbm>>
    tpu.enqueue_dma source(%dma_start3A_195 : memref<80xi32, #tpu.memory_space<hbm>>) target(%arg7 : memref<80xi32, #tpu.memory_space<vmem>>) target_semaphore(%arg14 : memref<!tpu.dma_semaphore, #tpu.memory_space<semaphore_mem>>)
    %dma_start3A_196 = arith.constant 0 : i32
    %dma_start3A_197 = tpu.memref_slice %arg6[%dma_start3A_196] : memref<10000xi32, #tpu.memory_space<vmem>> -> memref<80xi32, #tpu.memory_space<vmem>>
    %dma_start3A_198 = arith.constant 0 : i32
    %dma_start3A_199 = arith.constant 0 : i32
    %dma_start3A_200 = tpu.memref_slice %arg2[%dma_start3A_198, %dma_start3A_199] : memref<10000x128xf32, #tpu.memory_space<hbm>> -> memref<10000x128xf32, #tpu.memory_space<hbm>>
    tpu.enqueue_indirect_dma source(%dma_start3A_200 : memref<10000x128xf32, #tpu.memory_space<hbm>>) target(%arg10 : memref<80x128xf32, #tpu.memory_space<vmem>>) offsets(%dma_start3A_197 : memref<80xi32, #tpu.memory_space<vmem>>) semaphore(%arg17 : memref<!tpu.dma_semaphore, #tpu.memory_space<semaphore_mem>>)
    %add3A_201 = arith.constant 80 : i32
    %add3A_202 = arith.addi %mul3A_2, %add3A_201 : i32
    %dma_start3A_203 = tpu.memref_slice %arg4[%add3A_202] : memref<320000xi32, #tpu.memory_space<hbm>> -> memref<80xi32, #tpu.memory_space<hbm>>
    %dma_start3A_204 = tpu.memref_slice %arg4[%add3A_202] : memref<320000xi32, #tpu.memory_space<hbm>> -> memref<80xi32, #tpu.memory_space<hbm>>
    tpu.enqueue_dma source(%dma_start3A_204 : memref<80xi32, #tpu.memory_space<hbm>>) target(%arg8 : memref<80xi32, #tpu.memory_space<vmem>>) target_semaphore(%arg15 : memref<!tpu.dma_semaphore, #tpu.memory_space<semaphore_mem>>)
    %dma_start3A_205 = arith.constant 80 : i32
    %dma_start3A_206 = tpu.memref_slice %arg6[%dma_start3A_205] : memref<10000xi32, #tpu.memory_space<vmem>> -> memref<80xi32, #tpu.memory_space<vmem>>
    %dma_start3A_207 = arith.constant 0 : i32
    %dma_start3A_208 = arith.constant 0 : i32
    %dma_start3A_209 = tpu.memref_slice %arg2[%dma_start3A_207, %dma_start3A_208] : memref<10000x128xf32, #tpu.memory_space<hbm>> -> memref<10000x128xf32, #tpu.memory_space<hbm>>
    tpu.enqueue_indirect_dma source(%dma_start3A_209 : memref<10000x128xf32, #tpu.memory_space<hbm>>) target(%arg11 : memref<80x128xf32, #tpu.memory_space<vmem>>) offsets(%dma_start3A_206 : memref<80xi32, #tpu.memory_space<vmem>>) semaphore(%arg18 : memref<!tpu.dma_semaphore, #tpu.memory_space<semaphore_mem>>)
    %add3A_210 = arith.constant 160 : i32
    %add3A_211 = arith.addi %mul3A_2, %add3A_210 : i32
    %dma_start3A_212 = tpu.memref_slice %arg4[%add3A_211] : memref<320000xi32, #tpu.memory_space<hbm>> -> memref<80xi32, #tpu.memory_space<hbm>>
    %dma_start3A_213 = tpu.memref_slice %arg4[%add3A_211] : memref<320000xi32, #tpu.memory_space<hbm>> -> memref<80xi32, #tpu.memory_space<hbm>>
    tpu.enqueue_dma source(%dma_start3A_213 : memref<80xi32, #tpu.memory_space<hbm>>) target(%arg9 : memref<80xi32, #tpu.memory_space<vmem>>) target_semaphore(%arg16 : memref<!tpu.dma_semaphore, #tpu.memory_space<semaphore_mem>>)
    %dma_start3A_214 = arith.constant 160 : i32
    %dma_start3A_215 = tpu.memref_slice %arg6[%dma_start3A_214] : memref<10000xi32, #tpu.memory_space<vmem>> -> memref<80xi32, #tpu.memory_space<vmem>>
    %dma_start3A_216 = arith.constant 0 : i32
    %dma_start3A_217 = arith.constant 0 : i32
    %dma_start3A_218 = tpu.memref_slice %arg2[%dma_start3A_216, %dma_start3A_217] : memref<10000x128xf32, #tpu.memory_space<hbm>> -> memref<10000x128xf32, #tpu.memory_space<hbm>>
    tpu.enqueue_indirect_dma source(%dma_start3A_218 : memref<10000x128xf32, #tpu.memory_space<hbm>>) target(%arg12 : memref<80x128xf32, #tpu.memory_space<vmem>>) offsets(%dma_start3A_215 : memref<80xi32, #tpu.memory_space<vmem>>) semaphore(%arg19 : memref<!tpu.dma_semaphore, #tpu.memory_space<semaphore_mem>>)
    %scan3A_219 = arith.constant 0 : i32
    %scan3A_220 = arith.constant 0 : i32
    %scan3A_221 = arith.constant 41 : i32
    %scan3A_222 = arith.addi %scan3A_220, %scan3A_221 : i32
    %scan3A_223 = arith.constant 1 : i32
    %scan3A_224 = scf.for %scan3A_250 = %scan3A_220 to %scan3A_222 step %scan3A_223 iter_args(%scan3A_251 = %scan3A_219) -> (i32)  : i32 {
      %mul3A_252 = arith.constant 3 : i32
      %mul3A_253 = arith.muli %scan3A_250, %mul3A_252 : i32
      %add3A_254 = arith.constant 0 : i32
      %add3A_255 = arith.addi %mul3A_253, %add3A_254 : i32
      %mul3A_256 = arith.constant 80 : i32
      %mul3A_257 = arith.muli %add3A_255, %mul3A_256 : i32
      %add3A_258 = arith.addi %mul3A_2, %mul3A_257 : i32
      %dma_wait3A_259 = tpu.memref_slice %arg4[%add3A_258] : memref<320000xi32, #tpu.memory_space<hbm>> -> memref<80xi32, #tpu.memory_space<hbm>>
      %dma_wait3A_260 = tpu.memref_slice %arg4[%add3A_258] : memref<320000xi32, #tpu.memory_space<hbm>> -> memref<80xi32, #tpu.memory_space<hbm>>
      tpu.wait_dma2 semaphore(%arg14 : memref<!tpu.dma_semaphore, #tpu.memory_space<semaphore_mem>>) src(%dma_wait3A_260 : memref<80xi32, #tpu.memory_space<hbm>>) dst(%arg7 : memref<80xi32, #tpu.memory_space<vmem>>)
      %mul3A_261 = arith.constant 80 : i32
      %mul3A_262 = arith.muli %add3A_255, %mul3A_261 : i32
      %dma_wait3A_263 = tpu.memref_slice %arg6[%mul3A_262] : memref<10000xi32, #tpu.memory_space<vmem>> -> memref<80xi32, #tpu.memory_space<vmem>>
      %dma_wait3A_264 = arith.constant 0 : i32
      %dma_wait3A_265 = arith.constant 0 : i32
      %dma_wait3A_266 = tpu.memref_slice %arg2[%dma_wait3A_264, %dma_wait3A_265] : memref<10000x128xf32, #tpu.memory_space<hbm>> -> memref<10000x128xf32, #tpu.memory_space<hbm>>
      tpu.wait_indirect_dma semaphore(%arg17 : memref<!tpu.dma_semaphore, #tpu.memory_space<semaphore_mem>>) src(%dma_wait3A_266 : memref<10000x128xf32, #tpu.memory_space<hbm>>) dst(%arg10 : memref<80x128xf32, #tpu.memory_space<vmem>>)
      "tpu.region"() ({
        %run_scoped3A = tpu.sem_alloc : memref<!tpu.dma_semaphore, #tpu.memory_space<semaphore_mem>>
        %dma_start3A_318 = arith.constant 0 : i32
        %dma_start3A_319 = arith.constant 0 : i32
        %dma_start3A_320 = tpu.memref_slice %arg13[%dma_start3A_318, %dma_start3A_319] : memref<10000x128xf32, #tpu.memory_space<vmem_shared>> -> memref<10000x128xf32, #tpu.memory_space<vmem_shared>>
        tpu.enqueue_indirect_dma source(%arg10 : memref<80x128xf32, #tpu.memory_space<vmem>>) target(%dma_start3A_320 : memref<10000x128xf32, #tpu.memory_space<vmem_shared>>) offsets(%arg7 : memref<80xi32, #tpu.memory_space<vmem>>) semaphore(%run_scoped3A : memref<!tpu.dma_semaphore, #tpu.memory_space<semaphore_mem>>) {add = true}
        %dma_wait3A_321 = arith.constant 0 : i32
        %dma_wait3A_322 = arith.constant 0 : i32
        %dma_wait3A_323 = tpu.memref_slice %arg13[%dma_wait3A_321, %dma_wait3A_322] : memref<10000x128xf32, #tpu.memory_space<vmem_shared>> -> memref<10000x128xf32, #tpu.memory_space<vmem_shared>>
        tpu.wait_indirect_dma semaphore(%run_scoped3A : memref<!tpu.dma_semaphore, #tpu.memory_space<semaphore_mem>>) src(%arg10 : memref<80x128xf32, #tpu.memory_space<vmem>>) dst(%dma_wait3A_323 : memref<10000x128xf32, #tpu.memory_space<vmem_shared>>)
        tpu.yield
      }) : () -> ()
      %add3A_267 = arith.constant 3 : i32
      %add3A_268 = arith.addi %add3A_255, %add3A_267 : i32
      %lt3A = arith.constant 125 : i32
      %lt3A_269 = arith.cmpi slt, %add3A_268, %lt3A : i32
      %convert_element_type3A_270 = arith.extui %lt3A_269 : i1 to i32
      %cond3A_271 = arith.constant 0 : i32
      %cond3A_272 = arith.cmpi ne, %convert_element_type3A_270, %cond3A_271 : i32
      scf.if %cond3A_272 {
        %mul3A_318 = arith.constant 80 : i32
        %mul3A_319 = arith.muli %add3A_268, %mul3A_318 : i32
        %add3A_320 = arith.addi %mul3A_2, %mul3A_319 : i32
        %dma_start3A_321 = tpu.memref_slice %arg4[%add3A_320] : memref<320000xi32, #tpu.memory_space<hbm>> -> memref<80xi32, #tpu.memory_space<hbm>>
        %dma_start3A_322 = tpu.memref_slice %arg4[%add3A_320] : memref<320000xi32, #tpu.memory_space<hbm>> -> memref<80xi32, #tpu.memory_space<hbm>>
        tpu.enqueue_dma source(%dma_start3A_322 : memref<80xi32, #tpu.memory_space<hbm>>) target(%arg7 : memref<80xi32, #tpu.memory_space<vmem>>) target_semaphore(%arg14 : memref<!tpu.dma_semaphore, #tpu.memory_space<semaphore_mem>>)
        %mul3A_323 = arith.constant 80 : i32
        %mul3A_324 = arith.muli %add3A_268, %mul3A_323 : i32
        %dma_start3A_325 = tpu.memref_slice %arg6[%mul3A_324] : memref<10000xi32, #tpu.memory_space<vmem>> -> memref<80xi32, #tpu.memory_space<vmem>>
        %dma_start3A_326 = arith.constant 0 : i32
        %dma_start3A_327 = arith.constant 0 : i32
        %dma_start3A_328 = tpu.memref_slice %arg2[%dma_start3A_326, %dma_start3A_327] : memref<10000x128xf32, #tpu.memory_space<hbm>> -> memref<10000x128xf32, #tpu.memory_space<hbm>>
        tpu.enqueue_indirect_dma source(%dma_start3A_328 : memref<10000x128xf32, #tpu.memory_space<hbm>>) target(%arg10 : memref<80x128xf32, #tpu.memory_space<vmem>>) offsets(%dma_start3A_325 : memref<80xi32, #tpu.memory_space<vmem>>) semaphore(%arg17 : memref<!tpu.dma_semaphore, #tpu.memory_space<semaphore_mem>>)
      } else {
      }
      %mul3A_273 = arith.constant 3 : i32
      %mul3A_274 = arith.muli %scan3A_250, %mul3A_273 : i32
      %add3A_275 = arith.constant 1 : i32
      %add3A_276 = arith.addi %mul3A_274, %add3A_275 : i32
      %mul3A_277 = arith.constant 80 : i32
      %mul3A_278 = arith.muli %add3A_276, %mul3A_277 : i32
      %add3A_279 = arith.addi %mul3A_2, %mul3A_278 : i32
      %dma_wait3A_280 = tpu.memref_slice %arg4[%add3A_279] : memref<320000xi32, #tpu.memory_space<hbm>> -> memref<80xi32, #tpu.memory_space<hbm>>
      %dma_wait3A_281 = tpu.memref_slice %arg4[%add3A_279] : memref<320000xi32, #tpu.memory_space<hbm>> -> memref<80xi32, #tpu.memory_space<hbm>>
      tpu.wait_dma2 semaphore(%arg15 : memref<!tpu.dma_semaphore, #tpu.memory_space<semaphore_mem>>) src(%dma_wait3A_281 : memref<80xi32, #tpu.memory_space<hbm>>) dst(%arg8 : memref<80xi32, #tpu.memory_space<vmem>>)
      %mul3A_282 = arith.constant 80 : i32
      %mul3A_283 = arith.muli %add3A_276, %mul3A_282 : i32
      %dma_wait3A_284 = tpu.memref_slice %arg6[%mul3A_283] : memref<10000xi32, #tpu.memory_space<vmem>> -> memref<80xi32, #tpu.memory_space<vmem>>
      %dma_wait3A_285 = arith.constant 0 : i32
      %dma_wait3A_286 = arith.constant 0 : i32
      %dma_wait3A_287 = tpu.memref_slice %arg2[%dma_wait3A_285, %dma_wait3A_286] : memref<10000x128xf32, #tpu.memory_space<hbm>> -> memref<10000x128xf32, #tpu.memory_space<hbm>>
      tpu.wait_indirect_dma semaphore(%arg18 : memref<!tpu.dma_semaphore, #tpu.memory_space<semaphore_mem>>) src(%dma_wait3A_287 : memref<10000x128xf32, #tpu.memory_space<hbm>>) dst(%arg11 : memref<80x128xf32, #tpu.memory_space<vmem>>)
      "tpu.region"() ({
        %run_scoped3A = tpu.sem_alloc : memref<!tpu.dma_semaphore, #tpu.memory_space<semaphore_mem>>
        %dma_start3A_318 = arith.constant 0 : i32
        %dma_start3A_319 = arith.constant 0 : i32
        %dma_start3A_320 = tpu.memref_slice %arg13[%dma_start3A_318, %dma_start3A_319] : memref<10000x128xf32, #tpu.memory_space<vmem_shared>> -> memref<10000x128xf32, #tpu.memory_space<vmem_shared>>
        tpu.enqueue_indirect_dma source(%arg11 : memref<80x128xf32, #tpu.memory_space<vmem>>) target(%dma_start3A_320 : memref<10000x128xf32, #tpu.memory_space<vmem_shared>>) offsets(%arg8 : memref<80xi32, #tpu.memory_space<vmem>>) semaphore(%run_scoped3A : memref<!tpu.dma_semaphore, #tpu.memory_space<semaphore_mem>>) {add = true}
        %dma_wait3A_321 = arith.constant 0 : i32
        %dma_wait3A_322 = arith.constant 0 : i32
        %dma_wait3A_323 = tpu.memref_slice %arg13[%dma_wait3A_321, %dma_wait3A_322] : memref<10000x128xf32, #tpu.memory_space<vmem_shared>> -> memref<10000x128xf32, #tpu.memory_space<vmem_shared>>
        tpu.wait_indirect_dma semaphore(%run_scoped3A : memref<!tpu.dma_semaphore, #tpu.memory_space<semaphore_mem>>) src(%arg11 : memref<80x128xf32, #tpu.memory_space<vmem>>) dst(%dma_wait3A_323 : memref<10000x128xf32, #tpu.memory_space<vmem_shared>>)
        tpu.yield
      }) : () -> ()
      %add3A_288 = arith.constant 3 : i32
      %add3A_289 = arith.addi %add3A_276, %add3A_288 : i32
      %lt3A_290 = arith.constant 125 : i32
      %lt3A_291 = arith.cmpi slt, %add3A_289, %lt3A_290 : i32
      %convert_element_type3A_292 = arith.extui %lt3A_291 : i1 to i32
      %cond3A_293 = arith.constant 0 : i32
      %cond3A_294 = arith.cmpi ne, %convert_element_type3A_292, %cond3A_293 : i32
      scf.if %cond3A_294 {
        %mul3A_318 = arith.constant 80 : i32
        %mul3A_319 = arith.muli %add3A_289, %mul3A_318 : i32
        %add3A_320 = arith.addi %mul3A_2, %mul3A_319 : i32
        %dma_start3A_321 = tpu.memref_slice %arg4[%add3A_320] : memref<320000xi32, #tpu.memory_space<hbm>> -> memref<80xi32, #tpu.memory_space<hbm>>
        %dma_start3A_322 = tpu.memref_slice %arg4[%add3A_320] : memref<320000xi32, #tpu.memory_space<hbm>> -> memref<80xi32, #tpu.memory_space<hbm>>
        tpu.enqueue_dma source(%dma_start3A_322 : memref<80xi32, #tpu.memory_space<hbm>>) target(%arg8 : memref<80xi32, #tpu.memory_space<vmem>>) target_semaphore(%arg15 : memref<!tpu.dma_semaphore, #tpu.memory_space<semaphore_mem>>)
        %mul3A_323 = arith.constant 80 : i32
        %mul3A_324 = arith.muli %add3A_289, %mul3A_323 : i32
        %dma_start3A_325 = tpu.memref_slice %arg6[%mul3A_324] : memref<10000xi32, #tpu.memory_space<vmem>> -> memref<80xi32, #tpu.memory_space<vmem>>
        %dma_start3A_326 = arith.constant 0 : i32
        %dma_start3A_327 = arith.constant 0 : i32
        %dma_start3A_328 = tpu.memref_slice %arg2[%dma_start3A_326, %dma_start3A_327] : memref<10000x128xf32, #tpu.memory_space<hbm>> -> memref<10000x128xf32, #tpu.memory_space<hbm>>
        tpu.enqueue_indirect_dma source(%dma_start3A_328 : memref<10000x128xf32, #tpu.memory_space<hbm>>) target(%arg11 : memref<80x128xf32, #tpu.memory_space<vmem>>) offsets(%dma_start3A_325 : memref<80xi32, #tpu.memory_space<vmem>>) semaphore(%arg18 : memref<!tpu.dma_semaphore, #tpu.memory_space<semaphore_mem>>)
      } else {
      }
      %mul3A_295 = arith.constant 3 : i32
      %mul3A_296 = arith.muli %scan3A_250, %mul3A_295 : i32
      %add3A_297 = arith.constant 2 : i32
      %add3A_298 = arith.addi %mul3A_296, %add3A_297 : i32
      %mul3A_299 = arith.constant 80 : i32
      %mul3A_300 = arith.muli %add3A_298, %mul3A_299 : i32
      %add3A_301 = arith.addi %mul3A_2, %mul3A_300 : i32
      %dma_wait3A_302 = tpu.memref_slice %arg4[%add3A_301] : memref<320000xi32, #tpu.memory_space<hbm>> -> memref<80xi32, #tpu.memory_space<hbm>>
      %dma_wait3A_303 = tpu.memref_slice %arg4[%add3A_301] : memref<320000xi32, #tpu.memory_space<hbm>> -> memref<80xi32, #tpu.memory_space<hbm>>
      tpu.wait_dma2 semaphore(%arg16 : memref<!tpu.dma_semaphore, #tpu.memory_space<semaphore_mem>>) src(%dma_wait3A_303 : memref<80xi32, #tpu.memory_space<hbm>>) dst(%arg9 : memref<80xi32, #tpu.memory_space<vmem>>)
      %mul3A_304 = arith.constant 80 : i32
      %mul3A_305 = arith.muli %add3A_298, %mul3A_304 : i32
      %dma_wait3A_306 = tpu.memref_slice %arg6[%mul3A_305] : memref<10000xi32, #tpu.memory_space<vmem>> -> memref<80xi32, #tpu.memory_space<vmem>>
      %dma_wait3A_307 = arith.constant 0 : i32
      %dma_wait3A_308 = arith.constant 0 : i32
      %dma_wait3A_309 = tpu.memref_slice %arg2[%dma_wait3A_307, %dma_wait3A_308] : memref<10000x128xf32, #tpu.memory_space<hbm>> -> memref<10000x128xf32, #tpu.memory_space<hbm>>
      tpu.wait_indirect_dma semaphore(%arg19 : memref<!tpu.dma_semaphore, #tpu.memory_space<semaphore_mem>>) src(%dma_wait3A_309 : memref<10000x128xf32, #tpu.memory_space<hbm>>) dst(%arg12 : memref<80x128xf32, #tpu.memory_space<vmem>>)
      "tpu.region"() ({
        %run_scoped3A = tpu.sem_alloc : memref<!tpu.dma_semaphore, #tpu.memory_space<semaphore_mem>>
        %dma_start3A_318 = arith.constant 0 : i32
        %dma_start3A_319 = arith.constant 0 : i32
        %dma_start3A_320 = tpu.memref_slice %arg13[%dma_start3A_318, %dma_start3A_319] : memref<10000x128xf32, #tpu.memory_space<vmem_shared>> -> memref<10000x128xf32, #tpu.memory_space<vmem_shared>>
        tpu.enqueue_indirect_dma source(%arg12 : memref<80x128xf32, #tpu.memory_space<vmem>>) target(%dma_start3A_320 : memref<10000x128xf32, #tpu.memory_space<vmem_shared>>) offsets(%arg9 : memref<80xi32, #tpu.memory_space<vmem>>) semaphore(%run_scoped3A : memref<!tpu.dma_semaphore, #tpu.memory_space<semaphore_mem>>) {add = true}
        %dma_wait3A_321 = arith.constant 0 : i32
        %dma_wait3A_322 = arith.constant 0 : i32
        %dma_wait3A_323 = tpu.memref_slice %arg13[%dma_wait3A_321, %dma_wait3A_322] : memref<10000x128xf32, #tpu.memory_space<vmem_shared>> -> memref<10000x128xf32, #tpu.memory_space<vmem_shared>>
        tpu.wait_indirect_dma semaphore(%run_scoped3A : memref<!tpu.dma_semaphore, #tpu.memory_space<semaphore_mem>>) src(%arg12 : memref<80x128xf32, #tpu.memory_space<vmem>>) dst(%dma_wait3A_323 : memref<10000x128xf32, #tpu.memory_space<vmem_shared>>)
        tpu.yield
      }) : () -> ()
      %add3A_310 = arith.constant 3 : i32
      %add3A_311 = arith.addi %add3A_298, %add3A_310 : i32
      %lt3A_312 = arith.constant 125 : i32
      %lt3A_313 = arith.cmpi slt, %add3A_311, %lt3A_312 : i32
      %convert_element_type3A_314 = arith.extui %lt3A_313 : i1 to i32
      %cond3A_315 = arith.constant 0 : i32
      %cond3A_316 = arith.cmpi ne, %convert_element_type3A_314, %cond3A_315 : i32
      scf.if %cond3A_316 {
        %mul3A_318 = arith.constant 80 : i32
        %mul3A_319 = arith.muli %add3A_311, %mul3A_318 : i32
        %add3A_320 = arith.addi %mul3A_2, %mul3A_319 : i32
        %dma_start3A_321 = tpu.memref_slice %arg4[%add3A_320] : memref<320000xi32, #tpu.memory_space<hbm>> -> memref<80xi32, #tpu.memory_space<hbm>>
        %dma_start3A_322 = tpu.memref_slice %arg4[%add3A_320] : memref<320000xi32, #tpu.memory_space<hbm>> -> memref<80xi32, #tpu.memory_space<hbm>>
        tpu.enqueue_dma source(%dma_start3A_322 : memref<80xi32, #tpu.memory_space<hbm>>) target(%arg9 : memref<80xi32, #tpu.memory_space<vmem>>) target_semaphore(%arg16 : memref<!tpu.dma_semaphore, #tpu.memory_space<semaphore_mem>>)
        %mul3A_323 = arith.constant 80 : i32
        %mul3A_324 = arith.muli %add3A_311, %mul3A_323 : i32
        %dma_start3A_325 = tpu.memref_slice %arg6[%mul3A_324] : memref<10000xi32, #tpu.memory_space<vmem>> -> memref<80xi32, #tpu.memory_space<vmem>>
        %dma_start3A_326 = arith.constant 0 : i32
        %dma_start3A_327 = arith.constant 0 : i32
        %dma_start3A_328 = tpu.memref_slice %arg2[%dma_start3A_326, %dma_start3A_327] : memref<10000x128xf32, #tpu.memory_space<hbm>> -> memref<10000x128xf32, #tpu.memory_space<hbm>>
        tpu.enqueue_indirect_dma source(%dma_start3A_328 : memref<10000x128xf32, #tpu.memory_space<hbm>>) target(%arg12 : memref<80x128xf32, #tpu.memory_space<vmem>>) offsets(%dma_start3A_325 : memref<80xi32, #tpu.memory_space<vmem>>) semaphore(%arg19 : memref<!tpu.dma_semaphore, #tpu.memory_space<semaphore_mem>>)
      } else {
      }
      %scan3A_317 = arith.constant 0 : i32
      scf.yield %scan3A_317 : i32
    }
    %scan3A_225 = arith.constant 41 : i32
    %add3A_226 = arith.constant 9840 : i32
    %add3A_227 = arith.addi %mul3A_2, %add3A_226 : i32
    %dma_wait3A_228 = tpu.memref_slice %arg4[%add3A_227] : memref<320000xi32, #tpu.memory_space<hbm>> -> memref<80xi32, #tpu.memory_space<hbm>>
    %dma_wait3A_229 = tpu.memref_slice %arg4[%add3A_227] : memref<320000xi32, #tpu.memory_space<hbm>> -> memref<80xi32, #tpu.memory_space<hbm>>
    tpu.wait_dma2 semaphore(%arg14 : memref<!tpu.dma_semaphore, #tpu.memory_space<semaphore_mem>>) src(%dma_wait3A_229 : memref<80xi32, #tpu.memory_space<hbm>>) dst(%arg7 : memref<80xi32, #tpu.memory_space<vmem>>)
    %dma_wait3A_230 = arith.constant 9840 : i32
    %dma_wait3A_231 = tpu.memref_slice %arg6[%dma_wait3A_230] : memref<10000xi32, #tpu.memory_space<vmem>> -> memref<80xi32, #tpu.memory_space<vmem>>
    %dma_wait3A_232 = arith.constant 0 : i32
    %dma_wait3A_233 = arith.constant 0 : i32
    %dma_wait3A_234 = tpu.memref_slice %arg2[%dma_wait3A_232, %dma_wait3A_233] : memref<10000x128xf32, #tpu.memory_space<hbm>> -> memref<10000x128xf32, #tpu.memory_space<hbm>>
    tpu.wait_indirect_dma semaphore(%arg17 : memref<!tpu.dma_semaphore, #tpu.memory_space<semaphore_mem>>) src(%dma_wait3A_234 : memref<10000x128xf32, #tpu.memory_space<hbm>>) dst(%arg10 : memref<80x128xf32, #tpu.memory_space<vmem>>)
    "tpu.region"() ({
      %run_scoped3A = tpu.sem_alloc : memref<!tpu.dma_semaphore, #tpu.memory_space<semaphore_mem>>
      %dma_start3A_250 = arith.constant 0 : i32
      %dma_start3A_251 = arith.constant 0 : i32
      %dma_start3A_252 = tpu.memref_slice %arg13[%dma_start3A_250, %dma_start3A_251] : memref<10000x128xf32, #tpu.memory_space<vmem_shared>> -> memref<10000x128xf32, #tpu.memory_space<vmem_shared>>
      tpu.enqueue_indirect_dma source(%arg10 : memref<80x128xf32, #tpu.memory_space<vmem>>) target(%dma_start3A_252 : memref<10000x128xf32, #tpu.memory_space<vmem_shared>>) offsets(%arg7 : memref<80xi32, #tpu.memory_space<vmem>>) semaphore(%run_scoped3A : memref<!tpu.dma_semaphore, #tpu.memory_space<semaphore_mem>>) {add = true}
      %dma_wait3A_253 = arith.constant 0 : i32
      %dma_wait3A_254 = arith.constant 0 : i32
      %dma_wait3A_255 = tpu.memref_slice %arg13[%dma_wait3A_253, %dma_wait3A_254] : memref<10000x128xf32, #tpu.memory_space<vmem_shared>> -> memref<10000x128xf32, #tpu.memory_space<vmem_shared>>
      tpu.wait_indirect_dma semaphore(%run_scoped3A : memref<!tpu.dma_semaphore, #tpu.memory_space<semaphore_mem>>) src(%arg10 : memref<80x128xf32, #tpu.memory_space<vmem>>) dst(%dma_wait3A_255 : memref<10000x128xf32, #tpu.memory_space<vmem_shared>>)
      tpu.yield
    }) : () -> ()
    %add3A_235 = arith.constant 9920 : i32
    %add3A_236 = arith.addi %mul3A_2, %add3A_235 : i32
    %dma_wait3A_237 = tpu.memref_slice %arg4[%add3A_236] : memref<320000xi32, #tpu.memory_space<hbm>> -> memref<80xi32, #tpu.memory_space<hbm>>
    %dma_wait3A_238 = tpu.memref_slice %arg4[%add3A_236] : memref<320000xi32, #tpu.memory_space<hbm>> -> memref<80xi32, #tpu.memory_space<hbm>>
    tpu.wait_dma2 semaphore(%arg15 : memref<!tpu.dma_semaphore, #tpu.memory_space<semaphore_mem>>) src(%dma_wait3A_238 : memref<80xi32, #tpu.memory_space<hbm>>) dst(%arg8 : memref<80xi32, #tpu.memory_space<vmem>>)
    %dma_wait3A_239 = arith.constant 9920 : i32
    %dma_wait3A_240 = tpu.memref_slice %arg6[%dma_wait3A_239] : memref<10000xi32, #tpu.memory_space<vmem>> -> memref<80xi32, #tpu.memory_space<vmem>>
    %dma_wait3A_241 = arith.constant 0 : i32
    %dma_wait3A_242 = arith.constant 0 : i32
    %dma_wait3A_243 = tpu.memref_slice %arg2[%dma_wait3A_241, %dma_wait3A_242] : memref<10000x128xf32, #tpu.memory_space<hbm>> -> memref<10000x128xf32, #tpu.memory_space<hbm>>
    tpu.wait_indirect_dma semaphore(%arg18 : memref<!tpu.dma_semaphore, #tpu.memory_space<semaphore_mem>>) src(%dma_wait3A_243 : memref<10000x128xf32, #tpu.memory_space<hbm>>) dst(%arg11 : memref<80x128xf32, #tpu.memory_space<vmem>>)
    "tpu.region"() ({
      %run_scoped3A = tpu.sem_alloc : memref<!tpu.dma_semaphore, #tpu.memory_space<semaphore_mem>>
      %dma_start3A_250 = arith.constant 0 : i32
      %dma_start3A_251 = arith.constant 0 : i32
      %dma_start3A_252 = tpu.memref_slice %arg13[%dma_start3A_250, %dma_start3A_251] : memref<10000x128xf32, #tpu.memory_space<vmem_shared>> -> memref<10000x128xf32, #tpu.memory_space<vmem_shared>>
      tpu.enqueue_indirect_dma source(%arg11 : memref<80x128xf32, #tpu.memory_space<vmem>>) target(%dma_start3A_252 : memref<10000x128xf32, #tpu.memory_space<vmem_shared>>) offsets(%arg8 : memref<80xi32, #tpu.memory_space<vmem>>) semaphore(%run_scoped3A : memref<!tpu.dma_semaphore, #tpu.memory_space<semaphore_mem>>) {add = true}
      %dma_wait3A_253 = arith.constant 0 : i32
      %dma_wait3A_254 = arith.constant 0 : i32
      %dma_wait3A_255 = tpu.memref_slice %arg13[%dma_wait3A_253, %dma_wait3A_254] : memref<10000x128xf32, #tpu.memory_space<vmem_shared>> -> memref<10000x128xf32, #tpu.memory_space<vmem_shared>>
      tpu.wait_indirect_dma semaphore(%run_scoped3A : memref<!tpu.dma_semaphore, #tpu.memory_space<semaphore_mem>>) src(%arg11 : memref<80x128xf32, #tpu.memory_space<vmem>>) dst(%dma_wait3A_255 : memref<10000x128xf32, #tpu.memory_space<vmem_shared>>)
      tpu.yield
    }) : () -> ()
    %barrier3A_244 = arith.constant 0 : index
    tpu.barrier barrier_id(%barrier3A_244)
    "tpu.region"() ({
      %run_scoped3A = tpu.sem_alloc : memref<!tpu.dma_semaphore, #tpu.memory_space<semaphore_mem>>
      %dma_start3A_250 = arith.constant 0 : i32
      %dma_start3A_251 = tpu.memref_slice %arg5[%arg0, %mul3A_13, %dma_start3A_250] : memref<2x10000x128xf32, #tpu.memory_space<hbm>> -> memref<1x624x128xf32, #tpu.memory_space<hbm>>
      %dma_start3A_252 = tpu.memref_squeeze %dma_start3A_251 : memref<1x624x128xf32, #tpu.memory_space<hbm>> -> memref<624x128xf32, #tpu.memory_space<hbm>>
      %dma_start3A_253 = arith.constant 0 : i32
      %dma_start3A_254 = tpu.memref_slice %arg13[%mul3A_13, %dma_start3A_253] : memref<10000x128xf32, #tpu.memory_space<vmem_shared>> -> memref<624x128xf32, #tpu.memory_space<vmem_shared>>
      tpu.enqueue_dma source(%dma_start3A_254 : memref<624x128xf32, #tpu.memory_space<vmem_shared>>) target(%dma_start3A_252 : memref<624x128xf32, #tpu.memory_space<hbm>>) target_semaphore(%run_scoped3A : memref<!tpu.dma_semaphore, #tpu.memory_space<semaphore_mem>>)
      %dma_wait3A_255 = arith.constant 0 : i32
      %dma_wait3A_256 = tpu.memref_slice %arg5[%arg0, %mul3A_13, %dma_wait3A_255] : memref<2x10000x128xf32, #tpu.memory_space<hbm>> -> memref<1x624x128xf32, #tpu.memory_space<hbm>>
      %dma_wait3A_257 = tpu.memref_squeeze %dma_wait3A_256 : memref<1x624x128xf32, #tpu.memory_space<hbm>> -> memref<624x128xf32, #tpu.memory_space<hbm>>
      %dma_wait3A_258 = arith.constant 0 : i32
      %dma_wait3A_259 = tpu.memref_slice %arg13[%mul3A_13, %dma_wait3A_258] : memref<10000x128xf32, #tpu.memory_space<vmem_shared>> -> memref<624x128xf32, #tpu.memory_space<vmem_shared>>
      tpu.wait_dma2 semaphore(%run_scoped3A : memref<!tpu.dma_semaphore, #tpu.memory_space<semaphore_mem>>) src(%dma_wait3A_259 : memref<624x128xf32, #tpu.memory_space<vmem_shared>>) dst(%dma_wait3A_257 : memref<624x128xf32, #tpu.memory_space<hbm>>)
      tpu.yield
    }) : () -> ()
    %eq3A_245 = arith.constant 15 : i32
    %eq3A_246 = arith.cmpi eq, %arg1, %eq3A_245 : i32
    %convert_element_type3A_247 = arith.extui %eq3A_246 : i1 to i32
    %cond3A_248 = arith.constant 0 : i32
    %cond3A_249 = arith.cmpi ne, %convert_element_type3A_247, %cond3A_248 : i32
    scf.if %cond3A_249 {
      "tpu.region"() ({
        %run_scoped3A = tpu.sem_alloc : memref<!tpu.dma_semaphore, #tpu.memory_space<semaphore_mem>>
        %dma_start3A_250 = arith.constant 9984 : i32
        %dma_start3A_251 = arith.constant 0 : i32
        %dma_start3A_252 = tpu.memref_slice %arg5[%arg0, %dma_start3A_250, %dma_start3A_251] : memref<2x10000x128xf32, #tpu.memory_space<hbm>> -> memref<1x16x128xf32, #tpu.memory_space<hbm>>
        %dma_start3A_253 = tpu.memref_squeeze %dma_start3A_252 : memref<1x16x128xf32, #tpu.memory_space<hbm>> -> memref<16x128xf32, #tpu.memory_space<hbm>>
        %dma_start3A_254 = arith.constant 9984 : i32
        %dma_start3A_255 = arith.constant 0 : i32
        %dma_start3A_256 = tpu.memref_slice %arg13[%dma_start3A_254, %dma_start3A_255] : memref<10000x128xf32, #tpu.memory_space<vmem_shared>> -> memref<16x128xf32, #tpu.memory_space<vmem_shared>>
        tpu.enqueue_dma source(%dma_start3A_256 : memref<16x128xf32, #tpu.memory_space<vmem_shared>>) target(%dma_start3A_253 : memref<16x128xf32, #tpu.memory_space<hbm>>) target_semaphore(%run_scoped3A : memref<!tpu.dma_semaphore, #tpu.memory_space<semaphore_mem>>)
        %dma_wait3A_257 = arith.constant 9984 : i32
        %dma_wait3A_258 = arith.constant 0 : i32
        %dma_wait3A_259 = tpu.memref_slice %arg5[%arg0, %dma_wait3A_257, %dma_wait3A_258] : memref<2x10000x128xf32, #tpu.memory_space<hbm>> -> memref<1x16x128xf32, #tpu.memory_space<hbm>>
        %dma_wait3A_260 = tpu.memref_squeeze %dma_wait3A_259 : memref<1x16x128xf32, #tpu.memory_space<hbm>> -> memref<16x128xf32, #tpu.memory_space<hbm>>
        %dma_wait3A_261 = arith.constant 9984 : i32
        %dma_wait3A_262 = arith.constant 0 : i32
        %dma_wait3A_263 = tpu.memref_slice %arg13[%dma_wait3A_261, %dma_wait3A_262] : memref<10000x128xf32, #tpu.memory_space<vmem_shared>> -> memref<16x128xf32, #tpu.memory_space<vmem_shared>>
        tpu.wait_dma2 semaphore(%run_scoped3A : memref<!tpu.dma_semaphore, #tpu.memory_space<semaphore_mem>>) src(%dma_wait3A_263 : memref<16x128xf32, #tpu.memory_space<vmem_shared>>) dst(%dma_wait3A_260 : memref<16x128xf32, #tpu.memory_space<hbm>>)
        tpu.yield
      }) : () -> ()
    } else {
    }
    return
  }
}

#map = affine_map<(d0, d1) -> (0, 0)>
#map1 = affine_map<(d0, d1) -> (0)>
#map2 = affine_map<(d0, d1) -> (0, 0, 0)>
module attributes {stable_mosaic.version = 14 : i64} {
  func.func @seg_sum(%arg0: i32, %arg1: i32, %arg2: memref<10000x128xf32, #tpu.memory_space<hbm>>, %arg3: memref<320000xi32, #tpu.memory_space<hbm>>, %arg4: memref<320000xi32, #tpu.memory_space<hbm>>, %arg5: memref<2x10000x128xf32, #tpu.memory_space<hbm>>, %arg6: memref<10000xi32, #tpu.memory_space<vmem>>, %arg7: memref<80xi32, #tpu.memory_space<vmem>>, %arg8: memref<80xi32, #tpu.memory_space<vmem>>, %arg9: memref<80xi32, #tpu.memory_space<vmem>>, %arg10: memref<80x128xf32, #tpu.memory_space<vmem>>, %arg11: memref<80x128xf32, #tpu.memory_space<vmem>>, %arg12: memref<80x128xf32, #tpu.memory_space<vmem>>, %arg13: memref<10000x128xf32, #tpu.memory_space<vmem_shared>>, %arg14: memref<!tpu.dma_semaphore, #tpu.memory_space<semaphore_mem>>, %arg15: memref<!tpu.dma_semaphore, #tpu.memory_space<semaphore_mem>>, %arg16: memref<!tpu.dma_semaphore, #tpu.memory_space<semaphore_mem>>, %arg17: memref<!tpu.dma_semaphore, #tpu.memory_space<semaphore_mem>>, %arg18: memref<!tpu.dma_semaphore, #tpu.memory_space<semaphore_mem>>, %arg19: memref<!tpu.dma_semaphore, #tpu.memory_space<semaphore_mem>>, %arg20: memref<!tpu.dma_semaphore, #tpu.memory_space<semaphore_mem>>) attributes {dimension_semantics = [#tpu.dimension_semantics<core_parallel>, #tpu.dimension_semantics<subcore_parallel>], iteration_bounds = array<i64: 2, 16>, scalar_prefetch = 0 : i64, scratch_operands = 15 : i64, tpu.core_type = #tpu.core_type<sc_vector_subcore>, window_params = [{transform_indices = #map}, {transform_indices = #map1}, {transform_indices = #map1}, {transform_indices = #map2}]} {
    %mul3A = arith.constant 16 : i32
    %mul3A_0 = arith.muli %arg0, %mul3A : i32
    %add3A = arith.addi %mul3A_0, %arg1 : i32
    %mul3A_1 = arith.constant 10000 : i32
    %mul3A_2 = arith.muli %add3A, %mul3A_1 : i32
    %dma_start3A = tpu.memref_slice %arg3[%mul3A_2] : memref<320000xi32, #tpu.memory_space<hbm>> -> memref<10000xi32, #tpu.memory_space<hbm>>
    %dma_start3A_3 = tpu.memref_slice %arg3[%mul3A_2] : memref<320000xi32, #tpu.memory_space<hbm>> -> memref<10000xi32, #tpu.memory_space<hbm>>
    tpu.enqueue_dma source(%dma_start3A_3 : memref<10000xi32, #tpu.memory_space<hbm>>) target(%arg6 : memref<10000xi32, #tpu.memory_space<vmem>>) target_semaphore(%arg20 : memref<!tpu.dma_semaphore, #tpu.memory_space<semaphore_mem>>)
    %broadcast_in_dim3A = arith.constant 0.000000e+00 : f32
    %broadcast_in_dim3A_4 = vector.broadcast %broadcast_in_dim3A : f32 to vector<16xf32>
    %scan3A = arith.constant 0 : i32
    %scan3A_5 = arith.constant 0 : i32
    %scan3A_6 = arith.constant 80 : i32
    %scan3A_7 = arith.addi %scan3A_5, %scan3A_6 : i32
    %scan3A_8 = arith.constant 1 : i32
    %scan3A_9 = scf.for %scan3A_250 = %scan3A_5 to %scan3A_7 step %scan3A_8 iter_args(%scan3A_251 = %scan3A) -> (i32)  : i32 {
      %swap3A = arith.index_cast %scan3A_250 : i32 to index
      %swap3A_252 = arith.constant 0 : index
      %swap3A_253 = tpu.vector_load %arg10[%swap3A, %swap3A_252] {strides = array<i32>} : memref<80x128xf32, #tpu.memory_space<vmem>>, vector<1x16xf32>,
      %swap3A_254 = vector.shape_cast %swap3A_253 : vector<1x16xf32> to vector<16xf32>
      %swap3A_255 = vector.shape_cast %broadcast_in_dim3A_4 : vector<16xf32> to vector<1x16xf32>
      tpu.vector_store %arg10[%swap3A, %swap3A_252], %swap3A_255 {strides = array<i32>} : memref<80x128xf32, #tpu.memory_space<vmem>>, vector<1x16xf32>,
      %swap3A_256 = arith.index_cast %scan3A_250 : i32 to index
      %swap3A_257 = arith.constant 16 : index
      %swap3A_258 = tpu.vector_load %arg10[%swap3A_256, %swap3A_257] {strides = array<i32>} : memref<80x128xf32, #tpu.memory_space<vmem>>, vector<1x16xf32>,
      %swap3A_259 = vector.shape_cast %swap3A_258 : vector<1x16xf32> to vector<16xf32>
      %swap3A_260 = vector.shape_cast %broadcast_in_dim3A_4 : vector<16xf32> to vector<1x16xf32>
      tpu.vector_store %arg10[%swap3A_256, %swap3A_257], %swap3A_260 {strides = array<i32>} : memref<80x128xf32, #tpu.memory_space<vmem>>, vector<1x16xf32>,
      %swap3A_261 = arith.index_cast %scan3A_250 : i32 to index
      %swap3A_262 = arith.constant 32 : index
      %swap3A_263 = tpu.vector_load %arg10[%swap3A_261, %swap3A_262] {strides = array<i32>} : memref<80x128xf32, #tpu.memory_space<vmem>>, vector<1x16xf32>,
      %swap3A_264 = vector.shape_cast %swap3A_263 : vector<1x16xf32> to vector<16xf32>
      %swap3A_265 = vector.shape_cast %broadcast_in_dim3A_4 : vector<16xf32> to vector<1x16xf32>
      tpu.vector_store %arg10[%swap3A_261, %swap3A_262], %swap3A_265 {strides = array<i32>} : memref<80x128xf32, #tpu.memory_space<vmem>>, vector<1x16xf32>,
      %swap3A_266 = arith.index_cast %scan3A_250 : i32 to index
      %swap3A_267 = arith.constant 48 : index
      %swap3A_268 = tpu.vector_load %arg10[%swap3A_266, %swap3A_267] {strides = array<i32>} : memref<80x128xf32, #tpu.memory_space<vmem>>, vector<1x16xf32>,
      %swap3A_269 = vector.shape_cast %swap3A_268 : vector<1x16xf32> to vector<16xf32>
      %swap3A_270 = vector.shape_cast %broadcast_in_dim3A_4 : vector<16xf32> to vector<1x16xf32>
      tpu.vector_store %arg10[%swap3A_266, %swap3A_267], %swap3A_270 {strides = array<i32>} : memref<80x128xf32, #tpu.memory_space<vmem>>, vector<1x16xf32>,
      %swap3A_271 = arith.index_cast %scan3A_250 : i32 to index
      %swap3A_272 = arith.constant 64 : index
      %swap3A_273 = tpu.vector_load %arg10[%swap3A_271, %swap3A_272] {strides = array<i32>} : memref<80x128xf32, #tpu.memory_space<vmem>>, vector<1x16xf32>,
      %swap3A_274 = vector.shape_cast %swap3A_273 : vector<1x16xf32> to vector<16xf32>
      %swap3A_275 = vector.shape_cast %broadcast_in_dim3A_4 : vector<16xf32> to vector<1x16xf32>
      tpu.vector_store %arg10[%swap3A_271, %swap3A_272], %swap3A_275 {strides = array<i32>} : memref<80x128xf32, #tpu.memory_space<vmem>>, vector<1x16xf32>,
      %swap3A_276 = arith.index_cast %scan3A_250 : i32 to index
      %swap3A_277 = arith.constant 80 : index
      %swap3A_278 = tpu.vector_load %arg10[%swap3A_276, %swap3A_277] {strides = array<i32>} : memref<80x128xf32, #tpu.memory_space<vmem>>, vector<1x16xf32>,
      %swap3A_279 = vector.shape_cast %swap3A_278 : vector<1x16xf32> to vector<16xf32>
      %swap3A_280 = vector.shape_cast %broadcast_in_dim3A_4 : vector<16xf32> to vector<1x16xf32>
      tpu.vector_store %arg10[%swap3A_276, %swap3A_277], %swap3A_280 {strides = array<i32>} : memref<80x128xf32, #tpu.memory_space<vmem>>, vector<1x16xf32>,
      %swap3A_281 = arith.index_cast %scan3A_250 : i32 to index
      %swap3A_282 = arith.constant 96 : index
      %swap3A_283 = tpu.vector_load %arg10[%swap3A_281, %swap3A_282] {strides = array<i32>} : memref<80x128xf32, #tpu.memory_space<vmem>>, vector<1x16xf32>,
      %swap3A_284 = vector.shape_cast %swap3A_283 : vector<1x16xf32> to vector<16xf32>
      %swap3A_285 = vector.shape_cast %broadcast_in_dim3A_4 : vector<16xf32> to vector<1x16xf32>
      tpu.vector_store %arg10[%swap3A_281, %swap3A_282], %swap3A_285 {strides = array<i32>} : memref<80x128xf32, #tpu.memory_space<vmem>>, vector<1x16xf32>,
      %swap3A_286 = arith.index_cast %scan3A_250 : i32 to index
      %swap3A_287 = arith.constant 112 : index
      %swap3A_288 = tpu.vector_load %arg10[%swap3A_286, %swap3A_287] {strides = array<i32>} : memref<80x128xf32, #tpu.memory_space<vmem>>, vector<1x16xf32>,
      %swap3A_289 = vector.shape_cast %swap3A_288 : vector<1x16xf32> to vector<16xf32>
      %swap3A_290 = vector.shape_cast %broadcast_in_dim3A_4 : vector<16xf32> to vector<1x16xf32>
      tpu.vector_store %arg10[%swap3A_286, %swap3A_287], %swap3A_290 {strides = array<i32>} : memref<80x128xf32, #tpu.memory_space<vmem>>, vector<1x16xf32>,
      %scan3A_291 = arith.constant 0 : i32
      scf.yield %scan3A_291 : i32
    }
    %scan3A_10 = arith.constant 80 : i32
    %dma_wait3A = tpu.memref_slice %arg3[%mul3A_2] : memref<320000xi32, #tpu.memory_space<hbm>> -> memref<10000xi32, #tpu.memory_space<hbm>>
    %dma_wait3A_11 = tpu.memref_slice %arg3[%mul3A_2] : memref<320000xi32, #tpu.memory_space<hbm>> -> memref<10000xi32, #tpu.memory_space<hbm>>
    tpu.wait_dma2 semaphore(%arg20 : memref<!tpu.dma_semaphore, #tpu.memory_space<semaphore_mem>>) src(%dma_wait3A_11 : memref<10000xi32, #tpu.memory_space<hbm>>) dst(%arg6 : memref<10000xi32, #tpu.memory_space<vmem>>)
    %mul3A_12 = arith.constant 624 : i32
    %mul3A_13 = arith.muli %arg1, %mul3A_12 : i32
    %add3A_14 = arith.constant 0 : i32
    %add3A_15 = arith.addi %mul3A_13, %add3A_14 : i32
    %dma_start3A_16 = arith.constant 0 : i32
    %dma_start3A_17 = arith.constant 0 : i32
    %dma_start3A_18 = tpu.memref_slice %arg10[%dma_start3A_16, %dma_start3A_17] : memref<80x128xf32, #tpu.memory_space<vmem>> -> memref<80x128xf32, #tpu.memory_space<vmem>>
    %dma_start3A_19 = arith.constant 0 : i32
    %dma_start3A_20 = tpu.memref_slice %arg13[%add3A_15, %dma_start3A_19] : memref<10000x128xf32, #tpu.memory_space<vmem_shared>> -> memref<80x128xf32, #tpu.memory_space<vmem_shared>>
    %dma_start3A_21 = arith.constant 0 : i32
    %dma_start3A_22 = tpu.memref_slice %arg13[%add3A_15, %dma_start3A_21] : memref<10000x128xf32, #tpu.memory_space<vmem_shared>> -> memref<80x128xf32, #tpu.memory_space<vmem_shared>>
    %dma_start3A_23 = arith.constant 0 : i32
    %dma_start3A_24 = arith.constant 0 : i32
    %dma_start3A_25 = tpu.memref_slice %arg10[%dma_start3A_23, %dma_start3A_24] : memref<80x128xf32, #tpu.memory_space<vmem>> -> memref<80x128xf32, #tpu.memory_space<vmem>>
    tpu.enqueue_dma source(%dma_start3A_25 : memref<80x128xf32, #tpu.memory_space<vmem>>) target(%dma_start3A_22 : memref<80x128xf32, #tpu.memory_space<vmem_shared>>) target_semaphore(%arg20 : memref<!tpu.dma_semaphore, #tpu.memory_space<semaphore_mem>>)
    %add3A_26 = arith.constant 80 : i32
    %add3A_27 = arith.addi %mul3A_13, %add3A_26 : i32
    %dma_start3A_28 = arith.constant 0 : i32
    %dma_start3A_29 = arith.constant 0 : i32
    %dma_start3A_30 = tpu.memref_slice %arg10[%dma_start3A_28, %dma_start3A_29] : memref<80x128xf32, #tpu.memory_space<vmem>> -> memref<80x128xf32, #tpu.memory_space<vmem>>
    %dma_start3A_31 = arith.constant 0 : i32
    %dma_start3A_32 = tpu.memref_slice %arg13[%add3A_27, %dma_start3A_31] : memref<10000x128xf32, #tpu.memory_space<vmem_shared>> -> memref<80x128xf32, #tpu.memory_space<vmem_shared>>
    %dma_start3A_33 = arith.constant 0 : i32
    %dma_start3A_34 = tpu.memref_slice %arg13[%add3A_27, %dma_start3A_33] : memref<10000x128xf32, #tpu.memory_space<vmem_shared>> -> memref<80x128xf32, #tpu.memory_space<vmem_shared>>
    %dma_start3A_35 = arith.constant 0 : i32
    %dma_start3A_36 = arith.constant 0 : i32
    %dma_start3A_37 = tpu.memref_slice %arg10[%dma_start3A_35, %dma_start3A_36] : memref<80x128xf32, #tpu.memory_space<vmem>> -> memref<80x128xf32, #tpu.memory_space<vmem>>
    tpu.enqueue_dma source(%dma_start3A_37 : memref<80x128xf32, #tpu.memory_space<vmem>>) target(%dma_start3A_34 : memref<80x128xf32, #tpu.memory_space<vmem_shared>>) target_semaphore(%arg20 : memref<!tpu.dma_semaphore, #tpu.memory_space<semaphore_mem>>)
    %add3A_38 = arith.constant 160 : i32
    %add3A_39 = arith.addi %mul3A_13, %add3A_38 : i32
    %dma_start3A_40 = arith.constant 0 : i32
    %dma_start3A_41 = arith.constant 0 : i32
    %dma_start3A_42 = tpu.memref_slice %arg10[%dma_start3A_40, %dma_start3A_41] : memref<80x128xf32, #tpu.memory_space<vmem>> -> memref<80x128xf32, #tpu.memory_space<vmem>>
    %dma_start3A_43 = arith.constant 0 : i32
    %dma_start3A_44 = tpu.memref_slice %arg13[%add3A_39, %dma_start3A_43] : memref<10000x128xf32, #tpu.memory_space<vmem_shared>> -> memref<80x128xf32, #tpu.memory_space<vmem_shared>>
    %dma_start3A_45 = arith.constant 0 : i32
    %dma_start3A_46 = tpu.memref_slice %arg13[%add3A_39, %dma_start3A_45] : memref<10000x128xf32, #tpu.memory_space<vmem_shared>> -> memref<80x128xf32, #tpu.memory_space<vmem_shared>>
    %dma_start3A_47 = arith.constant 0 : i32
    %dma_start3A_48 = arith.constant 0 : i32
    %dma_start3A_49 = tpu.memref_slice %arg10[%dma_start3A_47, %dma_start3A_48] : memref<80x128xf32, #tpu.memory_space<vmem>> -> memref<80x128xf32, #tpu.memory_space<vmem>>
    tpu.enqueue_dma source(%dma_start3A_49 : memref<80x128xf32, #tpu.memory_space<vmem>>) target(%dma_start3A_46 : memref<80x128xf32, #tpu.memory_space<vmem_shared>>) target_semaphore(%arg20 : memref<!tpu.dma_semaphore, #tpu.memory_space<semaphore_mem>>)
    %add3A_50 = arith.constant 240 : i32
    %add3A_51 = arith.addi %mul3A_13, %add3A_50 : i32
    %dma_start3A_52 = arith.constant 0 : i32
    %dma_start3A_53 = arith.constant 0 : i32
    %dma_start3A_54 = tpu.memref_slice %arg10[%dma_start3A_52, %dma_start3A_53] : memref<80x128xf32, #tpu.memory_space<vmem>> -> memref<80x128xf32, #tpu.memory_space<vmem>>
    %dma_start3A_55 = arith.constant 0 : i32
    %dma_start3A_56 = tpu.memref_slice %arg13[%add3A_51, %dma_start3A_55] : memref<10000x128xf32, #tpu.memory_space<vmem_shared>> -> memref<80x128xf32, #tpu.memory_space<vmem_shared>>
    %dma_start3A_57 = arith.constant 0 : i32
    %dma_start3A_58 = tpu.memref_slice %arg13[%add3A_51, %dma_start3A_57] : memref<10000x128xf32, #tpu.memory_space<vmem_shared>> -> memref<80x128xf32, #tpu.memory_space<vmem_shared>>
    %dma_start3A_59 = arith.constant 0 : i32
    %dma_start3A_60 = arith.constant 0 : i32
    %dma_start3A_61 = tpu.memref_slice %arg10[%dma_start3A_59, %dma_start3A_60] : memref<80x128xf32, #tpu.memory_space<vmem>> -> memref<80x128xf32, #tpu.memory_space<vmem>>
    tpu.enqueue_dma source(%dma_start3A_61 : memref<80x128xf32, #tpu.memory_space<vmem>>) target(%dma_start3A_58 : memref<80x128xf32, #tpu.memory_space<vmem_shared>>) target_semaphore(%arg20 : memref<!tpu.dma_semaphore, #tpu.memory_space<semaphore_mem>>)
    %add3A_62 = arith.constant 320 : i32
    %add3A_63 = arith.addi %mul3A_13, %add3A_62 : i32
    %dma_start3A_64 = arith.constant 0 : i32
    %dma_start3A_65 = arith.constant 0 : i32
    %dma_start3A_66 = tpu.memref_slice %arg10[%dma_start3A_64, %dma_start3A_65] : memref<80x128xf32, #tpu.memory_space<vmem>> -> memref<80x128xf32, #tpu.memory_space<vmem>>
    %dma_start3A_67 = arith.constant 0 : i32
    %dma_start3A_68 = tpu.memref_slice %arg13[%add3A_63, %dma_start3A_67] : memref<10000x128xf32, #tpu.memory_space<vmem_shared>> -> memref<80x128xf32, #tpu.memory_space<vmem_shared>>
    %dma_start3A_69 = arith.constant 0 : i32
    %dma_start3A_70 = tpu.memref_slice %arg13[%add3A_63, %dma_start3A_69] : memref<10000x128xf32, #tpu.memory_space<vmem_shared>> -> memref<80x128xf32, #tpu.memory_space<vmem_shared>>
    %dma_start3A_71 = arith.constant 0 : i32
    %dma_start3A_72 = arith.constant 0 : i32
    %dma_start3A_73 = tpu.memref_slice %arg10[%dma_start3A_71, %dma_start3A_72] : memref<80x128xf32, #tpu.memory_space<vmem>> -> memref<80x128xf32, #tpu.memory_space<vmem>>
    tpu.enqueue_dma source(%dma_start3A_73 : memref<80x128xf32, #tpu.memory_space<vmem>>) target(%dma_start3A_70 : memref<80x128xf32, #tpu.memory_space<vmem_shared>>) target_semaphore(%arg20 : memref<!tpu.dma_semaphore, #tpu.memory_space<semaphore_mem>>)
    %add3A_74 = arith.constant 400 : i32
    %add3A_75 = arith.addi %mul3A_13, %add3A_74 : i32
    %dma_start3A_76 = arith.constant 0 : i32
    %dma_start3A_77 = arith.constant 0 : i32
    %dma_start3A_78 = tpu.memref_slice %arg10[%dma_start3A_76, %dma_start3A_77] : memref<80x128xf32, #tpu.memory_space<vmem>> -> memref<80x128xf32, #tpu.memory_space<vmem>>
    %dma_start3A_79 = arith.constant 0 : i32
    %dma_start3A_80 = tpu.memref_slice %arg13[%add3A_75, %dma_start3A_79] : memref<10000x128xf32, #tpu.memory_space<vmem_shared>> -> memref<80x128xf32, #tpu.memory_space<vmem_shared>>
    %dma_start3A_81 = arith.constant 0 : i32
    %dma_start3A_82 = tpu.memref_slice %arg13[%add3A_75, %dma_start3A_81] : memref<10000x128xf32, #tpu.memory_space<vmem_shared>> -> memref<80x128xf32, #tpu.memory_space<vmem_shared>>
    %dma_start3A_83 = arith.constant 0 : i32
    %dma_start3A_84 = arith.constant 0 : i32
    %dma_start3A_85 = tpu.memref_slice %arg10[%dma_start3A_83, %dma_start3A_84] : memref<80x128xf32, #tpu.memory_space<vmem>> -> memref<80x128xf32, #tpu.memory_space<vmem>>
    tpu.enqueue_dma source(%dma_start3A_85 : memref<80x128xf32, #tpu.memory_space<vmem>>) target(%dma_start3A_82 : memref<80x128xf32, #tpu.memory_space<vmem_shared>>) target_semaphore(%arg20 : memref<!tpu.dma_semaphore, #tpu.memory_space<semaphore_mem>>)
    %add3A_86 = arith.constant 480 : i32
    %add3A_87 = arith.addi %mul3A_13, %add3A_86 : i32
    %dma_start3A_88 = arith.constant 0 : i32
    %dma_start3A_89 = arith.constant 0 : i32
    %dma_start3A_90 = tpu.memref_slice %arg10[%dma_start3A_88, %dma_start3A_89] : memref<80x128xf32, #tpu.memory_space<vmem>> -> memref<80x128xf32, #tpu.memory_space<vmem>>
    %dma_start3A_91 = arith.constant 0 : i32
    %dma_start3A_92 = tpu.memref_slice %arg13[%add3A_87, %dma_start3A_91] : memref<10000x128xf32, #tpu.memory_space<vmem_shared>> -> memref<80x128xf32, #tpu.memory_space<vmem_shared>>
    %dma_start3A_93 = arith.constant 0 : i32
    %dma_start3A_94 = tpu.memref_slice %arg13[%add3A_87, %dma_start3A_93] : memref<10000x128xf32, #tpu.memory_space<vmem_shared>> -> memref<80x128xf32, #tpu.memory_space<vmem_shared>>
    %dma_start3A_95 = arith.constant 0 : i32
    %dma_start3A_96 = arith.constant 0 : i32
    %dma_start3A_97 = tpu.memref_slice %arg10[%dma_start3A_95, %dma_start3A_96] : memref<80x128xf32, #tpu.memory_space<vmem>> -> memref<80x128xf32, #tpu.memory_space<vmem>>
    tpu.enqueue_dma source(%dma_start3A_97 : memref<80x128xf32, #tpu.memory_space<vmem>>) target(%dma_start3A_94 : memref<80x128xf32, #tpu.memory_space<vmem_shared>>) target_semaphore(%arg20 : memref<!tpu.dma_semaphore, #tpu.memory_space<semaphore_mem>>)
    %add3A_98 = arith.constant 560 : i32
    %add3A_99 = arith.addi %mul3A_13, %add3A_98 : i32
    %dma_start3A_100 = arith.constant 0 : i32
    %dma_start3A_101 = arith.constant 0 : i32
    %dma_start3A_102 = tpu.memref_slice %arg10[%dma_start3A_100, %dma_start3A_101] : memref<80x128xf32, #tpu.memory_space<vmem>> -> memref<64x128xf32, #tpu.memory_space<vmem>>
    %dma_start3A_103 = arith.constant 0 : i32
    %dma_start3A_104 = tpu.memref_slice %arg13[%add3A_99, %dma_start3A_103] : memref<10000x128xf32, #tpu.memory_space<vmem_shared>> -> memref<64x128xf32, #tpu.memory_space<vmem_shared>>
    %dma_start3A_105 = arith.constant 0 : i32
    %dma_start3A_106 = tpu.memref_slice %arg13[%add3A_99, %dma_start3A_105] : memref<10000x128xf32, #tpu.memory_space<vmem_shared>> -> memref<64x128xf32, #tpu.memory_space<vmem_shared>>
    %dma_start3A_107 = arith.constant 0 : i32
    %dma_start3A_108 = arith.constant 0 : i32
    %dma_start3A_109 = tpu.memref_slice %arg10[%dma_start3A_107, %dma_start3A_108] : memref<80x128xf32, #tpu.memory_space<vmem>> -> memref<64x128xf32, #tpu.memory_space<vmem>>
    tpu.enqueue_dma source(%dma_start3A_109 : memref<64x128xf32, #tpu.memory_space<vmem>>) target(%dma_start3A_106 : memref<64x128xf32, #tpu.memory_space<vmem_shared>>) target_semaphore(%arg20 : memref<!tpu.dma_semaphore, #tpu.memory_space<semaphore_mem>>)
    %eq3A = arith.constant 15 : i32
    %eq3A_110 = arith.cmpi eq, %arg1, %eq3A : i32
    %convert_element_type3A = arith.extui %eq3A_110 : i1 to i32
    %cond3A = arith.constant 0 : i32
    %cond3A_111 = arith.cmpi ne, %convert_element_type3A, %cond3A : i32
    scf.if %cond3A_111 {
      %dma_start3A_250 = arith.constant 0 : i32
      %dma_start3A_251 = arith.constant 0 : i32
      %dma_start3A_252 = tpu.memref_slice %arg10[%dma_start3A_250, %dma_start3A_251] : memref<80x128xf32, #tpu.memory_space<vmem>> -> memref<16x128xf32, #tpu.memory_space<vmem>>
      %dma_start3A_253 = arith.constant 9984 : i32
      %dma_start3A_254 = arith.constant 0 : i32
      %dma_start3A_255 = tpu.memref_slice %arg13[%dma_start3A_253, %dma_start3A_254] : memref<10000x128xf32, #tpu.memory_space<vmem_shared>> -> memref<16x128xf32, #tpu.memory_space<vmem_shared>>
      %dma_start3A_256 = arith.constant 9984 : i32
      %dma_start3A_257 = arith.constant 0 : i32
      %dma_start3A_258 = tpu.memref_slice %arg13[%dma_start3A_256, %dma_start3A_257] : memref<10000x128xf32, #tpu.memory_space<vmem_shared>> -> memref<16x128xf32, #tpu.memory_space<vmem_shared>>
      %dma_start3A_259 = arith.constant 0 : i32
      %dma_start3A_260 = arith.constant 0 : i32
      %dma_start3A_261 = tpu.memref_slice %arg10[%dma_start3A_259, %dma_start3A_260] : memref<80x128xf32, #tpu.memory_space<vmem>> -> memref<16x128xf32, #tpu.memory_space<vmem>>
      tpu.enqueue_dma source(%dma_start3A_261 : memref<16x128xf32, #tpu.memory_space<vmem>>) target(%dma_start3A_258 : memref<16x128xf32, #tpu.memory_space<vmem_shared>>) target_semaphore(%arg20 : memref<!tpu.dma_semaphore, #tpu.memory_space<semaphore_mem>>)
      %dma_wait3A_262 = arith.constant 0 : i32
      %dma_wait3A_263 = arith.constant 0 : i32
      %dma_wait3A_264 = tpu.memref_slice %arg10[%dma_wait3A_262, %dma_wait3A_263] : memref<80x128xf32, #tpu.memory_space<vmem>> -> memref<16x128xf32, #tpu.memory_space<vmem>>
      %dma_wait3A_265 = arith.constant 9984 : i32
      %dma_wait3A_266 = arith.constant 0 : i32
      %dma_wait3A_267 = tpu.memref_slice %arg13[%dma_wait3A_265, %dma_wait3A_266] : memref<10000x128xf32, #tpu.memory_space<vmem_shared>> -> memref<16x128xf32, #tpu.memory_space<vmem_shared>>
      %dma_wait3A_268 = arith.constant 9984 : i32
      %dma_wait3A_269 = arith.constant 0 : i32
      %dma_wait3A_270 = tpu.memref_slice %arg13[%dma_wait3A_268, %dma_wait3A_269] : memref<10000x128xf32, #tpu.memory_space<vmem_shared>> -> memref<16x128xf32, #tpu.memory_space<vmem_shared>>
      %dma_wait3A_271 = arith.constant 0 : i32
      %dma_wait3A_272 = arith.constant 0 : i32
      %dma_wait3A_273 = tpu.memref_slice %arg10[%dma_wait3A_271, %dma_wait3A_272] : memref<80x128xf32, #tpu.memory_space<vmem>> -> memref<16x128xf32, #tpu.memory_space<vmem>>
      tpu.wait_dma2 semaphore(%arg20 : memref<!tpu.dma_semaphore, #tpu.memory_space<semaphore_mem>>) src(%dma_wait3A_273 : memref<16x128xf32, #tpu.memory_space<vmem>>) dst(%dma_wait3A_270 : memref<16x128xf32, #tpu.memory_space<vmem_shared>>)
    } else {
    }
    %dma_wait3A_112 = arith.constant 0 : i32
    %dma_wait3A_113 = arith.constant 0 : i32
    %dma_wait3A_114 = tpu.memref_slice %arg10[%dma_wait3A_112, %dma_wait3A_113] : memref<80x128xf32, #tpu.memory_space<vmem>> -> memref<80x128xf32, #tpu.memory_space<vmem>>
    %dma_wait3A_115 = arith.constant 0 : i32
    %dma_wait3A_116 = tpu.memref_slice %arg13[%add3A_15, %dma_wait3A_115] : memref<10000x128xf32, #tpu.memory_space<vmem_shared>> -> memref<80x128xf32, #tpu.memory_space<vmem_shared>>
    %dma_wait3A_117 = arith.constant 0 : i32
    %dma_wait3A_118 = tpu.memref_slice %arg13[%add3A_15, %dma_wait3A_117] : memref<10000x128xf32, #tpu.memory_space<vmem_shared>> -> memref<80x128xf32, #tpu.memory_space<vmem_shared>>
    %dma_wait3A_119 = arith.constant 0 : i32
    %dma_wait3A_120 = arith.constant 0 : i32
    %dma_wait3A_121 = tpu.memref_slice %arg10[%dma_wait3A_119, %dma_wait3A_120] : memref<80x128xf32, #tpu.memory_space<vmem>> -> memref<80x128xf32, #tpu.memory_space<vmem>>
    tpu.wait_dma2 semaphore(%arg20 : memref<!tpu.dma_semaphore, #tpu.memory_space<semaphore_mem>>) src(%dma_wait3A_121 : memref<80x128xf32, #tpu.memory_space<vmem>>) dst(%dma_wait3A_118 : memref<80x128xf32, #tpu.memory_space<vmem_shared>>)
    %dma_wait3A_122 = arith.constant 0 : i32
    %dma_wait3A_123 = arith.constant 0 : i32
    %dma_wait3A_124 = tpu.memref_slice %arg10[%dma_wait3A_122, %dma_wait3A_123] : memref<80x128xf32, #tpu.memory_space<vmem>> -> memref<80x128xf32, #tpu.memory_space<vmem>>
    %dma_wait3A_125 = arith.constant 0 : i32
    %dma_wait3A_126 = tpu.memref_slice %arg13[%add3A_27, %dma_wait3A_125] : memref<10000x128xf32, #tpu.memory_space<vmem_shared>> -> memref<80x128xf32, #tpu.memory_space<vmem_shared>>
    %dma_wait3A_127 = arith.constant 0 : i32
    %dma_wait3A_128 = tpu.memref_slice %arg13[%add3A_27, %dma_wait3A_127] : memref<10000x128xf32, #tpu.memory_space<vmem_shared>> -> memref<80x128xf32, #tpu.memory_space<vmem_shared>>
    %dma_wait3A_129 = arith.constant 0 : i32
    %dma_wait3A_130 = arith.constant 0 : i32
    %dma_wait3A_131 = tpu.memref_slice %arg10[%dma_wait3A_129, %dma_wait3A_130] : memref<80x128xf32, #tpu.memory_space<vmem>> -> memref<80x128xf32, #tpu.memory_space<vmem>>
    tpu.wait_dma2 semaphore(%arg20 : memref<!tpu.dma_semaphore, #tpu.memory_space<semaphore_mem>>) src(%dma_wait3A_131 : memref<80x128xf32, #tpu.memory_space<vmem>>) dst(%dma_wait3A_128 : memref<80x128xf32, #tpu.memory_space<vmem_shared>>)
    %dma_wait3A_132 = arith.constant 0 : i32
    %dma_wait3A_133 = arith.constant 0 : i32
    %dma_wait3A_134 = tpu.memref_slice %arg10[%dma_wait3A_132, %dma_wait3A_133] : memref<80x128xf32, #tpu.memory_space<vmem>> -> memref<80x128xf32, #tpu.memory_space<vmem>>
    %dma_wait3A_135 = arith.constant 0 : i32
    %dma_wait3A_136 = tpu.memref_slice %arg13[%add3A_39, %dma_wait3A_135] : memref<10000x128xf32, #tpu.memory_space<vmem_shared>> -> memref<80x128xf32, #tpu.memory_space<vmem_shared>>
    %dma_wait3A_137 = arith.constant 0 : i32
    %dma_wait3A_138 = tpu.memref_slice %arg13[%add3A_39, %dma_wait3A_137] : memref<10000x128xf32, #tpu.memory_space<vmem_shared>> -> memref<80x128xf32, #tpu.memory_space<vmem_shared>>
    %dma_wait3A_139 = arith.constant 0 : i32
    %dma_wait3A_140 = arith.constant 0 : i32
    %dma_wait3A_141 = tpu.memref_slice %arg10[%dma_wait3A_139, %dma_wait3A_140] : memref<80x128xf32, #tpu.memory_space<vmem>> -> memref<80x128xf32, #tpu.memory_space<vmem>>
    tpu.wait_dma2 semaphore(%arg20 : memref<!tpu.dma_semaphore, #tpu.memory_space<semaphore_mem>>) src(%dma_wait3A_141 : memref<80x128xf32, #tpu.memory_space<vmem>>) dst(%dma_wait3A_138 : memref<80x128xf32, #tpu.memory_space<vmem_shared>>)
    %dma_wait3A_142 = arith.constant 0 : i32
    %dma_wait3A_143 = arith.constant 0 : i32
    %dma_wait3A_144 = tpu.memref_slice %arg10[%dma_wait3A_142, %dma_wait3A_143] : memref<80x128xf32, #tpu.memory_space<vmem>> -> memref<80x128xf32, #tpu.memory_space<vmem>>
    %dma_wait3A_145 = arith.constant 0 : i32
    %dma_wait3A_146 = tpu.memref_slice %arg13[%add3A_51, %dma_wait3A_145] : memref<10000x128xf32, #tpu.memory_space<vmem_shared>> -> memref<80x128xf32, #tpu.memory_space<vmem_shared>>
    %dma_wait3A_147 = arith.constant 0 : i32
    %dma_wait3A_148 = tpu.memref_slice %arg13[%add3A_51, %dma_wait3A_147] : memref<10000x128xf32, #tpu.memory_space<vmem_shared>> -> memref<80x128xf32, #tpu.memory_space<vmem_shared>>
    %dma_wait3A_149 = arith.constant 0 : i32
    %dma_wait3A_150 = arith.constant 0 : i32
    %dma_wait3A_151 = tpu.memref_slice %arg10[%dma_wait3A_149, %dma_wait3A_150] : memref<80x128xf32, #tpu.memory_space<vmem>> -> memref<80x128xf32, #tpu.memory_space<vmem>>
    tpu.wait_dma2 semaphore(%arg20 : memref<!tpu.dma_semaphore, #tpu.memory_space<semaphore_mem>>) src(%dma_wait3A_151 : memref<80x128xf32, #tpu.memory_space<vmem>>) dst(%dma_wait3A_148 : memref<80x128xf32, #tpu.memory_space<vmem_shared>>)
    %dma_wait3A_152 = arith.constant 0 : i32
    %dma_wait3A_153 = arith.constant 0 : i32
    %dma_wait3A_154 = tpu.memref_slice %arg10[%dma_wait3A_152, %dma_wait3A_153] : memref<80x128xf32, #tpu.memory_space<vmem>> -> memref<80x128xf32, #tpu.memory_space<vmem>>
    %dma_wait3A_155 = arith.constant 0 : i32
    %dma_wait3A_156 = tpu.memref_slice %arg13[%add3A_63, %dma_wait3A_155] : memref<10000x128xf32, #tpu.memory_space<vmem_shared>> -> memref<80x128xf32, #tpu.memory_space<vmem_shared>>
    %dma_wait3A_157 = arith.constant 0 : i32
    %dma_wait3A_158 = tpu.memref_slice %arg13[%add3A_63, %dma_wait3A_157] : memref<10000x128xf32, #tpu.memory_space<vmem_shared>> -> memref<80x128xf32, #tpu.memory_space<vmem_shared>>
    %dma_wait3A_159 = arith.constant 0 : i32
    %dma_wait3A_160 = arith.constant 0 : i32
    %dma_wait3A_161 = tpu.memref_slice %arg10[%dma_wait3A_159, %dma_wait3A_160] : memref<80x128xf32, #tpu.memory_space<vmem>> -> memref<80x128xf32, #tpu.memory_space<vmem>>
    tpu.wait_dma2 semaphore(%arg20 : memref<!tpu.dma_semaphore, #tpu.memory_space<semaphore_mem>>) src(%dma_wait3A_161 : memref<80x128xf32, #tpu.memory_space<vmem>>) dst(%dma_wait3A_158 : memref<80x128xf32, #tpu.memory_space<vmem_shared>>)
    %dma_wait3A_162 = arith.constant 0 : i32
    %dma_wait3A_163 = arith.constant 0 : i32
    %dma_wait3A_164 = tpu.memref_slice %arg10[%dma_wait3A_162, %dma_wait3A_163] : memref<80x128xf32, #tpu.memory_space<vmem>> -> memref<80x128xf32, #tpu.memory_space<vmem>>
    %dma_wait3A_165 = arith.constant 0 : i32
    %dma_wait3A_166 = tpu.memref_slice %arg13[%add3A_75, %dma_wait3A_165] : memref<10000x128xf32, #tpu.memory_space<vmem_shared>> -> memref<80x128xf32, #tpu.memory_space<vmem_shared>>
    %dma_wait3A_167 = arith.constant 0 : i32
    %dma_wait3A_168 = tpu.memref_slice %arg13[%add3A_75, %dma_wait3A_167] : memref<10000x128xf32, #tpu.memory_space<vmem_shared>> -> memref<80x128xf32, #tpu.memory_space<vmem_shared>>
    %dma_wait3A_169 = arith.constant 0 : i32
    %dma_wait3A_170 = arith.constant 0 : i32
    %dma_wait3A_171 = tpu.memref_slice %arg10[%dma_wait3A_169, %dma_wait3A_170] : memref<80x128xf32, #tpu.memory_space<vmem>> -> memref<80x128xf32, #tpu.memory_space<vmem>>
    tpu.wait_dma2 semaphore(%arg20 : memref<!tpu.dma_semaphore, #tpu.memory_space<semaphore_mem>>) src(%dma_wait3A_171 : memref<80x128xf32, #tpu.memory_space<vmem>>) dst(%dma_wait3A_168 : memref<80x128xf32, #tpu.memory_space<vmem_shared>>)
    %dma_wait3A_172 = arith.constant 0 : i32
    %dma_wait3A_173 = arith.constant 0 : i32
    %dma_wait3A_174 = tpu.memref_slice %arg10[%dma_wait3A_172, %dma_wait3A_173] : memref<80x128xf32, #tpu.memory_space<vmem>> -> memref<80x128xf32, #tpu.memory_space<vmem>>
    %dma_wait3A_175 = arith.constant 0 : i32
    %dma_wait3A_176 = tpu.memref_slice %arg13[%add3A_87, %dma_wait3A_175] : memref<10000x128xf32, #tpu.memory_space<vmem_shared>> -> memref<80x128xf32, #tpu.memory_space<vmem_shared>>
    %dma_wait3A_177 = arith.constant 0 : i32
    %dma_wait3A_178 = tpu.memref_slice %arg13[%add3A_87, %dma_wait3A_177] : memref<10000x128xf32, #tpu.memory_space<vmem_shared>> -> memref<80x128xf32, #tpu.memory_space<vmem_shared>>
    %dma_wait3A_179 = arith.constant 0 : i32
    %dma_wait3A_180 = arith.constant 0 : i32
    %dma_wait3A_181 = tpu.memref_slice %arg10[%dma_wait3A_179, %dma_wait3A_180] : memref<80x128xf32, #tpu.memory_space<vmem>> -> memref<80x128xf32, #tpu.memory_space<vmem>>
    tpu.wait_dma2 semaphore(%arg20 : memref<!tpu.dma_semaphore, #tpu.memory_space<semaphore_mem>>) src(%dma_wait3A_181 : memref<80x128xf32, #tpu.memory_space<vmem>>) dst(%dma_wait3A_178 : memref<80x128xf32, #tpu.memory_space<vmem_shared>>)
    %dma_wait3A_182 = arith.constant 0 : i32
    %dma_wait3A_183 = arith.constant 0 : i32
    %dma_wait3A_184 = tpu.memref_slice %arg10[%dma_wait3A_182, %dma_wait3A_183] : memref<80x128xf32, #tpu.memory_space<vmem>> -> memref<64x128xf32, #tpu.memory_space<vmem>>
    %dma_wait3A_185 = arith.constant 0 : i32
    %dma_wait3A_186 = tpu.memref_slice %arg13[%add3A_99, %dma_wait3A_185] : memref<10000x128xf32, #tpu.memory_space<vmem_shared>> -> memref<64x128xf32, #tpu.memory_space<vmem_shared>>
    %dma_wait3A_187 = arith.constant 0 : i32
    %dma_wait3A_188 = tpu.memref_slice %arg13[%add3A_99, %dma_wait3A_187] : memref<10000x128xf32, #tpu.memory_space<vmem_shared>> -> memref<64x128xf32, #tpu.memory_space<vmem_shared>>
    %dma_wait3A_189 = arith.constant 0 : i32
    %dma_wait3A_190 = arith.constant 0 : i32
    %dma_wait3A_191 = tpu.memref_slice %arg10[%dma_wait3A_189, %dma_wait3A_190] : memref<80x128xf32, #tpu.memory_space<vmem>> -> memref<64x128xf32, #tpu.memory_space<vmem>>
    tpu.wait_dma2 semaphore(%arg20 : memref<!tpu.dma_semaphore, #tpu.memory_space<semaphore_mem>>) src(%dma_wait3A_191 : memref<64x128xf32, #tpu.memory_space<vmem>>) dst(%dma_wait3A_188 : memref<64x128xf32, #tpu.memory_space<vmem_shared>>)
    %barrier3A = arith.constant 0 : index
    tpu.barrier barrier_id(%barrier3A)
    %add3A_192 = arith.constant 0 : i32
    %add3A_193 = arith.addi %mul3A_2, %add3A_192 : i32
    %dma_start3A_194 = tpu.memref_slice %arg4[%add3A_193] : memref<320000xi32, #tpu.memory_space<hbm>> -> memref<80xi32, #tpu.memory_space<hbm>>
    %dma_start3A_195 = tpu.memref_slice %arg4[%add3A_193] : memref<320000xi32, #tpu.memory_space<hbm>> -> memref<80xi32, #tpu.memory_space<hbm>>
    tpu.enqueue_dma source(%dma_start3A_195 : memref<80xi32, #tpu.memory_space<hbm>>) target(%arg7 : memref<80xi32, #tpu.memory_space<vmem>>) target_semaphore(%arg14 : memref<!tpu.dma_semaphore, #tpu.memory_space<semaphore_mem>>)
    %dma_start3A_196 = arith.constant 0 : i32
    %dma_start3A_197 = tpu.memref_slice %arg6[%dma_start3A_196] : memref<10000xi32, #tpu.memory_space<vmem>> -> memref<80xi32, #tpu.memory_space<vmem>>
    %dma_start3A_198 = arith.constant 0 : i32
    %dma_start3A_199 = arith.constant 0 : i32
    %dma_start3A_200 = tpu.memref_slice %arg2[%dma_start3A_198, %dma_start3A_199] : memref<10000x128xf32, #tpu.memory_space<hbm>> -> memref<10000x128xf32, #tpu.memory_space<hbm>>
    tpu.enqueue_indirect_dma source(%dma_start3A_200 : memref<10000x128xf32, #tpu.memory_space<hbm>>) target(%arg10 : memref<80x128xf32, #tpu.memory_space<vmem>>) offsets(%dma_start3A_197 : memref<80xi32, #tpu.memory_space<vmem>>) semaphore(%arg17 : memref<!tpu.dma_semaphore, #tpu.memory_space<semaphore_mem>>)
    %add3A_201 = arith.constant 80 : i32
    %add3A_202 = arith.addi %mul3A_2, %add3A_201 : i32
    %dma_start3A_203 = tpu.memref_slice %arg4[%add3A_202] : memref<320000xi32, #tpu.memory_space<hbm>> -> memref<80xi32, #tpu.memory_space<hbm>>
    %dma_start3A_204 = tpu.memref_slice %arg4[%add3A_202] : memref<320000xi32, #tpu.memory_space<hbm>> -> memref<80xi32, #tpu.memory_space<hbm>>
    tpu.enqueue_dma source(%dma_start3A_204 : memref<80xi32, #tpu.memory_space<hbm>>) target(%arg8 : memref<80xi32, #tpu.memory_space<vmem>>) target_semaphore(%arg15 : memref<!tpu.dma_semaphore, #tpu.memory_space<semaphore_mem>>)
    %dma_start3A_205 = arith.constant 80 : i32
    %dma_start3A_206 = tpu.memref_slice %arg6[%dma_start3A_205] : memref<10000xi32, #tpu.memory_space<vmem>> -> memref<80xi32, #tpu.memory_space<vmem>>
    %dma_start3A_207 = arith.constant 0 : i32
    %dma_start3A_208 = arith.constant 0 : i32
    %dma_start3A_209 = tpu.memref_slice %arg2[%dma_start3A_207, %dma_start3A_208] : memref<10000x128xf32, #tpu.memory_space<hbm>> -> memref<10000x128xf32, #tpu.memory_space<hbm>>
    tpu.enqueue_indirect_dma source(%dma_start3A_209 : memref<10000x128xf32, #tpu.memory_space<hbm>>) target(%arg11 : memref<80x128xf32, #tpu.memory_space<vmem>>) offsets(%dma_start3A_206 : memref<80xi32, #tpu.memory_space<vmem>>) semaphore(%arg18 : memref<!tpu.dma_semaphore, #tpu.memory_space<semaphore_mem>>)
    %add3A_210 = arith.constant 160 : i32
    %add3A_211 = arith.addi %mul3A_2, %add3A_210 : i32
    %dma_start3A_212 = tpu.memref_slice %arg4[%add3A_211] : memref<320000xi32, #tpu.memory_space<hbm>> -> memref<80xi32, #tpu.memory_space<hbm>>
    %dma_start3A_213 = tpu.memref_slice %arg4[%add3A_211] : memref<320000xi32, #tpu.memory_space<hbm>> -> memref<80xi32, #tpu.memory_space<hbm>>
    tpu.enqueue_dma source(%dma_start3A_213 : memref<80xi32, #tpu.memory_space<hbm>>) target(%arg9 : memref<80xi32, #tpu.memory_space<vmem>>) target_semaphore(%arg16 : memref<!tpu.dma_semaphore, #tpu.memory_space<semaphore_mem>>)
    %dma_start3A_214 = arith.constant 160 : i32
    %dma_start3A_215 = tpu.memref_slice %arg6[%dma_start3A_214] : memref<10000xi32, #tpu.memory_space<vmem>> -> memref<80xi32, #tpu.memory_space<vmem>>
    %dma_start3A_216 = arith.constant 0 : i32
    %dma_start3A_217 = arith.constant 0 : i32
    %dma_start3A_218 = tpu.memref_slice %arg2[%dma_start3A_216, %dma_start3A_217] : memref<10000x128xf32, #tpu.memory_space<hbm>> -> memref<10000x128xf32, #tpu.memory_space<hbm>>
    tpu.enqueue_indirect_dma source(%dma_start3A_218 : memref<10000x128xf32, #tpu.memory_space<hbm>>) target(%arg12 : memref<80x128xf32, #tpu.memory_space<vmem>>) offsets(%dma_start3A_215 : memref<80xi32, #tpu.memory_space<vmem>>) semaphore(%arg19 : memref<!tpu.dma_semaphore, #tpu.memory_space<semaphore_mem>>)
    %scan3A_219 = arith.constant 0 : i32
    %scan3A_220 = arith.constant 0 : i32
    %scan3A_221 = arith.constant 41 : i32
    %scan3A_222 = arith.addi %scan3A_220, %scan3A_221 : i32
    %scan3A_223 = arith.constant 1 : i32
    %scan3A_224 = scf.for %scan3A_250 = %scan3A_220 to %scan3A_222 step %scan3A_223 iter_args(%scan3A_251 = %scan3A_219) -> (i32)  : i32 {
      %mul3A_252 = arith.constant 3 : i32
      %mul3A_253 = arith.muli %scan3A_250, %mul3A_252 : i32
      %add3A_254 = arith.constant 0 : i32
      %add3A_255 = arith.addi %mul3A_253, %add3A_254 : i32
      %mul3A_256 = arith.constant 80 : i32
      %mul3A_257 = arith.muli %add3A_255, %mul3A_256 : i32
      %add3A_258 = arith.addi %mul3A_2, %mul3A_257 : i32
      %dma_wait3A_259 = tpu.memref_slice %arg4[%add3A_258] : memref<320000xi32, #tpu.memory_space<hbm>> -> memref<80xi32, #tpu.memory_space<hbm>>
      %dma_wait3A_260 = tpu.memref_slice %arg4[%add3A_258] : memref<320000xi32, #tpu.memory_space<hbm>> -> memref<80xi32, #tpu.memory_space<hbm>>
      tpu.wait_dma2 semaphore(%arg14 : memref<!tpu.dma_semaphore, #tpu.memory_space<semaphore_mem>>) src(%dma_wait3A_260 : memref<80xi32, #tpu.memory_space<hbm>>) dst(%arg7 : memref<80xi32, #tpu.memory_space<vmem>>)
      %mul3A_261 = arith.constant 80 : i32
      %mul3A_262 = arith.muli %add3A_255, %mul3A_261 : i32
      %dma_wait3A_263 = tpu.memref_slice %arg6[%mul3A_262] : memref<10000xi32, #tpu.memory_space<vmem>> -> memref<80xi32, #tpu.memory_space<vmem>>
      %dma_wait3A_264 = arith.constant 0 : i32
      %dma_wait3A_265 = arith.constant 0 : i32
      %dma_wait3A_266 = tpu.memref_slice %arg2[%dma_wait3A_264, %dma_wait3A_265] : memref<10000x128xf32, #tpu.memory_space<hbm>> -> memref<10000x128xf32, #tpu.memory_space<hbm>>
      tpu.wait_indirect_dma semaphore(%arg17 : memref<!tpu.dma_semaphore, #tpu.memory_space<semaphore_mem>>) src(%dma_wait3A_266 : memref<10000x128xf32, #tpu.memory_space<hbm>>) dst(%arg10 : memref<80x128xf32, #tpu.memory_space<vmem>>)
      "tpu.region"() ({
        %run_scoped3A = tpu.sem_alloc : memref<!tpu.dma_semaphore, #tpu.memory_space<semaphore_mem>>
        %dma_start3A_318 = arith.constant 0 : i32
        %dma_start3A_319 = arith.constant 0 : i32
        %dma_start3A_320 = tpu.memref_slice %arg13[%dma_start3A_318, %dma_start3A_319] : memref<10000x128xf32, #tpu.memory_space<vmem_shared>> -> memref<10000x128xf32, #tpu.memory_space<vmem_shared>>
        tpu.enqueue_indirect_dma source(%arg10 : memref<80x128xf32, #tpu.memory_space<vmem>>) target(%dma_start3A_320 : memref<10000x128xf32, #tpu.memory_space<vmem_shared>>) offsets(%arg7 : memref<80xi32, #tpu.memory_space<vmem>>) semaphore(%run_scoped3A : memref<!tpu.dma_semaphore, #tpu.memory_space<semaphore_mem>>) {add = true}
        %dma_wait3A_321 = arith.constant 0 : i32
        %dma_wait3A_322 = arith.constant 0 : i32
        %dma_wait3A_323 = tpu.memref_slice %arg13[%dma_wait3A_321, %dma_wait3A_322] : memref<10000x128xf32, #tpu.memory_space<vmem_shared>> -> memref<10000x128xf32, #tpu.memory_space<vmem_shared>>
        tpu.wait_indirect_dma semaphore(%run_scoped3A : memref<!tpu.dma_semaphore, #tpu.memory_space<semaphore_mem>>) src(%arg10 : memref<80x128xf32, #tpu.memory_space<vmem>>) dst(%dma_wait3A_323 : memref<10000x128xf32, #tpu.memory_space<vmem_shared>>)
        tpu.yield
      }) : () -> ()
      %add3A_267 = arith.constant 3 : i32
      %add3A_268 = arith.addi %add3A_255, %add3A_267 : i32
      %lt3A = arith.constant 125 : i32
      %lt3A_269 = arith.cmpi slt, %add3A_268, %lt3A : i32
      %convert_element_type3A_270 = arith.extui %lt3A_269 : i1 to i32
      %cond3A_271 = arith.constant 0 : i32
      %cond3A_272 = arith.cmpi ne, %convert_element_type3A_270, %cond3A_271 : i32
      scf.if %cond3A_272 {
        %mul3A_318 = arith.constant 80 : i32
        %mul3A_319 = arith.muli %add3A_268, %mul3A_318 : i32
        %add3A_320 = arith.addi %mul3A_2, %mul3A_319 : i32
        %dma_start3A_321 = tpu.memref_slice %arg4[%add3A_320] : memref<320000xi32, #tpu.memory_space<hbm>> -> memref<80xi32, #tpu.memory_space<hbm>>
        %dma_start3A_322 = tpu.memref_slice %arg4[%add3A_320] : memref<320000xi32, #tpu.memory_space<hbm>> -> memref<80xi32, #tpu.memory_space<hbm>>
        tpu.enqueue_dma source(%dma_start3A_322 : memref<80xi32, #tpu.memory_space<hbm>>) target(%arg7 : memref<80xi32, #tpu.memory_space<vmem>>) target_semaphore(%arg14 : memref<!tpu.dma_semaphore, #tpu.memory_space<semaphore_mem>>)
        %mul3A_323 = arith.constant 80 : i32
        %mul3A_324 = arith.muli %add3A_268, %mul3A_323 : i32
        %dma_start3A_325 = tpu.memref_slice %arg6[%mul3A_324] : memref<10000xi32, #tpu.memory_space<vmem>> -> memref<80xi32, #tpu.memory_space<vmem>>
        %dma_start3A_326 = arith.constant 0 : i32
        %dma_start3A_327 = arith.constant 0 : i32
        %dma_start3A_328 = tpu.memref_slice %arg2[%dma_start3A_326, %dma_start3A_327] : memref<10000x128xf32, #tpu.memory_space<hbm>> -> memref<10000x128xf32, #tpu.memory_space<hbm>>
        tpu.enqueue_indirect_dma source(%dma_start3A_328 : memref<10000x128xf32, #tpu.memory_space<hbm>>) target(%arg10 : memref<80x128xf32, #tpu.memory_space<vmem>>) offsets(%dma_start3A_325 : memref<80xi32, #tpu.memory_space<vmem>>) semaphore(%arg17 : memref<!tpu.dma_semaphore, #tpu.memory_space<semaphore_mem>>)
      } else {
      }
      %mul3A_273 = arith.constant 3 : i32
      %mul3A_274 = arith.muli %scan3A_250, %mul3A_273 : i32
      %add3A_275 = arith.constant 1 : i32
      %add3A_276 = arith.addi %mul3A_274, %add3A_275 : i32
      %mul3A_277 = arith.constant 80 : i32
      %mul3A_278 = arith.muli %add3A_276, %mul3A_277 : i32
      %add3A_279 = arith.addi %mul3A_2, %mul3A_278 : i32
      %dma_wait3A_280 = tpu.memref_slice %arg4[%add3A_279] : memref<320000xi32, #tpu.memory_space<hbm>> -> memref<80xi32, #tpu.memory_space<hbm>>
      %dma_wait3A_281 = tpu.memref_slice %arg4[%add3A_279] : memref<320000xi32, #tpu.memory_space<hbm>> -> memref<80xi32, #tpu.memory_space<hbm>>
      tpu.wait_dma2 semaphore(%arg15 : memref<!tpu.dma_semaphore, #tpu.memory_space<semaphore_mem>>) src(%dma_wait3A_281 : memref<80xi32, #tpu.memory_space<hbm>>) dst(%arg8 : memref<80xi32, #tpu.memory_space<vmem>>)
      %mul3A_282 = arith.constant 80 : i32
      %mul3A_283 = arith.muli %add3A_276, %mul3A_282 : i32
      %dma_wait3A_284 = tpu.memref_slice %arg6[%mul3A_283] : memref<10000xi32, #tpu.memory_space<vmem>> -> memref<80xi32, #tpu.memory_space<vmem>>
      %dma_wait3A_285 = arith.constant 0 : i32
      %dma_wait3A_286 = arith.constant 0 : i32
      %dma_wait3A_287 = tpu.memref_slice %arg2[%dma_wait3A_285, %dma_wait3A_286] : memref<10000x128xf32, #tpu.memory_space<hbm>> -> memref<10000x128xf32, #tpu.memory_space<hbm>>
      tpu.wait_indirect_dma semaphore(%arg18 : memref<!tpu.dma_semaphore, #tpu.memory_space<semaphore_mem>>) src(%dma_wait3A_287 : memref<10000x128xf32, #tpu.memory_space<hbm>>) dst(%arg11 : memref<80x128xf32, #tpu.memory_space<vmem>>)
      "tpu.region"() ({
        %run_scoped3A = tpu.sem_alloc : memref<!tpu.dma_semaphore, #tpu.memory_space<semaphore_mem>>
        %dma_start3A_318 = arith.constant 0 : i32
        %dma_start3A_319 = arith.constant 0 : i32
        %dma_start3A_320 = tpu.memref_slice %arg13[%dma_start3A_318, %dma_start3A_319] : memref<10000x128xf32, #tpu.memory_space<vmem_shared>> -> memref<10000x128xf32, #tpu.memory_space<vmem_shared>>
        tpu.enqueue_indirect_dma source(%arg11 : memref<80x128xf32, #tpu.memory_space<vmem>>) target(%dma_start3A_320 : memref<10000x128xf32, #tpu.memory_space<vmem_shared>>) offsets(%arg8 : memref<80xi32, #tpu.memory_space<vmem>>) semaphore(%run_scoped3A : memref<!tpu.dma_semaphore, #tpu.memory_space<semaphore_mem>>) {add = true}
        %dma_wait3A_321 = arith.constant 0 : i32
        %dma_wait3A_322 = arith.constant 0 : i32
        %dma_wait3A_323 = tpu.memref_slice %arg13[%dma_wait3A_321, %dma_wait3A_322] : memref<10000x128xf32, #tpu.memory_space<vmem_shared>> -> memref<10000x128xf32, #tpu.memory_space<vmem_shared>>
        tpu.wait_indirect_dma semaphore(%run_scoped3A : memref<!tpu.dma_semaphore, #tpu.memory_space<semaphore_mem>>) src(%arg11 : memref<80x128xf32, #tpu.memory_space<vmem>>) dst(%dma_wait3A_323 : memref<10000x128xf32, #tpu.memory_space<vmem_shared>>)
        tpu.yield
      }) : () -> ()
      %add3A_288 = arith.constant 3 : i32
      %add3A_289 = arith.addi %add3A_276, %add3A_288 : i32
      %lt3A_290 = arith.constant 125 : i32
      %lt3A_291 = arith.cmpi slt, %add3A_289, %lt3A_290 : i32
      %convert_element_type3A_292 = arith.extui %lt3A_291 : i1 to i32
      %cond3A_293 = arith.constant 0 : i32
      %cond3A_294 = arith.cmpi ne, %convert_element_type3A_292, %cond3A_293 : i32
      scf.if %cond3A_294 {
        %mul3A_318 = arith.constant 80 : i32
        %mul3A_319 = arith.muli %add3A_289, %mul3A_318 : i32
        %add3A_320 = arith.addi %mul3A_2, %mul3A_319 : i32
        %dma_start3A_321 = tpu.memref_slice %arg4[%add3A_320] : memref<320000xi32, #tpu.memory_space<hbm>> -> memref<80xi32, #tpu.memory_space<hbm>>
        %dma_start3A_322 = tpu.memref_slice %arg4[%add3A_320] : memref<320000xi32, #tpu.memory_space<hbm>> -> memref<80xi32, #tpu.memory_space<hbm>>
        tpu.enqueue_dma source(%dma_start3A_322 : memref<80xi32, #tpu.memory_space<hbm>>) target(%arg8 : memref<80xi32, #tpu.memory_space<vmem>>) target_semaphore(%arg15 : memref<!tpu.dma_semaphore, #tpu.memory_space<semaphore_mem>>)
        %mul3A_323 = arith.constant 80 : i32
        %mul3A_324 = arith.muli %add3A_289, %mul3A_323 : i32
        %dma_start3A_325 = tpu.memref_slice %arg6[%mul3A_324] : memref<10000xi32, #tpu.memory_space<vmem>> -> memref<80xi32, #tpu.memory_space<vmem>>
        %dma_start3A_326 = arith.constant 0 : i32
        %dma_start3A_327 = arith.constant 0 : i32
        %dma_start3A_328 = tpu.memref_slice %arg2[%dma_start3A_326, %dma_start3A_327] : memref<10000x128xf32, #tpu.memory_space<hbm>> -> memref<10000x128xf32, #tpu.memory_space<hbm>>
        tpu.enqueue_indirect_dma source(%dma_start3A_328 : memref<10000x128xf32, #tpu.memory_space<hbm>>) target(%arg11 : memref<80x128xf32, #tpu.memory_space<vmem>>) offsets(%dma_start3A_325 : memref<80xi32, #tpu.memory_space<vmem>>) semaphore(%arg18 : memref<!tpu.dma_semaphore, #tpu.memory_space<semaphore_mem>>)
      } else {
      }
      %mul3A_295 = arith.constant 3 : i32
      %mul3A_296 = arith.muli %scan3A_250, %mul3A_295 : i32
      %add3A_297 = arith.constant 2 : i32
      %add3A_298 = arith.addi %mul3A_296, %add3A_297 : i32
      %mul3A_299 = arith.constant 80 : i32
      %mul3A_300 = arith.muli %add3A_298, %mul3A_299 : i32
      %add3A_301 = arith.addi %mul3A_2, %mul3A_300 : i32
      %dma_wait3A_302 = tpu.memref_slice %arg4[%add3A_301] : memref<320000xi32, #tpu.memory_space<hbm>> -> memref<80xi32, #tpu.memory_space<hbm>>
      %dma_wait3A_303 = tpu.memref_slice %arg4[%add3A_301] : memref<320000xi32, #tpu.memory_space<hbm>> -> memref<80xi32, #tpu.memory_space<hbm>>
      tpu.wait_dma2 semaphore(%arg16 : memref<!tpu.dma_semaphore, #tpu.memory_space<semaphore_mem>>) src(%dma_wait3A_303 : memref<80xi32, #tpu.memory_space<hbm>>) dst(%arg9 : memref<80xi32, #tpu.memory_space<vmem>>)
      %mul3A_304 = arith.constant 80 : i32
      %mul3A_305 = arith.muli %add3A_298, %mul3A_304 : i32
      %dma_wait3A_306 = tpu.memref_slice %arg6[%mul3A_305] : memref<10000xi32, #tpu.memory_space<vmem>> -> memref<80xi32, #tpu.memory_space<vmem>>
      %dma_wait3A_307 = arith.constant 0 : i32
      %dma_wait3A_308 = arith.constant 0 : i32
      %dma_wait3A_309 = tpu.memref_slice %arg2[%dma_wait3A_307, %dma_wait3A_308] : memref<10000x128xf32, #tpu.memory_space<hbm>> -> memref<10000x128xf32, #tpu.memory_space<hbm>>
      tpu.wait_indirect_dma semaphore(%arg19 : memref<!tpu.dma_semaphore, #tpu.memory_space<semaphore_mem>>) src(%dma_wait3A_309 : memref<10000x128xf32, #tpu.memory_space<hbm>>) dst(%arg12 : memref<80x128xf32, #tpu.memory_space<vmem>>)
      "tpu.region"() ({
        %run_scoped3A = tpu.sem_alloc : memref<!tpu.dma_semaphore, #tpu.memory_space<semaphore_mem>>
        %dma_start3A_318 = arith.constant 0 : i32
        %dma_start3A_319 = arith.constant 0 : i32
        %dma_start3A_320 = tpu.memref_slice %arg13[%dma_start3A_318, %dma_start3A_319] : memref<10000x128xf32, #tpu.memory_space<vmem_shared>> -> memref<10000x128xf32, #tpu.memory_space<vmem_shared>>
        tpu.enqueue_indirect_dma source(%arg12 : memref<80x128xf32, #tpu.memory_space<vmem>>) target(%dma_start3A_320 : memref<10000x128xf32, #tpu.memory_space<vmem_shared>>) offsets(%arg9 : memref<80xi32, #tpu.memory_space<vmem>>) semaphore(%run_scoped3A : memref<!tpu.dma_semaphore, #tpu.memory_space<semaphore_mem>>) {add = true}
        %dma_wait3A_321 = arith.constant 0 : i32
        %dma_wait3A_322 = arith.constant 0 : i32
        %dma_wait3A_323 = tpu.memref_slice %arg13[%dma_wait3A_321, %dma_wait3A_322] : memref<10000x128xf32, #tpu.memory_space<vmem_shared>> -> memref<10000x128xf32, #tpu.memory_space<vmem_shared>>
        tpu.wait_indirect_dma semaphore(%run_scoped3A : memref<!tpu.dma_semaphore, #tpu.memory_space<semaphore_mem>>) src(%arg12 : memref<80x128xf32, #tpu.memory_space<vmem>>) dst(%dma_wait3A_323 : memref<10000x128xf32, #tpu.memory_space<vmem_shared>>)
        tpu.yield
      }) : () -> ()
      %add3A_310 = arith.constant 3 : i32
      %add3A_311 = arith.addi %add3A_298, %add3A_310 : i32
      %lt3A_312 = arith.constant 125 : i32
      %lt3A_313 = arith.cmpi slt, %add3A_311, %lt3A_312 : i32
      %convert_element_type3A_314 = arith.extui %lt3A_313 : i1 to i32
      %cond3A_315 = arith.constant 0 : i32
      %cond3A_316 = arith.cmpi ne, %convert_element_type3A_314, %cond3A_315 : i32
      scf.if %cond3A_316 {
        %mul3A_318 = arith.constant 80 : i32
        %mul3A_319 = arith.muli %add3A_311, %mul3A_318 : i32
        %add3A_320 = arith.addi %mul3A_2, %mul3A_319 : i32
        %dma_start3A_321 = tpu.memref_slice %arg4[%add3A_320] : memref<320000xi32, #tpu.memory_space<hbm>> -> memref<80xi32, #tpu.memory_space<hbm>>
        %dma_start3A_322 = tpu.memref_slice %arg4[%add3A_320] : memref<320000xi32, #tpu.memory_space<hbm>> -> memref<80xi32, #tpu.memory_space<hbm>>
        tpu.enqueue_dma source(%dma_start3A_322 : memref<80xi32, #tpu.memory_space<hbm>>) target(%arg9 : memref<80xi32, #tpu.memory_space<vmem>>) target_semaphore(%arg16 : memref<!tpu.dma_semaphore, #tpu.memory_space<semaphore_mem>>)
        %mul3A_323 = arith.constant 80 : i32
        %mul3A_324 = arith.muli %add3A_311, %mul3A_323 : i32
        %dma_start3A_325 = tpu.memref_slice %arg6[%mul3A_324] : memref<10000xi32, #tpu.memory_space<vmem>> -> memref<80xi32, #tpu.memory_space<vmem>>
        %dma_start3A_326 = arith.constant 0 : i32
        %dma_start3A_327 = arith.constant 0 : i32
        %dma_start3A_328 = tpu.memref_slice %arg2[%dma_start3A_326, %dma_start3A_327] : memref<10000x128xf32, #tpu.memory_space<hbm>> -> memref<10000x128xf32, #tpu.memory_space<hbm>>
        tpu.enqueue_indirect_dma source(%dma_start3A_328 : memref<10000x128xf32, #tpu.memory_space<hbm>>) target(%arg12 : memref<80x128xf32, #tpu.memory_space<vmem>>) offsets(%dma_start3A_325 : memref<80xi32, #tpu.memory_space<vmem>>) semaphore(%arg19 : memref<!tpu.dma_semaphore, #tpu.memory_space<semaphore_mem>>)
      } else {
      }
      %scan3A_317 = arith.constant 0 : i32
      scf.yield %scan3A_317 : i32
    }
    %scan3A_225 = arith.constant 41 : i32
    %add3A_226 = arith.constant 9840 : i32
    %add3A_227 = arith.addi %mul3A_2, %add3A_226 : i32
    %dma_wait3A_228 = tpu.memref_slice %arg4[%add3A_227] : memref<320000xi32, #tpu.memory_space<hbm>> -> memref<80xi32, #tpu.memory_space<hbm>>
    %dma_wait3A_229 = tpu.memref_slice %arg4[%add3A_227] : memref<320000xi32, #tpu.memory_space<hbm>> -> memref<80xi32, #tpu.memory_space<hbm>>
    tpu.wait_dma2 semaphore(%arg14 : memref<!tpu.dma_semaphore, #tpu.memory_space<semaphore_mem>>) src(%dma_wait3A_229 : memref<80xi32, #tpu.memory_space<hbm>>) dst(%arg7 : memref<80xi32, #tpu.memory_space<vmem>>)
    %dma_wait3A_230 = arith.constant 9840 : i32
    %dma_wait3A_231 = tpu.memref_slice %arg6[%dma_wait3A_230] : memref<10000xi32, #tpu.memory_space<vmem>> -> memref<80xi32, #tpu.memory_space<vmem>>
    %dma_wait3A_232 = arith.constant 0 : i32
    %dma_wait3A_233 = arith.constant 0 : i32
    %dma_wait3A_234 = tpu.memref_slice %arg2[%dma_wait3A_232, %dma_wait3A_233] : memref<10000x128xf32, #tpu.memory_space<hbm>> -> memref<10000x128xf32, #tpu.memory_space<hbm>>
    tpu.wait_indirect_dma semaphore(%arg17 : memref<!tpu.dma_semaphore, #tpu.memory_space<semaphore_mem>>) src(%dma_wait3A_234 : memref<10000x128xf32, #tpu.memory_space<hbm>>) dst(%arg10 : memref<80x128xf32, #tpu.memory_space<vmem>>)
    "tpu.region"() ({
      %run_scoped3A = tpu.sem_alloc : memref<!tpu.dma_semaphore, #tpu.memory_space<semaphore_mem>>
      %dma_start3A_250 = arith.constant 0 : i32
      %dma_start3A_251 = arith.constant 0 : i32
      %dma_start3A_252 = tpu.memref_slice %arg13[%dma_start3A_250, %dma_start3A_251] : memref<10000x128xf32, #tpu.memory_space<vmem_shared>> -> memref<10000x128xf32, #tpu.memory_space<vmem_shared>>
      tpu.enqueue_indirect_dma source(%arg10 : memref<80x128xf32, #tpu.memory_space<vmem>>) target(%dma_start3A_252 : memref<10000x128xf32, #tpu.memory_space<vmem_shared>>) offsets(%arg7 : memref<80xi32, #tpu.memory_space<vmem>>) semaphore(%run_scoped3A : memref<!tpu.dma_semaphore, #tpu.memory_space<semaphore_mem>>) {add = true}
      %dma_wait3A_253 = arith.constant 0 : i32
      %dma_wait3A_254 = arith.constant 0 : i32
      %dma_wait3A_255 = tpu.memref_slice %arg13[%dma_wait3A_253, %dma_wait3A_254] : memref<10000x128xf32, #tpu.memory_space<vmem_shared>> -> memref<10000x128xf32, #tpu.memory_space<vmem_shared>>
      tpu.wait_indirect_dma semaphore(%run_scoped3A : memref<!tpu.dma_semaphore, #tpu.memory_space<semaphore_mem>>) src(%arg10 : memref<80x128xf32, #tpu.memory_space<vmem>>) dst(%dma_wait3A_255 : memref<10000x128xf32, #tpu.memory_space<vmem_shared>>)
      tpu.yield
    }) : () -> ()
    %add3A_235 = arith.constant 9920 : i32
    %add3A_236 = arith.addi %mul3A_2, %add3A_235 : i32
    %dma_wait3A_237 = tpu.memref_slice %arg4[%add3A_236] : memref<320000xi32, #tpu.memory_space<hbm>> -> memref<80xi32, #tpu.memory_space<hbm>>
    %dma_wait3A_238 = tpu.memref_slice %arg4[%add3A_236] : memref<320000xi32, #tpu.memory_space<hbm>> -> memref<80xi32, #tpu.memory_space<hbm>>
    tpu.wait_dma2 semaphore(%arg15 : memref<!tpu.dma_semaphore, #tpu.memory_space<semaphore_mem>>) src(%dma_wait3A_238 : memref<80xi32, #tpu.memory_space<hbm>>) dst(%arg8 : memref<80xi32, #tpu.memory_space<vmem>>)
    %dma_wait3A_239 = arith.constant 9920 : i32
    %dma_wait3A_240 = tpu.memref_slice %arg6[%dma_wait3A_239] : memref<10000xi32, #tpu.memory_space<vmem>> -> memref<80xi32, #tpu.memory_space<vmem>>
    %dma_wait3A_241 = arith.constant 0 : i32
    %dma_wait3A_242 = arith.constant 0 : i32
    %dma_wait3A_243 = tpu.memref_slice %arg2[%dma_wait3A_241, %dma_wait3A_242] : memref<10000x128xf32, #tpu.memory_space<hbm>> -> memref<10000x128xf32, #tpu.memory_space<hbm>>
    tpu.wait_indirect_dma semaphore(%arg18 : memref<!tpu.dma_semaphore, #tpu.memory_space<semaphore_mem>>) src(%dma_wait3A_243 : memref<10000x128xf32, #tpu.memory_space<hbm>>) dst(%arg11 : memref<80x128xf32, #tpu.memory_space<vmem>>)
    "tpu.region"() ({
      %run_scoped3A = tpu.sem_alloc : memref<!tpu.dma_semaphore, #tpu.memory_space<semaphore_mem>>
      %dma_start3A_250 = arith.constant 0 : i32
      %dma_start3A_251 = arith.constant 0 : i32
      %dma_start3A_252 = tpu.memref_slice %arg13[%dma_start3A_250, %dma_start3A_251] : memref<10000x128xf32, #tpu.memory_space<vmem_shared>> -> memref<10000x128xf32, #tpu.memory_space<vmem_shared>>
      tpu.enqueue_indirect_dma source(%arg11 : memref<80x128xf32, #tpu.memory_space<vmem>>) target(%dma_start3A_252 : memref<10000x128xf32, #tpu.memory_space<vmem_shared>>) offsets(%arg8 : memref<80xi32, #tpu.memory_space<vmem>>) semaphore(%run_scoped3A : memref<!tpu.dma_semaphore, #tpu.memory_space<semaphore_mem>>) {add = true}
      %dma_wait3A_253 = arith.constant 0 : i32
      %dma_wait3A_254 = arith.constant 0 : i32
      %dma_wait3A_255 = tpu.memref_slice %arg13[%dma_wait3A_253, %dma_wait3A_254] : memref<10000x128xf32, #tpu.memory_space<vmem_shared>> -> memref<10000x128xf32, #tpu.memory_space<vmem_shared>>
      tpu.wait_indirect_dma semaphore(%run_scoped3A : memref<!tpu.dma_semaphore, #tpu.memory_space<semaphore_mem>>) src(%arg11 : memref<80x128xf32, #tpu.memory_space<vmem>>) dst(%dma_wait3A_255 : memref<10000x128xf32, #tpu.memory_space<vmem_shared>>)
      tpu.yield
    }) : () -> ()
    %barrier3A_244 = arith.constant 0 : index
    tpu.barrier barrier_id(%barrier3A_244)
    "tpu.region"() ({
      %run_scoped3A = tpu.sem_alloc : memref<!tpu.dma_semaphore, #tpu.memory_space<semaphore_mem>>
      %dma_start3A_250 = arith.constant 0 : i32
      %dma_start3A_251 = tpu.memref_slice %arg5[%arg0, %mul3A_13, %dma_start3A_250] : memref<2x10000x128xf32, #tpu.memory_space<hbm>> -> memref<1x624x128xf32, #tpu.memory_space<hbm>>
      %dma_start3A_252 = tpu.memref_squeeze %dma_start3A_251 : memref<1x624x128xf32, #tpu.memory_space<hbm>> -> memref<624x128xf32, #tpu.memory_space<hbm>>
      %dma_start3A_253 = arith.constant 0 : i32
      %dma_start3A_254 = tpu.memref_slice %arg13[%mul3A_13, %dma_start3A_253] : memref<10000x128xf32, #tpu.memory_space<vmem_shared>> -> memref<624x128xf32, #tpu.memory_space<vmem_shared>>
      tpu.enqueue_dma source(%dma_start3A_254 : memref<624x128xf32, #tpu.memory_space<vmem_shared>>) target(%dma_start3A_252 : memref<624x128xf32, #tpu.memory_space<hbm>>) target_semaphore(%run_scoped3A : memref<!tpu.dma_semaphore, #tpu.memory_space<semaphore_mem>>)
      %dma_wait3A_255 = arith.constant 0 : i32
      %dma_wait3A_256 = tpu.memref_slice %arg5[%arg0, %mul3A_13, %dma_wait3A_255] : memref<2x10000x128xf32, #tpu.memory_space<hbm>> -> memref<1x624x128xf32, #tpu.memory_space<hbm>>
      %dma_wait3A_257 = tpu.memref_squeeze %dma_wait3A_256 : memref<1x624x128xf32, #tpu.memory_space<hbm>> -> memref<624x128xf32, #tpu.memory_space<hbm>>
      %dma_wait3A_258 = arith.constant 0 : i32
      %dma_wait3A_259 = tpu.memref_slice %arg13[%mul3A_13, %dma_wait3A_258] : memref<10000x128xf32, #tpu.memory_space<vmem_shared>> -> memref<624x128xf32, #tpu.memory_space<vmem_shared>>
      tpu.wait_dma2 semaphore(%run_scoped3A : memref<!tpu.dma_semaphore, #tpu.memory_space<semaphore_mem>>) src(%dma_wait3A_259 : memref<624x128xf32, #tpu.memory_space<vmem_shared>>) dst(%dma_wait3A_257 : memref<624x128xf32, #tpu.memory_space<hbm>>)
      tpu.yield
    }) : () -> ()
    %eq3A_245 = arith.constant 15 : i32
    %eq3A_246 = arith.cmpi eq, %arg1, %eq3A_245 : i32
    %convert_element_type3A_247 = arith.extui %eq3A_246 : i1 to i32
    %cond3A_248 = arith.constant 0 : i32
    %cond3A_249 = arith.cmpi ne, %convert_element_type3A_247, %cond3A_248 : i32
    scf.if %cond3A_249 {
      "tpu.region"() ({
        %run_scoped3A = tpu.sem_alloc : memref<!tpu.dma_semaphore, #tpu.memory_space<semaphore_mem>>
        %dma_start3A_250 = arith.constant 9984 : i32
        %dma_start3A_251 = arith.constant 0 : i32
        %dma_start3A_252 = tpu.memref_slice %arg5[%arg0, %dma_start3A_250, %dma_start3A_251] : memref<2x10000x128xf32, #tpu.memory_space<hbm>> -> memref<1x16x128xf32, #tpu.memory_space<hbm>>
        %dma_start3A_253 = tpu.memref_squeeze %dma_start3A_252 : memref<1x16x128xf32, #tpu.memory_space<hbm>> -> memref<16x128xf32, #tpu.memory_space<hbm>>
        %dma_start3A_254 = arith.constant 9984 : i32
        %dma_start3A_255 = arith.constant 0 : i32
        %dma_start3A_256 = tpu.memref_slice %arg13[%dma_start3A_254, %dma_start3A_255] : memref<10000x128xf32, #tpu.memory_space<vmem_shared>> -> memref<16x128xf32, #tpu.memory_space<vmem_shared>>
        tpu.enqueue_dma source(%dma_start3A_256 : memref<16x128xf32, #tpu.memory_space<vmem_shared>>) target(%dma_start3A_253 : memref<16x128xf32, #tpu.memory_space<hbm>>) target_semaphore(%run_scoped3A : memref<!tpu.dma_semaphore, #tpu.memory_space<semaphore_mem>>)
        %dma_wait3A_257 = arith.constant 9984 : i32
        %dma_wait3A_258 = arith.constant 0 : i32
        %dma_wait3A_259 = tpu.memref_slice %arg5[%arg0, %dma_wait3A_257, %dma_wait3A_258] : memref<2x10000x128xf32, #tpu.memory_space<hbm>> -> memref<1x16x128xf32, #tpu.memory_space<hbm>>
        %dma_wait3A_260 = tpu.memref_squeeze %dma_wait3A_259 : memref<1x16x128xf32, #tpu.memory_space<hbm>> -> memref<16x128xf32, #tpu.memory_space<hbm>>
        %dma_wait3A_261 = arith.constant 9984 : i32
        %dma_wait3A_262 = arith.constant 0 : i32
        %dma_wait3A_263 = tpu.memref_slice %arg13[%dma_wait3A_261, %dma_wait3A_262] : memref<10000x128xf32, #tpu.memory_space<vmem_shared>> -> memref<16x128xf32, #tpu.memory_space<vmem_shared>>
        tpu.wait_dma2 semaphore(%run_scoped3A : memref<!tpu.dma_semaphore, #tpu.memory_space<semaphore_mem>>) src(%dma_wait3A_263 : memref<16x128xf32, #tpu.memory_space<vmem_shared>>) dst(%dma_wait3A_260 : memref<16x128xf32, #tpu.memory_space<hbm>>)
        tpu.yield
      }) : () -> ()
    } else {
    }
    return
  }
}

#map = affine_map<(d0, d1) -> (0, 0)>
#map1 = affine_map<(d0, d1) -> (0)>
#map2 = affine_map<(d0, d1) -> (0, 0, 0)>
module attributes {stable_mosaic.version = 14 : i64} {
  func.func @seg_sum(%arg0: i32, %arg1: i32, %arg2: memref<10000x128xf32, #tpu.memory_space<hbm>>, %arg3: memref<320000xi32, #tpu.memory_space<hbm>>, %arg4: memref<320000xi32, #tpu.memory_space<hbm>>, %arg5: memref<2x10000x128xf32, #tpu.memory_space<hbm>>, %arg6: memref<10000xi32, #tpu.memory_space<vmem>>, %arg7: memref<80xi32, #tpu.memory_space<vmem>>, %arg8: memref<80xi32, #tpu.memory_space<vmem>>, %arg9: memref<80xi32, #tpu.memory_space<vmem>>, %arg10: memref<80x128xf32, #tpu.memory_space<vmem>>, %arg11: memref<80x128xf32, #tpu.memory_space<vmem>>, %arg12: memref<80x128xf32, #tpu.memory_space<vmem>>, %arg13: memref<10000x128xf32, #tpu.memory_space<vmem_shared>>, %arg14: memref<!tpu.dma_semaphore, #tpu.memory_space<semaphore_mem>>, %arg15: memref<!tpu.dma_semaphore, #tpu.memory_space<semaphore_mem>>, %arg16: memref<!tpu.dma_semaphore, #tpu.memory_space<semaphore_mem>>, %arg17: memref<!tpu.dma_semaphore, #tpu.memory_space<semaphore_mem>>, %arg18: memref<!tpu.dma_semaphore, #tpu.memory_space<semaphore_mem>>, %arg19: memref<!tpu.dma_semaphore, #tpu.memory_space<semaphore_mem>>, %arg20: memref<!tpu.dma_semaphore, #tpu.memory_space<semaphore_mem>>) attributes {dimension_semantics = [#tpu.dimension_semantics<core_parallel>, #tpu.dimension_semantics<subcore_parallel>], iteration_bounds = array<i64: 2, 16>, scalar_prefetch = 0 : i64, scratch_operands = 15 : i64, tpu.core_type = #tpu.core_type<sc_vector_subcore>, window_params = [{transform_indices = #map}, {transform_indices = #map1}, {transform_indices = #map1}, {transform_indices = #map2}]} {
    %mul3A = arith.constant 16 : i32
    %mul3A_0 = arith.muli %arg0, %mul3A : i32
    %add3A = arith.addi %mul3A_0, %arg1 : i32
    %mul3A_1 = arith.constant 10000 : i32
    %mul3A_2 = arith.muli %add3A, %mul3A_1 : i32
    %dma_start3A = tpu.memref_slice %arg3[%mul3A_2] : memref<320000xi32, #tpu.memory_space<hbm>> -> memref<10000xi32, #tpu.memory_space<hbm>>
    %dma_start3A_3 = tpu.memref_slice %arg3[%mul3A_2] : memref<320000xi32, #tpu.memory_space<hbm>> -> memref<10000xi32, #tpu.memory_space<hbm>>
    tpu.enqueue_dma source(%dma_start3A_3 : memref<10000xi32, #tpu.memory_space<hbm>>) target(%arg6 : memref<10000xi32, #tpu.memory_space<vmem>>) target_semaphore(%arg20 : memref<!tpu.dma_semaphore, #tpu.memory_space<semaphore_mem>>)
    %broadcast_in_dim3A = arith.constant 0.000000e+00 : f32
    %broadcast_in_dim3A_4 = vector.broadcast %broadcast_in_dim3A : f32 to vector<16xf32>
    %scan3A = arith.constant 0 : i32
    %scan3A_5 = arith.constant 0 : i32
    %scan3A_6 = arith.constant 80 : i32
    %scan3A_7 = arith.addi %scan3A_5, %scan3A_6 : i32
    %scan3A_8 = arith.constant 1 : i32
    %scan3A_9 = scf.for %scan3A_250 = %scan3A_5 to %scan3A_7 step %scan3A_8 iter_args(%scan3A_251 = %scan3A) -> (i32)  : i32 {
      %swap3A = arith.index_cast %scan3A_250 : i32 to index
      %swap3A_252 = arith.constant 0 : index
      %swap3A_253 = tpu.vector_load %arg10[%swap3A, %swap3A_252] {strides = array<i32>} : memref<80x128xf32, #tpu.memory_space<vmem>>, vector<1x16xf32>,
      %swap3A_254 = vector.shape_cast %swap3A_253 : vector<1x16xf32> to vector<16xf32>
      %swap3A_255 = vector.shape_cast %broadcast_in_dim3A_4 : vector<16xf32> to vector<1x16xf32>
      tpu.vector_store %arg10[%swap3A, %swap3A_252], %swap3A_255 {strides = array<i32>} : memref<80x128xf32, #tpu.memory_space<vmem>>, vector<1x16xf32>,
      %swap3A_256 = arith.index_cast %scan3A_250 : i32 to index
      %swap3A_257 = arith.constant 16 : index
      %swap3A_258 = tpu.vector_load %arg10[%swap3A_256, %swap3A_257] {strides = array<i32>} : memref<80x128xf32, #tpu.memory_space<vmem>>, vector<1x16xf32>,
      %swap3A_259 = vector.shape_cast %swap3A_258 : vector<1x16xf32> to vector<16xf32>
      %swap3A_260 = vector.shape_cast %broadcast_in_dim3A_4 : vector<16xf32> to vector<1x16xf32>
      tpu.vector_store %arg10[%swap3A_256, %swap3A_257], %swap3A_260 {strides = array<i32>} : memref<80x128xf32, #tpu.memory_space<vmem>>, vector<1x16xf32>,
      %swap3A_261 = arith.index_cast %scan3A_250 : i32 to index
      %swap3A_262 = arith.constant 32 : index
      %swap3A_263 = tpu.vector_load %arg10[%swap3A_261, %swap3A_262] {strides = array<i32>} : memref<80x128xf32, #tpu.memory_space<vmem>>, vector<1x16xf32>,
      %swap3A_264 = vector.shape_cast %swap3A_263 : vector<1x16xf32> to vector<16xf32>
      %swap3A_265 = vector.shape_cast %broadcast_in_dim3A_4 : vector<16xf32> to vector<1x16xf32>
      tpu.vector_store %arg10[%swap3A_261, %swap3A_262], %swap3A_265 {strides = array<i32>} : memref<80x128xf32, #tpu.memory_space<vmem>>, vector<1x16xf32>,
      %swap3A_266 = arith.index_cast %scan3A_250 : i32 to index
      %swap3A_267 = arith.constant 48 : index
      %swap3A_268 = tpu.vector_load %arg10[%swap3A_266, %swap3A_267] {strides = array<i32>} : memref<80x128xf32, #tpu.memory_space<vmem>>, vector<1x16xf32>,
      %swap3A_269 = vector.shape_cast %swap3A_268 : vector<1x16xf32> to vector<16xf32>
      %swap3A_270 = vector.shape_cast %broadcast_in_dim3A_4 : vector<16xf32> to vector<1x16xf32>
      tpu.vector_store %arg10[%swap3A_266, %swap3A_267], %swap3A_270 {strides = array<i32>} : memref<80x128xf32, #tpu.memory_space<vmem>>, vector<1x16xf32>,
      %swap3A_271 = arith.index_cast %scan3A_250 : i32 to index
      %swap3A_272 = arith.constant 64 : index
      %swap3A_273 = tpu.vector_load %arg10[%swap3A_271, %swap3A_272] {strides = array<i32>} : memref<80x128xf32, #tpu.memory_space<vmem>>, vector<1x16xf32>,
      %swap3A_274 = vector.shape_cast %swap3A_273 : vector<1x16xf32> to vector<16xf32>
      %swap3A_275 = vector.shape_cast %broadcast_in_dim3A_4 : vector<16xf32> to vector<1x16xf32>
      tpu.vector_store %arg10[%swap3A_271, %swap3A_272], %swap3A_275 {strides = array<i32>} : memref<80x128xf32, #tpu.memory_space<vmem>>, vector<1x16xf32>,
      %swap3A_276 = arith.index_cast %scan3A_250 : i32 to index
      %swap3A_277 = arith.constant 80 : index
      %swap3A_278 = tpu.vector_load %arg10[%swap3A_276, %swap3A_277] {strides = array<i32>} : memref<80x128xf32, #tpu.memory_space<vmem>>, vector<1x16xf32>,
      %swap3A_279 = vector.shape_cast %swap3A_278 : vector<1x16xf32> to vector<16xf32>
      %swap3A_280 = vector.shape_cast %broadcast_in_dim3A_4 : vector<16xf32> to vector<1x16xf32>
      tpu.vector_store %arg10[%swap3A_276, %swap3A_277], %swap3A_280 {strides = array<i32>} : memref<80x128xf32, #tpu.memory_space<vmem>>, vector<1x16xf32>,
      %swap3A_281 = arith.index_cast %scan3A_250 : i32 to index
      %swap3A_282 = arith.constant 96 : index
      %swap3A_283 = tpu.vector_load %arg10[%swap3A_281, %swap3A_282] {strides = array<i32>} : memref<80x128xf32, #tpu.memory_space<vmem>>, vector<1x16xf32>,
      %swap3A_284 = vector.shape_cast %swap3A_283 : vector<1x16xf32> to vector<16xf32>
      %swap3A_285 = vector.shape_cast %broadcast_in_dim3A_4 : vector<16xf32> to vector<1x16xf32>
      tpu.vector_store %arg10[%swap3A_281, %swap3A_282], %swap3A_285 {strides = array<i32>} : memref<80x128xf32, #tpu.memory_space<vmem>>, vector<1x16xf32>,
      %swap3A_286 = arith.index_cast %scan3A_250 : i32 to index
      %swap3A_287 = arith.constant 112 : index
      %swap3A_288 = tpu.vector_load %arg10[%swap3A_286, %swap3A_287] {strides = array<i32>} : memref<80x128xf32, #tpu.memory_space<vmem>>, vector<1x16xf32>,
      %swap3A_289 = vector.shape_cast %swap3A_288 : vector<1x16xf32> to vector<16xf32>
      %swap3A_290 = vector.shape_cast %broadcast_in_dim3A_4 : vector<16xf32> to vector<1x16xf32>
      tpu.vector_store %arg10[%swap3A_286, %swap3A_287], %swap3A_290 {strides = array<i32>} : memref<80x128xf32, #tpu.memory_space<vmem>>, vector<1x16xf32>,
      %scan3A_291 = arith.constant 0 : i32
      scf.yield %scan3A_291 : i32
    }
    %scan3A_10 = arith.constant 80 : i32
    %dma_wait3A = tpu.memref_slice %arg3[%mul3A_2] : memref<320000xi32, #tpu.memory_space<hbm>> -> memref<10000xi32, #tpu.memory_space<hbm>>
    %dma_wait3A_11 = tpu.memref_slice %arg3[%mul3A_2] : memref<320000xi32, #tpu.memory_space<hbm>> -> memref<10000xi32, #tpu.memory_space<hbm>>
    tpu.wait_dma2 semaphore(%arg20 : memref<!tpu.dma_semaphore, #tpu.memory_space<semaphore_mem>>) src(%dma_wait3A_11 : memref<10000xi32, #tpu.memory_space<hbm>>) dst(%arg6 : memref<10000xi32, #tpu.memory_space<vmem>>)
    %mul3A_12 = arith.constant 624 : i32
    %mul3A_13 = arith.muli %arg1, %mul3A_12 : i32
    %add3A_14 = arith.constant 0 : i32
    %add3A_15 = arith.addi %mul3A_13, %add3A_14 : i32
    %dma_start3A_16 = arith.constant 0 : i32
    %dma_start3A_17 = arith.constant 0 : i32
    %dma_start3A_18 = tpu.memref_slice %arg10[%dma_start3A_16, %dma_start3A_17] : memref<80x128xf32, #tpu.memory_space<vmem>> -> memref<80x128xf32, #tpu.memory_space<vmem>>
    %dma_start3A_19 = arith.constant 0 : i32
    %dma_start3A_20 = tpu.memref_slice %arg13[%add3A_15, %dma_start3A_19] : memref<10000x128xf32, #tpu.memory_space<vmem_shared>> -> memref<80x128xf32, #tpu.memory_space<vmem_shared>>
    %dma_start3A_21 = arith.constant 0 : i32
    %dma_start3A_22 = tpu.memref_slice %arg13[%add3A_15, %dma_start3A_21] : memref<10000x128xf32, #tpu.memory_space<vmem_shared>> -> memref<80x128xf32, #tpu.memory_space<vmem_shared>>
    %dma_start3A_23 = arith.constant 0 : i32
    %dma_start3A_24 = arith.constant 0 : i32
    %dma_start3A_25 = tpu.memref_slice %arg10[%dma_start3A_23, %dma_start3A_24] : memref<80x128xf32, #tpu.memory_space<vmem>> -> memref<80x128xf32, #tpu.memory_space<vmem>>
    tpu.enqueue_dma source(%dma_start3A_25 : memref<80x128xf32, #tpu.memory_space<vmem>>) target(%dma_start3A_22 : memref<80x128xf32, #tpu.memory_space<vmem_shared>>) target_semaphore(%arg20 : memref<!tpu.dma_semaphore, #tpu.memory_space<semaphore_mem>>)
    %add3A_26 = arith.constant 80 : i32
    %add3A_27 = arith.addi %mul3A_13, %add3A_26 : i32
    %dma_start3A_28 = arith.constant 0 : i32
    %dma_start3A_29 = arith.constant 0 : i32
    %dma_start3A_30 = tpu.memref_slice %arg10[%dma_start3A_28, %dma_start3A_29] : memref<80x128xf32, #tpu.memory_space<vmem>> -> memref<80x128xf32, #tpu.memory_space<vmem>>
    %dma_start3A_31 = arith.constant 0 : i32
    %dma_start3A_32 = tpu.memref_slice %arg13[%add3A_27, %dma_start3A_31] : memref<10000x128xf32, #tpu.memory_space<vmem_shared>> -> memref<80x128xf32, #tpu.memory_space<vmem_shared>>
    %dma_start3A_33 = arith.constant 0 : i32
    %dma_start3A_34 = tpu.memref_slice %arg13[%add3A_27, %dma_start3A_33] : memref<10000x128xf32, #tpu.memory_space<vmem_shared>> -> memref<80x128xf32, #tpu.memory_space<vmem_shared>>
    %dma_start3A_35 = arith.constant 0 : i32
    %dma_start3A_36 = arith.constant 0 : i32
    %dma_start3A_37 = tpu.memref_slice %arg10[%dma_start3A_35, %dma_start3A_36] : memref<80x128xf32, #tpu.memory_space<vmem>> -> memref<80x128xf32, #tpu.memory_space<vmem>>
    tpu.enqueue_dma source(%dma_start3A_37 : memref<80x128xf32, #tpu.memory_space<vmem>>) target(%dma_start3A_34 : memref<80x128xf32, #tpu.memory_space<vmem_shared>>) target_semaphore(%arg20 : memref<!tpu.dma_semaphore, #tpu.memory_space<semaphore_mem>>)
    %add3A_38 = arith.constant 160 : i32
    %add3A_39 = arith.addi %mul3A_13, %add3A_38 : i32
    %dma_start3A_40 = arith.constant 0 : i32
    %dma_start3A_41 = arith.constant 0 : i32
    %dma_start3A_42 = tpu.memref_slice %arg10[%dma_start3A_40, %dma_start3A_41] : memref<80x128xf32, #tpu.memory_space<vmem>> -> memref<80x128xf32, #tpu.memory_space<vmem>>
    %dma_start3A_43 = arith.constant 0 : i32
    %dma_start3A_44 = tpu.memref_slice %arg13[%add3A_39, %dma_start3A_43] : memref<10000x128xf32, #tpu.memory_space<vmem_shared>> -> memref<80x128xf32, #tpu.memory_space<vmem_shared>>
    %dma_start3A_45 = arith.constant 0 : i32
    %dma_start3A_46 = tpu.memref_slice %arg13[%add3A_39, %dma_start3A_45] : memref<10000x128xf32, #tpu.memory_space<vmem_shared>> -> memref<80x128xf32, #tpu.memory_space<vmem_shared>>
    %dma_start3A_47 = arith.constant 0 : i32
    %dma_start3A_48 = arith.constant 0 : i32
    %dma_start3A_49 = tpu.memref_slice %arg10[%dma_start3A_47, %dma_start3A_48] : memref<80x128xf32, #tpu.memory_space<vmem>> -> memref<80x128xf32, #tpu.memory_space<vmem>>
    tpu.enqueue_dma source(%dma_start3A_49 : memref<80x128xf32, #tpu.memory_space<vmem>>) target(%dma_start3A_46 : memref<80x128xf32, #tpu.memory_space<vmem_shared>>) target_semaphore(%arg20 : memref<!tpu.dma_semaphore, #tpu.memory_space<semaphore_mem>>)
    %add3A_50 = arith.constant 240 : i32
    %add3A_51 = arith.addi %mul3A_13, %add3A_50 : i32
    %dma_start3A_52 = arith.constant 0 : i32
    %dma_start3A_53 = arith.constant 0 : i32
    %dma_start3A_54 = tpu.memref_slice %arg10[%dma_start3A_52, %dma_start3A_53] : memref<80x128xf32, #tpu.memory_space<vmem>> -> memref<80x128xf32, #tpu.memory_space<vmem>>
    %dma_start3A_55 = arith.constant 0 : i32
    %dma_start3A_56 = tpu.memref_slice %arg13[%add3A_51, %dma_start3A_55] : memref<10000x128xf32, #tpu.memory_space<vmem_shared>> -> memref<80x128xf32, #tpu.memory_space<vmem_shared>>
    %dma_start3A_57 = arith.constant 0 : i32
    %dma_start3A_58 = tpu.memref_slice %arg13[%add3A_51, %dma_start3A_57] : memref<10000x128xf32, #tpu.memory_space<vmem_shared>> -> memref<80x128xf32, #tpu.memory_space<vmem_shared>>
    %dma_start3A_59 = arith.constant 0 : i32
    %dma_start3A_60 = arith.constant 0 : i32
    %dma_start3A_61 = tpu.memref_slice %arg10[%dma_start3A_59, %dma_start3A_60] : memref<80x128xf32, #tpu.memory_space<vmem>> -> memref<80x128xf32, #tpu.memory_space<vmem>>
    tpu.enqueue_dma source(%dma_start3A_61 : memref<80x128xf32, #tpu.memory_space<vmem>>) target(%dma_start3A_58 : memref<80x128xf32, #tpu.memory_space<vmem_shared>>) target_semaphore(%arg20 : memref<!tpu.dma_semaphore, #tpu.memory_space<semaphore_mem>>)
    %add3A_62 = arith.constant 320 : i32
    %add3A_63 = arith.addi %mul3A_13, %add3A_62 : i32
    %dma_start3A_64 = arith.constant 0 : i32
    %dma_start3A_65 = arith.constant 0 : i32
    %dma_start3A_66 = tpu.memref_slice %arg10[%dma_start3A_64, %dma_start3A_65] : memref<80x128xf32, #tpu.memory_space<vmem>> -> memref<80x128xf32, #tpu.memory_space<vmem>>
    %dma_start3A_67 = arith.constant 0 : i32
    %dma_start3A_68 = tpu.memref_slice %arg13[%add3A_63, %dma_start3A_67] : memref<10000x128xf32, #tpu.memory_space<vmem_shared>> -> memref<80x128xf32, #tpu.memory_space<vmem_shared>>
    %dma_start3A_69 = arith.constant 0 : i32
    %dma_start3A_70 = tpu.memref_slice %arg13[%add3A_63, %dma_start3A_69] : memref<10000x128xf32, #tpu.memory_space<vmem_shared>> -> memref<80x128xf32, #tpu.memory_space<vmem_shared>>
    %dma_start3A_71 = arith.constant 0 : i32
    %dma_start3A_72 = arith.constant 0 : i32
    %dma_start3A_73 = tpu.memref_slice %arg10[%dma_start3A_71, %dma_start3A_72] : memref<80x128xf32, #tpu.memory_space<vmem>> -> memref<80x128xf32, #tpu.memory_space<vmem>>
    tpu.enqueue_dma source(%dma_start3A_73 : memref<80x128xf32, #tpu.memory_space<vmem>>) target(%dma_start3A_70 : memref<80x128xf32, #tpu.memory_space<vmem_shared>>) target_semaphore(%arg20 : memref<!tpu.dma_semaphore, #tpu.memory_space<semaphore_mem>>)
    %add3A_74 = arith.constant 400 : i32
    %add3A_75 = arith.addi %mul3A_13, %add3A_74 : i32
    %dma_start3A_76 = arith.constant 0 : i32
    %dma_start3A_77 = arith.constant 0 : i32
    %dma_start3A_78 = tpu.memref_slice %arg10[%dma_start3A_76, %dma_start3A_77] : memref<80x128xf32, #tpu.memory_space<vmem>> -> memref<80x128xf32, #tpu.memory_space<vmem>>
    %dma_start3A_79 = arith.constant 0 : i32
    %dma_start3A_80 = tpu.memref_slice %arg13[%add3A_75, %dma_start3A_79] : memref<10000x128xf32, #tpu.memory_space<vmem_shared>> -> memref<80x128xf32, #tpu.memory_space<vmem_shared>>
    %dma_start3A_81 = arith.constant 0 : i32
    %dma_start3A_82 = tpu.memref_slice %arg13[%add3A_75, %dma_start3A_81] : memref<10000x128xf32, #tpu.memory_space<vmem_shared>> -> memref<80x128xf32, #tpu.memory_space<vmem_shared>>
    %dma_start3A_83 = arith.constant 0 : i32
    %dma_start3A_84 = arith.constant 0 : i32
    %dma_start3A_85 = tpu.memref_slice %arg10[%dma_start3A_83, %dma_start3A_84] : memref<80x128xf32, #tpu.memory_space<vmem>> -> memref<80x128xf32, #tpu.memory_space<vmem>>
    tpu.enqueue_dma source(%dma_start3A_85 : memref<80x128xf32, #tpu.memory_space<vmem>>) target(%dma_start3A_82 : memref<80x128xf32, #tpu.memory_space<vmem_shared>>) target_semaphore(%arg20 : memref<!tpu.dma_semaphore, #tpu.memory_space<semaphore_mem>>)
    %add3A_86 = arith.constant 480 : i32
    %add3A_87 = arith.addi %mul3A_13, %add3A_86 : i32
    %dma_start3A_88 = arith.constant 0 : i32
    %dma_start3A_89 = arith.constant 0 : i32
    %dma_start3A_90 = tpu.memref_slice %arg10[%dma_start3A_88, %dma_start3A_89] : memref<80x128xf32, #tpu.memory_space<vmem>> -> memref<80x128xf32, #tpu.memory_space<vmem>>
    %dma_start3A_91 = arith.constant 0 : i32
    %dma_start3A_92 = tpu.memref_slice %arg13[%add3A_87, %dma_start3A_91] : memref<10000x128xf32, #tpu.memory_space<vmem_shared>> -> memref<80x128xf32, #tpu.memory_space<vmem_shared>>
    %dma_start3A_93 = arith.constant 0 : i32
    %dma_start3A_94 = tpu.memref_slice %arg13[%add3A_87, %dma_start3A_93] : memref<10000x128xf32, #tpu.memory_space<vmem_shared>> -> memref<80x128xf32, #tpu.memory_space<vmem_shared>>
    %dma_start3A_95 = arith.constant 0 : i32
    %dma_start3A_96 = arith.constant 0 : i32
    %dma_start3A_97 = tpu.memref_slice %arg10[%dma_start3A_95, %dma_start3A_96] : memref<80x128xf32, #tpu.memory_space<vmem>> -> memref<80x128xf32, #tpu.memory_space<vmem>>
    tpu.enqueue_dma source(%dma_start3A_97 : memref<80x128xf32, #tpu.memory_space<vmem>>) target(%dma_start3A_94 : memref<80x128xf32, #tpu.memory_space<vmem_shared>>) target_semaphore(%arg20 : memref<!tpu.dma_semaphore, #tpu.memory_space<semaphore_mem>>)
    %add3A_98 = arith.constant 560 : i32
    %add3A_99 = arith.addi %mul3A_13, %add3A_98 : i32
    %dma_start3A_100 = arith.constant 0 : i32
    %dma_start3A_101 = arith.constant 0 : i32
    %dma_start3A_102 = tpu.memref_slice %arg10[%dma_start3A_100, %dma_start3A_101] : memref<80x128xf32, #tpu.memory_space<vmem>> -> memref<64x128xf32, #tpu.memory_space<vmem>>
    %dma_start3A_103 = arith.constant 0 : i32
    %dma_start3A_104 = tpu.memref_slice %arg13[%add3A_99, %dma_start3A_103] : memref<10000x128xf32, #tpu.memory_space<vmem_shared>> -> memref<64x128xf32, #tpu.memory_space<vmem_shared>>
    %dma_start3A_105 = arith.constant 0 : i32
    %dma_start3A_106 = tpu.memref_slice %arg13[%add3A_99, %dma_start3A_105] : memref<10000x128xf32, #tpu.memory_space<vmem_shared>> -> memref<64x128xf32, #tpu.memory_space<vmem_shared>>
    %dma_start3A_107 = arith.constant 0 : i32
    %dma_start3A_108 = arith.constant 0 : i32
    %dma_start3A_109 = tpu.memref_slice %arg10[%dma_start3A_107, %dma_start3A_108] : memref<80x128xf32, #tpu.memory_space<vmem>> -> memref<64x128xf32, #tpu.memory_space<vmem>>
    tpu.enqueue_dma source(%dma_start3A_109 : memref<64x128xf32, #tpu.memory_space<vmem>>) target(%dma_start3A_106 : memref<64x128xf32, #tpu.memory_space<vmem_shared>>) target_semaphore(%arg20 : memref<!tpu.dma_semaphore, #tpu.memory_space<semaphore_mem>>)
    %eq3A = arith.constant 15 : i32
    %eq3A_110 = arith.cmpi eq, %arg1, %eq3A : i32
    %convert_element_type3A = arith.extui %eq3A_110 : i1 to i32
    %cond3A = arith.constant 0 : i32
    %cond3A_111 = arith.cmpi ne, %convert_element_type3A, %cond3A : i32
    scf.if %cond3A_111 {
      %dma_start3A_250 = arith.constant 0 : i32
      %dma_start3A_251 = arith.constant 0 : i32
      %dma_start3A_252 = tpu.memref_slice %arg10[%dma_start3A_250, %dma_start3A_251] : memref<80x128xf32, #tpu.memory_space<vmem>> -> memref<16x128xf32, #tpu.memory_space<vmem>>
      %dma_start3A_253 = arith.constant 9984 : i32
      %dma_start3A_254 = arith.constant 0 : i32
      %dma_start3A_255 = tpu.memref_slice %arg13[%dma_start3A_253, %dma_start3A_254] : memref<10000x128xf32, #tpu.memory_space<vmem_shared>> -> memref<16x128xf32, #tpu.memory_space<vmem_shared>>
      %dma_start3A_256 = arith.constant 9984 : i32
      %dma_start3A_257 = arith.constant 0 : i32
      %dma_start3A_258 = tpu.memref_slice %arg13[%dma_start3A_256, %dma_start3A_257] : memref<10000x128xf32, #tpu.memory_space<vmem_shared>> -> memref<16x128xf32, #tpu.memory_space<vmem_shared>>
      %dma_start3A_259 = arith.constant 0 : i32
      %dma_start3A_260 = arith.constant 0 : i32
      %dma_start3A_261 = tpu.memref_slice %arg10[%dma_start3A_259, %dma_start3A_260] : memref<80x128xf32, #tpu.memory_space<vmem>> -> memref<16x128xf32, #tpu.memory_space<vmem>>
      tpu.enqueue_dma source(%dma_start3A_261 : memref<16x128xf32, #tpu.memory_space<vmem>>) target(%dma_start3A_258 : memref<16x128xf32, #tpu.memory_space<vmem_shared>>) target_semaphore(%arg20 : memref<!tpu.dma_semaphore, #tpu.memory_space<semaphore_mem>>)
      %dma_wait3A_262 = arith.constant 0 : i32
      %dma_wait3A_263 = arith.constant 0 : i32
      %dma_wait3A_264 = tpu.memref_slice %arg10[%dma_wait3A_262, %dma_wait3A_263] : memref<80x128xf32, #tpu.memory_space<vmem>> -> memref<16x128xf32, #tpu.memory_space<vmem>>
      %dma_wait3A_265 = arith.constant 9984 : i32
      %dma_wait3A_266 = arith.constant 0 : i32
      %dma_wait3A_267 = tpu.memref_slice %arg13[%dma_wait3A_265, %dma_wait3A_266] : memref<10000x128xf32, #tpu.memory_space<vmem_shared>> -> memref<16x128xf32, #tpu.memory_space<vmem_shared>>
      %dma_wait3A_268 = arith.constant 9984 : i32
      %dma_wait3A_269 = arith.constant 0 : i32
      %dma_wait3A_270 = tpu.memref_slice %arg13[%dma_wait3A_268, %dma_wait3A_269] : memref<10000x128xf32, #tpu.memory_space<vmem_shared>> -> memref<16x128xf32, #tpu.memory_space<vmem_shared>>
      %dma_wait3A_271 = arith.constant 0 : i32
      %dma_wait3A_272 = arith.constant 0 : i32
      %dma_wait3A_273 = tpu.memref_slice %arg10[%dma_wait3A_271, %dma_wait3A_272] : memref<80x128xf32, #tpu.memory_space<vmem>> -> memref<16x128xf32, #tpu.memory_space<vmem>>
      tpu.wait_dma2 semaphore(%arg20 : memref<!tpu.dma_semaphore, #tpu.memory_space<semaphore_mem>>) src(%dma_wait3A_273 : memref<16x128xf32, #tpu.memory_space<vmem>>) dst(%dma_wait3A_270 : memref<16x128xf32, #tpu.memory_space<vmem_shared>>)
    } else {
    }
    %dma_wait3A_112 = arith.constant 0 : i32
    %dma_wait3A_113 = arith.constant 0 : i32
    %dma_wait3A_114 = tpu.memref_slice %arg10[%dma_wait3A_112, %dma_wait3A_113] : memref<80x128xf32, #tpu.memory_space<vmem>> -> memref<80x128xf32, #tpu.memory_space<vmem>>
    %dma_wait3A_115 = arith.constant 0 : i32
    %dma_wait3A_116 = tpu.memref_slice %arg13[%add3A_15, %dma_wait3A_115] : memref<10000x128xf32, #tpu.memory_space<vmem_shared>> -> memref<80x128xf32, #tpu.memory_space<vmem_shared>>
    %dma_wait3A_117 = arith.constant 0 : i32
    %dma_wait3A_118 = tpu.memref_slice %arg13[%add3A_15, %dma_wait3A_117] : memref<10000x128xf32, #tpu.memory_space<vmem_shared>> -> memref<80x128xf32, #tpu.memory_space<vmem_shared>>
    %dma_wait3A_119 = arith.constant 0 : i32
    %dma_wait3A_120 = arith.constant 0 : i32
    %dma_wait3A_121 = tpu.memref_slice %arg10[%dma_wait3A_119, %dma_wait3A_120] : memref<80x128xf32, #tpu.memory_space<vmem>> -> memref<80x128xf32, #tpu.memory_space<vmem>>
    tpu.wait_dma2 semaphore(%arg20 : memref<!tpu.dma_semaphore, #tpu.memory_space<semaphore_mem>>) src(%dma_wait3A_121 : memref<80x128xf32, #tpu.memory_space<vmem>>) dst(%dma_wait3A_118 : memref<80x128xf32, #tpu.memory_space<vmem_shared>>)
    %dma_wait3A_122 = arith.constant 0 : i32
    %dma_wait3A_123 = arith.constant 0 : i32
    %dma_wait3A_124 = tpu.memref_slice %arg10[%dma_wait3A_122, %dma_wait3A_123] : memref<80x128xf32, #tpu.memory_space<vmem>> -> memref<80x128xf32, #tpu.memory_space<vmem>>
    %dma_wait3A_125 = arith.constant 0 : i32
    %dma_wait3A_126 = tpu.memref_slice %arg13[%add3A_27, %dma_wait3A_125] : memref<10000x128xf32, #tpu.memory_space<vmem_shared>> -> memref<80x128xf32, #tpu.memory_space<vmem_shared>>
    %dma_wait3A_127 = arith.constant 0 : i32
    %dma_wait3A_128 = tpu.memref_slice %arg13[%add3A_27, %dma_wait3A_127] : memref<10000x128xf32, #tpu.memory_space<vmem_shared>> -> memref<80x128xf32, #tpu.memory_space<vmem_shared>>
    %dma_wait3A_129 = arith.constant 0 : i32
    %dma_wait3A_130 = arith.constant 0 : i32
    %dma_wait3A_131 = tpu.memref_slice %arg10[%dma_wait3A_129, %dma_wait3A_130] : memref<80x128xf32, #tpu.memory_space<vmem>> -> memref<80x128xf32, #tpu.memory_space<vmem>>
    tpu.wait_dma2 semaphore(%arg20 : memref<!tpu.dma_semaphore, #tpu.memory_space<semaphore_mem>>) src(%dma_wait3A_131 : memref<80x128xf32, #tpu.memory_space<vmem>>) dst(%dma_wait3A_128 : memref<80x128xf32, #tpu.memory_space<vmem_shared>>)
    %dma_wait3A_132 = arith.constant 0 : i32
    %dma_wait3A_133 = arith.constant 0 : i32
    %dma_wait3A_134 = tpu.memref_slice %arg10[%dma_wait3A_132, %dma_wait3A_133] : memref<80x128xf32, #tpu.memory_space<vmem>> -> memref<80x128xf32, #tpu.memory_space<vmem>>
    %dma_wait3A_135 = arith.constant 0 : i32
    %dma_wait3A_136 = tpu.memref_slice %arg13[%add3A_39, %dma_wait3A_135] : memref<10000x128xf32, #tpu.memory_space<vmem_shared>> -> memref<80x128xf32, #tpu.memory_space<vmem_shared>>
    %dma_wait3A_137 = arith.constant 0 : i32
    %dma_wait3A_138 = tpu.memref_slice %arg13[%add3A_39, %dma_wait3A_137] : memref<10000x128xf32, #tpu.memory_space<vmem_shared>> -> memref<80x128xf32, #tpu.memory_space<vmem_shared>>
    %dma_wait3A_139 = arith.constant 0 : i32
    %dma_wait3A_140 = arith.constant 0 : i32
    %dma_wait3A_141 = tpu.memref_slice %arg10[%dma_wait3A_139, %dma_wait3A_140] : memref<80x128xf32, #tpu.memory_space<vmem>> -> memref<80x128xf32, #tpu.memory_space<vmem>>
    tpu.wait_dma2 semaphore(%arg20 : memref<!tpu.dma_semaphore, #tpu.memory_space<semaphore_mem>>) src(%dma_wait3A_141 : memref<80x128xf32, #tpu.memory_space<vmem>>) dst(%dma_wait3A_138 : memref<80x128xf32, #tpu.memory_space<vmem_shared>>)
    %dma_wait3A_142 = arith.constant 0 : i32
    %dma_wait3A_143 = arith.constant 0 : i32
    %dma_wait3A_144 = tpu.memref_slice %arg10[%dma_wait3A_142, %dma_wait3A_143] : memref<80x128xf32, #tpu.memory_space<vmem>> -> memref<80x128xf32, #tpu.memory_space<vmem>>
    %dma_wait3A_145 = arith.constant 0 : i32
    %dma_wait3A_146 = tpu.memref_slice %arg13[%add3A_51, %dma_wait3A_145] : memref<10000x128xf32, #tpu.memory_space<vmem_shared>> -> memref<80x128xf32, #tpu.memory_space<vmem_shared>>
    %dma_wait3A_147 = arith.constant 0 : i32
    %dma_wait3A_148 = tpu.memref_slice %arg13[%add3A_51, %dma_wait3A_147] : memref<10000x128xf32, #tpu.memory_space<vmem_shared>> -> memref<80x128xf32, #tpu.memory_space<vmem_shared>>
    %dma_wait3A_149 = arith.constant 0 : i32
    %dma_wait3A_150 = arith.constant 0 : i32
    %dma_wait3A_151 = tpu.memref_slice %arg10[%dma_wait3A_149, %dma_wait3A_150] : memref<80x128xf32, #tpu.memory_space<vmem>> -> memref<80x128xf32, #tpu.memory_space<vmem>>
    tpu.wait_dma2 semaphore(%arg20 : memref<!tpu.dma_semaphore, #tpu.memory_space<semaphore_mem>>) src(%dma_wait3A_151 : memref<80x128xf32, #tpu.memory_space<vmem>>) dst(%dma_wait3A_148 : memref<80x128xf32, #tpu.memory_space<vmem_shared>>)
    %dma_wait3A_152 = arith.constant 0 : i32
    %dma_wait3A_153 = arith.constant 0 : i32
    %dma_wait3A_154 = tpu.memref_slice %arg10[%dma_wait3A_152, %dma_wait3A_153] : memref<80x128xf32, #tpu.memory_space<vmem>> -> memref<80x128xf32, #tpu.memory_space<vmem>>
    %dma_wait3A_155 = arith.constant 0 : i32
    %dma_wait3A_156 = tpu.memref_slice %arg13[%add3A_63, %dma_wait3A_155] : memref<10000x128xf32, #tpu.memory_space<vmem_shared>> -> memref<80x128xf32, #tpu.memory_space<vmem_shared>>
    %dma_wait3A_157 = arith.constant 0 : i32
    %dma_wait3A_158 = tpu.memref_slice %arg13[%add3A_63, %dma_wait3A_157] : memref<10000x128xf32, #tpu.memory_space<vmem_shared>> -> memref<80x128xf32, #tpu.memory_space<vmem_shared>>
    %dma_wait3A_159 = arith.constant 0 : i32
    %dma_wait3A_160 = arith.constant 0 : i32
    %dma_wait3A_161 = tpu.memref_slice %arg10[%dma_wait3A_159, %dma_wait3A_160] : memref<80x128xf32, #tpu.memory_space<vmem>> -> memref<80x128xf32, #tpu.memory_space<vmem>>
    tpu.wait_dma2 semaphore(%arg20 : memref<!tpu.dma_semaphore, #tpu.memory_space<semaphore_mem>>) src(%dma_wait3A_161 : memref<80x128xf32, #tpu.memory_space<vmem>>) dst(%dma_wait3A_158 : memref<80x128xf32, #tpu.memory_space<vmem_shared>>)
    %dma_wait3A_162 = arith.constant 0 : i32
    %dma_wait3A_163 = arith.constant 0 : i32
    %dma_wait3A_164 = tpu.memref_slice %arg10[%dma_wait3A_162, %dma_wait3A_163] : memref<80x128xf32, #tpu.memory_space<vmem>> -> memref<80x128xf32, #tpu.memory_space<vmem>>
    %dma_wait3A_165 = arith.constant 0 : i32
    %dma_wait3A_166 = tpu.memref_slice %arg13[%add3A_75, %dma_wait3A_165] : memref<10000x128xf32, #tpu.memory_space<vmem_shared>> -> memref<80x128xf32, #tpu.memory_space<vmem_shared>>
    %dma_wait3A_167 = arith.constant 0 : i32
    %dma_wait3A_168 = tpu.memref_slice %arg13[%add3A_75, %dma_wait3A_167] : memref<10000x128xf32, #tpu.memory_space<vmem_shared>> -> memref<80x128xf32, #tpu.memory_space<vmem_shared>>
    %dma_wait3A_169 = arith.constant 0 : i32
    %dma_wait3A_170 = arith.constant 0 : i32
    %dma_wait3A_171 = tpu.memref_slice %arg10[%dma_wait3A_169, %dma_wait3A_170] : memref<80x128xf32, #tpu.memory_space<vmem>> -> memref<80x128xf32, #tpu.memory_space<vmem>>
    tpu.wait_dma2 semaphore(%arg20 : memref<!tpu.dma_semaphore, #tpu.memory_space<semaphore_mem>>) src(%dma_wait3A_171 : memref<80x128xf32, #tpu.memory_space<vmem>>) dst(%dma_wait3A_168 : memref<80x128xf32, #tpu.memory_space<vmem_shared>>)
    %dma_wait3A_172 = arith.constant 0 : i32
    %dma_wait3A_173 = arith.constant 0 : i32
    %dma_wait3A_174 = tpu.memref_slice %arg10[%dma_wait3A_172, %dma_wait3A_173] : memref<80x128xf32, #tpu.memory_space<vmem>> -> memref<80x128xf32, #tpu.memory_space<vmem>>
    %dma_wait3A_175 = arith.constant 0 : i32
    %dma_wait3A_176 = tpu.memref_slice %arg13[%add3A_87, %dma_wait3A_175] : memref<10000x128xf32, #tpu.memory_space<vmem_shared>> -> memref<80x128xf32, #tpu.memory_space<vmem_shared>>
    %dma_wait3A_177 = arith.constant 0 : i32
    %dma_wait3A_178 = tpu.memref_slice %arg13[%add3A_87, %dma_wait3A_177] : memref<10000x128xf32, #tpu.memory_space<vmem_shared>> -> memref<80x128xf32, #tpu.memory_space<vmem_shared>>
    %dma_wait3A_179 = arith.constant 0 : i32
    %dma_wait3A_180 = arith.constant 0 : i32
    %dma_wait3A_181 = tpu.memref_slice %arg10[%dma_wait3A_179, %dma_wait3A_180] : memref<80x128xf32, #tpu.memory_space<vmem>> -> memref<80x128xf32, #tpu.memory_space<vmem>>
    tpu.wait_dma2 semaphore(%arg20 : memref<!tpu.dma_semaphore, #tpu.memory_space<semaphore_mem>>) src(%dma_wait3A_181 : memref<80x128xf32, #tpu.memory_space<vmem>>) dst(%dma_wait3A_178 : memref<80x128xf32, #tpu.memory_space<vmem_shared>>)
    %dma_wait3A_182 = arith.constant 0 : i32
    %dma_wait3A_183 = arith.constant 0 : i32
    %dma_wait3A_184 = tpu.memref_slice %arg10[%dma_wait3A_182, %dma_wait3A_183] : memref<80x128xf32, #tpu.memory_space<vmem>> -> memref<64x128xf32, #tpu.memory_space<vmem>>
    %dma_wait3A_185 = arith.constant 0 : i32
    %dma_wait3A_186 = tpu.memref_slice %arg13[%add3A_99, %dma_wait3A_185] : memref<10000x128xf32, #tpu.memory_space<vmem_shared>> -> memref<64x128xf32, #tpu.memory_space<vmem_shared>>
    %dma_wait3A_187 = arith.constant 0 : i32
    %dma_wait3A_188 = tpu.memref_slice %arg13[%add3A_99, %dma_wait3A_187] : memref<10000x128xf32, #tpu.memory_space<vmem_shared>> -> memref<64x128xf32, #tpu.memory_space<vmem_shared>>
    %dma_wait3A_189 = arith.constant 0 : i32
    %dma_wait3A_190 = arith.constant 0 : i32
    %dma_wait3A_191 = tpu.memref_slice %arg10[%dma_wait3A_189, %dma_wait3A_190] : memref<80x128xf32, #tpu.memory_space<vmem>> -> memref<64x128xf32, #tpu.memory_space<vmem>>
    tpu.wait_dma2 semaphore(%arg20 : memref<!tpu.dma_semaphore, #tpu.memory_space<semaphore_mem>>) src(%dma_wait3A_191 : memref<64x128xf32, #tpu.memory_space<vmem>>) dst(%dma_wait3A_188 : memref<64x128xf32, #tpu.memory_space<vmem_shared>>)
    %barrier3A = arith.constant 0 : index
    tpu.barrier barrier_id(%barrier3A)
    %add3A_192 = arith.constant 0 : i32
    %add3A_193 = arith.addi %mul3A_2, %add3A_192 : i32
    %dma_start3A_194 = tpu.memref_slice %arg4[%add3A_193] : memref<320000xi32, #tpu.memory_space<hbm>> -> memref<80xi32, #tpu.memory_space<hbm>>
    %dma_start3A_195 = tpu.memref_slice %arg4[%add3A_193] : memref<320000xi32, #tpu.memory_space<hbm>> -> memref<80xi32, #tpu.memory_space<hbm>>
    tpu.enqueue_dma source(%dma_start3A_195 : memref<80xi32, #tpu.memory_space<hbm>>) target(%arg7 : memref<80xi32, #tpu.memory_space<vmem>>) target_semaphore(%arg14 : memref<!tpu.dma_semaphore, #tpu.memory_space<semaphore_mem>>)
    %dma_start3A_196 = arith.constant 0 : i32
    %dma_start3A_197 = tpu.memref_slice %arg6[%dma_start3A_196] : memref<10000xi32, #tpu.memory_space<vmem>> -> memref<80xi32, #tpu.memory_space<vmem>>
    %dma_start3A_198 = arith.constant 0 : i32
    %dma_start3A_199 = arith.constant 0 : i32
    %dma_start3A_200 = tpu.memref_slice %arg2[%dma_start3A_198, %dma_start3A_199] : memref<10000x128xf32, #tpu.memory_space<hbm>> -> memref<10000x128xf32, #tpu.memory_space<hbm>>
    tpu.enqueue_indirect_dma source(%dma_start3A_200 : memref<10000x128xf32, #tpu.memory_space<hbm>>) target(%arg10 : memref<80x128xf32, #tpu.memory_space<vmem>>) offsets(%dma_start3A_197 : memref<80xi32, #tpu.memory_space<vmem>>) semaphore(%arg17 : memref<!tpu.dma_semaphore, #tpu.memory_space<semaphore_mem>>)
    %add3A_201 = arith.constant 80 : i32
    %add3A_202 = arith.addi %mul3A_2, %add3A_201 : i32
    %dma_start3A_203 = tpu.memref_slice %arg4[%add3A_202] : memref<320000xi32, #tpu.memory_space<hbm>> -> memref<80xi32, #tpu.memory_space<hbm>>
    %dma_start3A_204 = tpu.memref_slice %arg4[%add3A_202] : memref<320000xi32, #tpu.memory_space<hbm>> -> memref<80xi32, #tpu.memory_space<hbm>>
    tpu.enqueue_dma source(%dma_start3A_204 : memref<80xi32, #tpu.memory_space<hbm>>) target(%arg8 : memref<80xi32, #tpu.memory_space<vmem>>) target_semaphore(%arg15 : memref<!tpu.dma_semaphore, #tpu.memory_space<semaphore_mem>>)
    %dma_start3A_205 = arith.constant 80 : i32
    %dma_start3A_206 = tpu.memref_slice %arg6[%dma_start3A_205] : memref<10000xi32, #tpu.memory_space<vmem>> -> memref<80xi32, #tpu.memory_space<vmem>>
    %dma_start3A_207 = arith.constant 0 : i32
    %dma_start3A_208 = arith.constant 0 : i32
    %dma_start3A_209 = tpu.memref_slice %arg2[%dma_start3A_207, %dma_start3A_208] : memref<10000x128xf32, #tpu.memory_space<hbm>> -> memref<10000x128xf32, #tpu.memory_space<hbm>>
    tpu.enqueue_indirect_dma source(%dma_start3A_209 : memref<10000x128xf32, #tpu.memory_space<hbm>>) target(%arg11 : memref<80x128xf32, #tpu.memory_space<vmem>>) offsets(%dma_start3A_206 : memref<80xi32, #tpu.memory_space<vmem>>) semaphore(%arg18 : memref<!tpu.dma_semaphore, #tpu.memory_space<semaphore_mem>>)
    %add3A_210 = arith.constant 160 : i32
    %add3A_211 = arith.addi %mul3A_2, %add3A_210 : i32
    %dma_start3A_212 = tpu.memref_slice %arg4[%add3A_211] : memref<320000xi32, #tpu.memory_space<hbm>> -> memref<80xi32, #tpu.memory_space<hbm>>
    %dma_start3A_213 = tpu.memref_slice %arg4[%add3A_211] : memref<320000xi32, #tpu.memory_space<hbm>> -> memref<80xi32, #tpu.memory_space<hbm>>
    tpu.enqueue_dma source(%dma_start3A_213 : memref<80xi32, #tpu.memory_space<hbm>>) target(%arg9 : memref<80xi32, #tpu.memory_space<vmem>>) target_semaphore(%arg16 : memref<!tpu.dma_semaphore, #tpu.memory_space<semaphore_mem>>)
    %dma_start3A_214 = arith.constant 160 : i32
    %dma_start3A_215 = tpu.memref_slice %arg6[%dma_start3A_214] : memref<10000xi32, #tpu.memory_space<vmem>> -> memref<80xi32, #tpu.memory_space<vmem>>
    %dma_start3A_216 = arith.constant 0 : i32
    %dma_start3A_217 = arith.constant 0 : i32
    %dma_start3A_218 = tpu.memref_slice %arg2[%dma_start3A_216, %dma_start3A_217] : memref<10000x128xf32, #tpu.memory_space<hbm>> -> memref<10000x128xf32, #tpu.memory_space<hbm>>
    tpu.enqueue_indirect_dma source(%dma_start3A_218 : memref<10000x128xf32, #tpu.memory_space<hbm>>) target(%arg12 : memref<80x128xf32, #tpu.memory_space<vmem>>) offsets(%dma_start3A_215 : memref<80xi32, #tpu.memory_space<vmem>>) semaphore(%arg19 : memref<!tpu.dma_semaphore, #tpu.memory_space<semaphore_mem>>)
    %scan3A_219 = arith.constant 0 : i32
    %scan3A_220 = arith.constant 0 : i32
    %scan3A_221 = arith.constant 41 : i32
    %scan3A_222 = arith.addi %scan3A_220, %scan3A_221 : i32
    %scan3A_223 = arith.constant 1 : i32
    %scan3A_224 = scf.for %scan3A_250 = %scan3A_220 to %scan3A_222 step %scan3A_223 iter_args(%scan3A_251 = %scan3A_219) -> (i32)  : i32 {
      %mul3A_252 = arith.constant 3 : i32
      %mul3A_253 = arith.muli %scan3A_250, %mul3A_252 : i32
      %add3A_254 = arith.constant 0 : i32
      %add3A_255 = arith.addi %mul3A_253, %add3A_254 : i32
      %mul3A_256 = arith.constant 80 : i32
      %mul3A_257 = arith.muli %add3A_255, %mul3A_256 : i32
      %add3A_258 = arith.addi %mul3A_2, %mul3A_257 : i32
      %dma_wait3A_259 = tpu.memref_slice %arg4[%add3A_258] : memref<320000xi32, #tpu.memory_space<hbm>> -> memref<80xi32, #tpu.memory_space<hbm>>
      %dma_wait3A_260 = tpu.memref_slice %arg4[%add3A_258] : memref<320000xi32, #tpu.memory_space<hbm>> -> memref<80xi32, #tpu.memory_space<hbm>>
      tpu.wait_dma2 semaphore(%arg14 : memref<!tpu.dma_semaphore, #tpu.memory_space<semaphore_mem>>) src(%dma_wait3A_260 : memref<80xi32, #tpu.memory_space<hbm>>) dst(%arg7 : memref<80xi32, #tpu.memory_space<vmem>>)
      %mul3A_261 = arith.constant 80 : i32
      %mul3A_262 = arith.muli %add3A_255, %mul3A_261 : i32
      %dma_wait3A_263 = tpu.memref_slice %arg6[%mul3A_262] : memref<10000xi32, #tpu.memory_space<vmem>> -> memref<80xi32, #tpu.memory_space<vmem>>
      %dma_wait3A_264 = arith.constant 0 : i32
      %dma_wait3A_265 = arith.constant 0 : i32
      %dma_wait3A_266 = tpu.memref_slice %arg2[%dma_wait3A_264, %dma_wait3A_265] : memref<10000x128xf32, #tpu.memory_space<hbm>> -> memref<10000x128xf32, #tpu.memory_space<hbm>>
      tpu.wait_indirect_dma semaphore(%arg17 : memref<!tpu.dma_semaphore, #tpu.memory_space<semaphore_mem>>) src(%dma_wait3A_266 : memref<10000x128xf32, #tpu.memory_space<hbm>>) dst(%arg10 : memref<80x128xf32, #tpu.memory_space<vmem>>)
      "tpu.region"() ({
        %run_scoped3A = tpu.sem_alloc : memref<!tpu.dma_semaphore, #tpu.memory_space<semaphore_mem>>
        %dma_start3A_318 = arith.constant 0 : i32
        %dma_start3A_319 = arith.constant 0 : i32
        %dma_start3A_320 = tpu.memref_slice %arg13[%dma_start3A_318, %dma_start3A_319] : memref<10000x128xf32, #tpu.memory_space<vmem_shared>> -> memref<10000x128xf32, #tpu.memory_space<vmem_shared>>
        tpu.enqueue_indirect_dma source(%arg10 : memref<80x128xf32, #tpu.memory_space<vmem>>) target(%dma_start3A_320 : memref<10000x128xf32, #tpu.memory_space<vmem_shared>>) offsets(%arg7 : memref<80xi32, #tpu.memory_space<vmem>>) semaphore(%run_scoped3A : memref<!tpu.dma_semaphore, #tpu.memory_space<semaphore_mem>>) {add = true}
        %dma_wait3A_321 = arith.constant 0 : i32
        %dma_wait3A_322 = arith.constant 0 : i32
        %dma_wait3A_323 = tpu.memref_slice %arg13[%dma_wait3A_321, %dma_wait3A_322] : memref<10000x128xf32, #tpu.memory_space<vmem_shared>> -> memref<10000x128xf32, #tpu.memory_space<vmem_shared>>
        tpu.wait_indirect_dma semaphore(%run_scoped3A : memref<!tpu.dma_semaphore, #tpu.memory_space<semaphore_mem>>) src(%arg10 : memref<80x128xf32, #tpu.memory_space<vmem>>) dst(%dma_wait3A_323 : memref<10000x128xf32, #tpu.memory_space<vmem_shared>>)
        tpu.yield
      }) : () -> ()
      %add3A_267 = arith.constant 3 : i32
      %add3A_268 = arith.addi %add3A_255, %add3A_267 : i32
      %lt3A = arith.constant 125 : i32
      %lt3A_269 = arith.cmpi slt, %add3A_268, %lt3A : i32
      %convert_element_type3A_270 = arith.extui %lt3A_269 : i1 to i32
      %cond3A_271 = arith.constant 0 : i32
      %cond3A_272 = arith.cmpi ne, %convert_element_type3A_270, %cond3A_271 : i32
      scf.if %cond3A_272 {
        %mul3A_318 = arith.constant 80 : i32
        %mul3A_319 = arith.muli %add3A_268, %mul3A_318 : i32
        %add3A_320 = arith.addi %mul3A_2, %mul3A_319 : i32
        %dma_start3A_321 = tpu.memref_slice %arg4[%add3A_320] : memref<320000xi32, #tpu.memory_space<hbm>> -> memref<80xi32, #tpu.memory_space<hbm>>
        %dma_start3A_322 = tpu.memref_slice %arg4[%add3A_320] : memref<320000xi32, #tpu.memory_space<hbm>> -> memref<80xi32, #tpu.memory_space<hbm>>
        tpu.enqueue_dma source(%dma_start3A_322 : memref<80xi32, #tpu.memory_space<hbm>>) target(%arg7 : memref<80xi32, #tpu.memory_space<vmem>>) target_semaphore(%arg14 : memref<!tpu.dma_semaphore, #tpu.memory_space<semaphore_mem>>)
        %mul3A_323 = arith.constant 80 : i32
        %mul3A_324 = arith.muli %add3A_268, %mul3A_323 : i32
        %dma_start3A_325 = tpu.memref_slice %arg6[%mul3A_324] : memref<10000xi32, #tpu.memory_space<vmem>> -> memref<80xi32, #tpu.memory_space<vmem>>
        %dma_start3A_326 = arith.constant 0 : i32
        %dma_start3A_327 = arith.constant 0 : i32
        %dma_start3A_328 = tpu.memref_slice %arg2[%dma_start3A_326, %dma_start3A_327] : memref<10000x128xf32, #tpu.memory_space<hbm>> -> memref<10000x128xf32, #tpu.memory_space<hbm>>
        tpu.enqueue_indirect_dma source(%dma_start3A_328 : memref<10000x128xf32, #tpu.memory_space<hbm>>) target(%arg10 : memref<80x128xf32, #tpu.memory_space<vmem>>) offsets(%dma_start3A_325 : memref<80xi32, #tpu.memory_space<vmem>>) semaphore(%arg17 : memref<!tpu.dma_semaphore, #tpu.memory_space<semaphore_mem>>)
      } else {
      }
      %mul3A_273 = arith.constant 3 : i32
      %mul3A_274 = arith.muli %scan3A_250, %mul3A_273 : i32
      %add3A_275 = arith.constant 1 : i32
      %add3A_276 = arith.addi %mul3A_274, %add3A_275 : i32
      %mul3A_277 = arith.constant 80 : i32
      %mul3A_278 = arith.muli %add3A_276, %mul3A_277 : i32
      %add3A_279 = arith.addi %mul3A_2, %mul3A_278 : i32
      %dma_wait3A_280 = tpu.memref_slice %arg4[%add3A_279] : memref<320000xi32, #tpu.memory_space<hbm>> -> memref<80xi32, #tpu.memory_space<hbm>>
      %dma_wait3A_281 = tpu.memref_slice %arg4[%add3A_279] : memref<320000xi32, #tpu.memory_space<hbm>> -> memref<80xi32, #tpu.memory_space<hbm>>
      tpu.wait_dma2 semaphore(%arg15 : memref<!tpu.dma_semaphore, #tpu.memory_space<semaphore_mem>>) src(%dma_wait3A_281 : memref<80xi32, #tpu.memory_space<hbm>>) dst(%arg8 : memref<80xi32, #tpu.memory_space<vmem>>)
      %mul3A_282 = arith.constant 80 : i32
      %mul3A_283 = arith.muli %add3A_276, %mul3A_282 : i32
      %dma_wait3A_284 = tpu.memref_slice %arg6[%mul3A_283] : memref<10000xi32, #tpu.memory_space<vmem>> -> memref<80xi32, #tpu.memory_space<vmem>>
      %dma_wait3A_285 = arith.constant 0 : i32
      %dma_wait3A_286 = arith.constant 0 : i32
      %dma_wait3A_287 = tpu.memref_slice %arg2[%dma_wait3A_285, %dma_wait3A_286] : memref<10000x128xf32, #tpu.memory_space<hbm>> -> memref<10000x128xf32, #tpu.memory_space<hbm>>
      tpu.wait_indirect_dma semaphore(%arg18 : memref<!tpu.dma_semaphore, #tpu.memory_space<semaphore_mem>>) src(%dma_wait3A_287 : memref<10000x128xf32, #tpu.memory_space<hbm>>) dst(%arg11 : memref<80x128xf32, #tpu.memory_space<vmem>>)
      "tpu.region"() ({
        %run_scoped3A = tpu.sem_alloc : memref<!tpu.dma_semaphore, #tpu.memory_space<semaphore_mem>>
        %dma_start3A_318 = arith.constant 0 : i32
        %dma_start3A_319 = arith.constant 0 : i32
        %dma_start3A_320 = tpu.memref_slice %arg13[%dma_start3A_318, %dma_start3A_319] : memref<10000x128xf32, #tpu.memory_space<vmem_shared>> -> memref<10000x128xf32, #tpu.memory_space<vmem_shared>>
        tpu.enqueue_indirect_dma source(%arg11 : memref<80x128xf32, #tpu.memory_space<vmem>>) target(%dma_start3A_320 : memref<10000x128xf32, #tpu.memory_space<vmem_shared>>) offsets(%arg8 : memref<80xi32, #tpu.memory_space<vmem>>) semaphore(%run_scoped3A : memref<!tpu.dma_semaphore, #tpu.memory_space<semaphore_mem>>) {add = true}
        %dma_wait3A_321 = arith.constant 0 : i32
        %dma_wait3A_322 = arith.constant 0 : i32
        %dma_wait3A_323 = tpu.memref_slice %arg13[%dma_wait3A_321, %dma_wait3A_322] : memref<10000x128xf32, #tpu.memory_space<vmem_shared>> -> memref<10000x128xf32, #tpu.memory_space<vmem_shared>>
        tpu.wait_indirect_dma semaphore(%run_scoped3A : memref<!tpu.dma_semaphore, #tpu.memory_space<semaphore_mem>>) src(%arg11 : memref<80x128xf32, #tpu.memory_space<vmem>>) dst(%dma_wait3A_323 : memref<10000x128xf32, #tpu.memory_space<vmem_shared>>)
        tpu.yield
      }) : () -> ()
      %add3A_288 = arith.constant 3 : i32
      %add3A_289 = arith.addi %add3A_276, %add3A_288 : i32
      %lt3A_290 = arith.constant 125 : i32
      %lt3A_291 = arith.cmpi slt, %add3A_289, %lt3A_290 : i32
      %convert_element_type3A_292 = arith.extui %lt3A_291 : i1 to i32
      %cond3A_293 = arith.constant 0 : i32
      %cond3A_294 = arith.cmpi ne, %convert_element_type3A_292, %cond3A_293 : i32
      scf.if %cond3A_294 {
        %mul3A_318 = arith.constant 80 : i32
        %mul3A_319 = arith.muli %add3A_289, %mul3A_318 : i32
        %add3A_320 = arith.addi %mul3A_2, %mul3A_319 : i32
        %dma_start3A_321 = tpu.memref_slice %arg4[%add3A_320] : memref<320000xi32, #tpu.memory_space<hbm>> -> memref<80xi32, #tpu.memory_space<hbm>>
        %dma_start3A_322 = tpu.memref_slice %arg4[%add3A_320] : memref<320000xi32, #tpu.memory_space<hbm>> -> memref<80xi32, #tpu.memory_space<hbm>>
        tpu.enqueue_dma source(%dma_start3A_322 : memref<80xi32, #tpu.memory_space<hbm>>) target(%arg8 : memref<80xi32, #tpu.memory_space<vmem>>) target_semaphore(%arg15 : memref<!tpu.dma_semaphore, #tpu.memory_space<semaphore_mem>>)
        %mul3A_323 = arith.constant 80 : i32
        %mul3A_324 = arith.muli %add3A_289, %mul3A_323 : i32
        %dma_start3A_325 = tpu.memref_slice %arg6[%mul3A_324] : memref<10000xi32, #tpu.memory_space<vmem>> -> memref<80xi32, #tpu.memory_space<vmem>>
        %dma_start3A_326 = arith.constant 0 : i32
        %dma_start3A_327 = arith.constant 0 : i32
        %dma_start3A_328 = tpu.memref_slice %arg2[%dma_start3A_326, %dma_start3A_327] : memref<10000x128xf32, #tpu.memory_space<hbm>> -> memref<10000x128xf32, #tpu.memory_space<hbm>>
        tpu.enqueue_indirect_dma source(%dma_start3A_328 : memref<10000x128xf32, #tpu.memory_space<hbm>>) target(%arg11 : memref<80x128xf32, #tpu.memory_space<vmem>>) offsets(%dma_start3A_325 : memref<80xi32, #tpu.memory_space<vmem>>) semaphore(%arg18 : memref<!tpu.dma_semaphore, #tpu.memory_space<semaphore_mem>>)
      } else {
      }
      %mul3A_295 = arith.constant 3 : i32
      %mul3A_296 = arith.muli %scan3A_250, %mul3A_295 : i32
      %add3A_297 = arith.constant 2 : i32
      %add3A_298 = arith.addi %mul3A_296, %add3A_297 : i32
      %mul3A_299 = arith.constant 80 : i32
      %mul3A_300 = arith.muli %add3A_298, %mul3A_299 : i32
      %add3A_301 = arith.addi %mul3A_2, %mul3A_300 : i32
      %dma_wait3A_302 = tpu.memref_slice %arg4[%add3A_301] : memref<320000xi32, #tpu.memory_space<hbm>> -> memref<80xi32, #tpu.memory_space<hbm>>
      %dma_wait3A_303 = tpu.memref_slice %arg4[%add3A_301] : memref<320000xi32, #tpu.memory_space<hbm>> -> memref<80xi32, #tpu.memory_space<hbm>>
      tpu.wait_dma2 semaphore(%arg16 : memref<!tpu.dma_semaphore, #tpu.memory_space<semaphore_mem>>) src(%dma_wait3A_303 : memref<80xi32, #tpu.memory_space<hbm>>) dst(%arg9 : memref<80xi32, #tpu.memory_space<vmem>>)
      %mul3A_304 = arith.constant 80 : i32
      %mul3A_305 = arith.muli %add3A_298, %mul3A_304 : i32
      %dma_wait3A_306 = tpu.memref_slice %arg6[%mul3A_305] : memref<10000xi32, #tpu.memory_space<vmem>> -> memref<80xi32, #tpu.memory_space<vmem>>
      %dma_wait3A_307 = arith.constant 0 : i32
      %dma_wait3A_308 = arith.constant 0 : i32
      %dma_wait3A_309 = tpu.memref_slice %arg2[%dma_wait3A_307, %dma_wait3A_308] : memref<10000x128xf32, #tpu.memory_space<hbm>> -> memref<10000x128xf32, #tpu.memory_space<hbm>>
      tpu.wait_indirect_dma semaphore(%arg19 : memref<!tpu.dma_semaphore, #tpu.memory_space<semaphore_mem>>) src(%dma_wait3A_309 : memref<10000x128xf32, #tpu.memory_space<hbm>>) dst(%arg12 : memref<80x128xf32, #tpu.memory_space<vmem>>)
      "tpu.region"() ({
        %run_scoped3A = tpu.sem_alloc : memref<!tpu.dma_semaphore, #tpu.memory_space<semaphore_mem>>
        %dma_start3A_318 = arith.constant 0 : i32
        %dma_start3A_319 = arith.constant 0 : i32
        %dma_start3A_320 = tpu.memref_slice %arg13[%dma_start3A_318, %dma_start3A_319] : memref<10000x128xf32, #tpu.memory_space<vmem_shared>> -> memref<10000x128xf32, #tpu.memory_space<vmem_shared>>
        tpu.enqueue_indirect_dma source(%arg12 : memref<80x128xf32, #tpu.memory_space<vmem>>) target(%dma_start3A_320 : memref<10000x128xf32, #tpu.memory_space<vmem_shared>>) offsets(%arg9 : memref<80xi32, #tpu.memory_space<vmem>>) semaphore(%run_scoped3A : memref<!tpu.dma_semaphore, #tpu.memory_space<semaphore_mem>>) {add = true}
        %dma_wait3A_321 = arith.constant 0 : i32
        %dma_wait3A_322 = arith.constant 0 : i32
        %dma_wait3A_323 = tpu.memref_slice %arg13[%dma_wait3A_321, %dma_wait3A_322] : memref<10000x128xf32, #tpu.memory_space<vmem_shared>> -> memref<10000x128xf32, #tpu.memory_space<vmem_shared>>
        tpu.wait_indirect_dma semaphore(%run_scoped3A : memref<!tpu.dma_semaphore, #tpu.memory_space<semaphore_mem>>) src(%arg12 : memref<80x128xf32, #tpu.memory_space<vmem>>) dst(%dma_wait3A_323 : memref<10000x128xf32, #tpu.memory_space<vmem_shared>>)
        tpu.yield
      }) : () -> ()
      %add3A_310 = arith.constant 3 : i32
      %add3A_311 = arith.addi %add3A_298, %add3A_310 : i32
      %lt3A_312 = arith.constant 125 : i32
      %lt3A_313 = arith.cmpi slt, %add3A_311, %lt3A_312 : i32
      %convert_element_type3A_314 = arith.extui %lt3A_313 : i1 to i32
      %cond3A_315 = arith.constant 0 : i32
      %cond3A_316 = arith.cmpi ne, %convert_element_type3A_314, %cond3A_315 : i32
      scf.if %cond3A_316 {
        %mul3A_318 = arith.constant 80 : i32
        %mul3A_319 = arith.muli %add3A_311, %mul3A_318 : i32
        %add3A_320 = arith.addi %mul3A_2, %mul3A_319 : i32
        %dma_start3A_321 = tpu.memref_slice %arg4[%add3A_320] : memref<320000xi32, #tpu.memory_space<hbm>> -> memref<80xi32, #tpu.memory_space<hbm>>
        %dma_start3A_322 = tpu.memref_slice %arg4[%add3A_320] : memref<320000xi32, #tpu.memory_space<hbm>> -> memref<80xi32, #tpu.memory_space<hbm>>
        tpu.enqueue_dma source(%dma_start3A_322 : memref<80xi32, #tpu.memory_space<hbm>>) target(%arg9 : memref<80xi32, #tpu.memory_space<vmem>>) target_semaphore(%arg16 : memref<!tpu.dma_semaphore, #tpu.memory_space<semaphore_mem>>)
        %mul3A_323 = arith.constant 80 : i32
        %mul3A_324 = arith.muli %add3A_311, %mul3A_323 : i32
        %dma_start3A_325 = tpu.memref_slice %arg6[%mul3A_324] : memref<10000xi32, #tpu.memory_space<vmem>> -> memref<80xi32, #tpu.memory_space<vmem>>
        %dma_start3A_326 = arith.constant 0 : i32
        %dma_start3A_327 = arith.constant 0 : i32
        %dma_start3A_328 = tpu.memref_slice %arg2[%dma_start3A_326, %dma_start3A_327] : memref<10000x128xf32, #tpu.memory_space<hbm>> -> memref<10000x128xf32, #tpu.memory_space<hbm>>
        tpu.enqueue_indirect_dma source(%dma_start3A_328 : memref<10000x128xf32, #tpu.memory_space<hbm>>) target(%arg12 : memref<80x128xf32, #tpu.memory_space<vmem>>) offsets(%dma_start3A_325 : memref<80xi32, #tpu.memory_space<vmem>>) semaphore(%arg19 : memref<!tpu.dma_semaphore, #tpu.memory_space<semaphore_mem>>)
      } else {
      }
      %scan3A_317 = arith.constant 0 : i32
      scf.yield %scan3A_317 : i32
    }
    %scan3A_225 = arith.constant 41 : i32
    %add3A_226 = arith.constant 9840 : i32
    %add3A_227 = arith.addi %mul3A_2, %add3A_226 : i32
    %dma_wait3A_228 = tpu.memref_slice %arg4[%add3A_227] : memref<320000xi32, #tpu.memory_space<hbm>> -> memref<80xi32, #tpu.memory_space<hbm>>
    %dma_wait3A_229 = tpu.memref_slice %arg4[%add3A_227] : memref<320000xi32, #tpu.memory_space<hbm>> -> memref<80xi32, #tpu.memory_space<hbm>>
    tpu.wait_dma2 semaphore(%arg14 : memref<!tpu.dma_semaphore, #tpu.memory_space<semaphore_mem>>) src(%dma_wait3A_229 : memref<80xi32, #tpu.memory_space<hbm>>) dst(%arg7 : memref<80xi32, #tpu.memory_space<vmem>>)
    %dma_wait3A_230 = arith.constant 9840 : i32
    %dma_wait3A_231 = tpu.memref_slice %arg6[%dma_wait3A_230] : memref<10000xi32, #tpu.memory_space<vmem>> -> memref<80xi32, #tpu.memory_space<vmem>>
    %dma_wait3A_232 = arith.constant 0 : i32
    %dma_wait3A_233 = arith.constant 0 : i32
    %dma_wait3A_234 = tpu.memref_slice %arg2[%dma_wait3A_232, %dma_wait3A_233] : memref<10000x128xf32, #tpu.memory_space<hbm>> -> memref<10000x128xf32, #tpu.memory_space<hbm>>
    tpu.wait_indirect_dma semaphore(%arg17 : memref<!tpu.dma_semaphore, #tpu.memory_space<semaphore_mem>>) src(%dma_wait3A_234 : memref<10000x128xf32, #tpu.memory_space<hbm>>) dst(%arg10 : memref<80x128xf32, #tpu.memory_space<vmem>>)
    "tpu.region"() ({
      %run_scoped3A = tpu.sem_alloc : memref<!tpu.dma_semaphore, #tpu.memory_space<semaphore_mem>>
      %dma_start3A_250 = arith.constant 0 : i32
      %dma_start3A_251 = arith.constant 0 : i32
      %dma_start3A_252 = tpu.memref_slice %arg13[%dma_start3A_250, %dma_start3A_251] : memref<10000x128xf32, #tpu.memory_space<vmem_shared>> -> memref<10000x128xf32, #tpu.memory_space<vmem_shared>>
      tpu.enqueue_indirect_dma source(%arg10 : memref<80x128xf32, #tpu.memory_space<vmem>>) target(%dma_start3A_252 : memref<10000x128xf32, #tpu.memory_space<vmem_shared>>) offsets(%arg7 : memref<80xi32, #tpu.memory_space<vmem>>) semaphore(%run_scoped3A : memref<!tpu.dma_semaphore, #tpu.memory_space<semaphore_mem>>) {add = true}
      %dma_wait3A_253 = arith.constant 0 : i32
      %dma_wait3A_254 = arith.constant 0 : i32
      %dma_wait3A_255 = tpu.memref_slice %arg13[%dma_wait3A_253, %dma_wait3A_254] : memref<10000x128xf32, #tpu.memory_space<vmem_shared>> -> memref<10000x128xf32, #tpu.memory_space<vmem_shared>>
      tpu.wait_indirect_dma semaphore(%run_scoped3A : memref<!tpu.dma_semaphore, #tpu.memory_space<semaphore_mem>>) src(%arg10 : memref<80x128xf32, #tpu.memory_space<vmem>>) dst(%dma_wait3A_255 : memref<10000x128xf32, #tpu.memory_space<vmem_shared>>)
      tpu.yield
    }) : () -> ()
    %add3A_235 = arith.constant 9920 : i32
    %add3A_236 = arith.addi %mul3A_2, %add3A_235 : i32
    %dma_wait3A_237 = tpu.memref_slice %arg4[%add3A_236] : memref<320000xi32, #tpu.memory_space<hbm>> -> memref<80xi32, #tpu.memory_space<hbm>>
    %dma_wait3A_238 = tpu.memref_slice %arg4[%add3A_236] : memref<320000xi32, #tpu.memory_space<hbm>> -> memref<80xi32, #tpu.memory_space<hbm>>
    tpu.wait_dma2 semaphore(%arg15 : memref<!tpu.dma_semaphore, #tpu.memory_space<semaphore_mem>>) src(%dma_wait3A_238 : memref<80xi32, #tpu.memory_space<hbm>>) dst(%arg8 : memref<80xi32, #tpu.memory_space<vmem>>)
    %dma_wait3A_239 = arith.constant 9920 : i32
    %dma_wait3A_240 = tpu.memref_slice %arg6[%dma_wait3A_239] : memref<10000xi32, #tpu.memory_space<vmem>> -> memref<80xi32, #tpu.memory_space<vmem>>
    %dma_wait3A_241 = arith.constant 0 : i32
    %dma_wait3A_242 = arith.constant 0 : i32
    %dma_wait3A_243 = tpu.memref_slice %arg2[%dma_wait3A_241, %dma_wait3A_242] : memref<10000x128xf32, #tpu.memory_space<hbm>> -> memref<10000x128xf32, #tpu.memory_space<hbm>>
    tpu.wait_indirect_dma semaphore(%arg18 : memref<!tpu.dma_semaphore, #tpu.memory_space<semaphore_mem>>) src(%dma_wait3A_243 : memref<10000x128xf32, #tpu.memory_space<hbm>>) dst(%arg11 : memref<80x128xf32, #tpu.memory_space<vmem>>)
    "tpu.region"() ({
      %run_scoped3A = tpu.sem_alloc : memref<!tpu.dma_semaphore, #tpu.memory_space<semaphore_mem>>
      %dma_start3A_250 = arith.constant 0 : i32
      %dma_start3A_251 = arith.constant 0 : i32
      %dma_start3A_252 = tpu.memref_slice %arg13[%dma_start3A_250, %dma_start3A_251] : memref<10000x128xf32, #tpu.memory_space<vmem_shared>> -> memref<10000x128xf32, #tpu.memory_space<vmem_shared>>
      tpu.enqueue_indirect_dma source(%arg11 : memref<80x128xf32, #tpu.memory_space<vmem>>) target(%dma_start3A_252 : memref<10000x128xf32, #tpu.memory_space<vmem_shared>>) offsets(%arg8 : memref<80xi32, #tpu.memory_space<vmem>>) semaphore(%run_scoped3A : memref<!tpu.dma_semaphore, #tpu.memory_space<semaphore_mem>>) {add = true}
      %dma_wait3A_253 = arith.constant 0 : i32
      %dma_wait3A_254 = arith.constant 0 : i32
      %dma_wait3A_255 = tpu.memref_slice %arg13[%dma_wait3A_253, %dma_wait3A_254] : memref<10000x128xf32, #tpu.memory_space<vmem_shared>> -> memref<10000x128xf32, #tpu.memory_space<vmem_shared>>
      tpu.wait_indirect_dma semaphore(%run_scoped3A : memref<!tpu.dma_semaphore, #tpu.memory_space<semaphore_mem>>) src(%arg11 : memref<80x128xf32, #tpu.memory_space<vmem>>) dst(%dma_wait3A_255 : memref<10000x128xf32, #tpu.memory_space<vmem_shared>>)
      tpu.yield
    }) : () -> ()
    %barrier3A_244 = arith.constant 0 : index
    tpu.barrier barrier_id(%barrier3A_244)
    "tpu.region"() ({
      %run_scoped3A = tpu.sem_alloc : memref<!tpu.dma_semaphore, #tpu.memory_space<semaphore_mem>>
      %dma_start3A_250 = arith.constant 0 : i32
      %dma_start3A_251 = tpu.memref_slice %arg5[%arg0, %mul3A_13, %dma_start3A_250] : memref<2x10000x128xf32, #tpu.memory_space<hbm>> -> memref<1x624x128xf32, #tpu.memory_space<hbm>>
      %dma_start3A_252 = tpu.memref_squeeze %dma_start3A_251 : memref<1x624x128xf32, #tpu.memory_space<hbm>> -> memref<624x128xf32, #tpu.memory_space<hbm>>
      %dma_start3A_253 = arith.constant 0 : i32
      %dma_start3A_254 = tpu.memref_slice %arg13[%mul3A_13, %dma_start3A_253] : memref<10000x128xf32, #tpu.memory_space<vmem_shared>> -> memref<624x128xf32, #tpu.memory_space<vmem_shared>>
      tpu.enqueue_dma source(%dma_start3A_254 : memref<624x128xf32, #tpu.memory_space<vmem_shared>>) target(%dma_start3A_252 : memref<624x128xf32, #tpu.memory_space<hbm>>) target_semaphore(%run_scoped3A : memref<!tpu.dma_semaphore, #tpu.memory_space<semaphore_mem>>)
      %dma_wait3A_255 = arith.constant 0 : i32
      %dma_wait3A_256 = tpu.memref_slice %arg5[%arg0, %mul3A_13, %dma_wait3A_255] : memref<2x10000x128xf32, #tpu.memory_space<hbm>> -> memref<1x624x128xf32, #tpu.memory_space<hbm>>
      %dma_wait3A_257 = tpu.memref_squeeze %dma_wait3A_256 : memref<1x624x128xf32, #tpu.memory_space<hbm>> -> memref<624x128xf32, #tpu.memory_space<hbm>>
      %dma_wait3A_258 = arith.constant 0 : i32
      %dma_wait3A_259 = tpu.memref_slice %arg13[%mul3A_13, %dma_wait3A_258] : memref<10000x128xf32, #tpu.memory_space<vmem_shared>> -> memref<624x128xf32, #tpu.memory_space<vmem_shared>>
      tpu.wait_dma2 semaphore(%run_scoped3A : memref<!tpu.dma_semaphore, #tpu.memory_space<semaphore_mem>>) src(%dma_wait3A_259 : memref<624x128xf32, #tpu.memory_space<vmem_shared>>) dst(%dma_wait3A_257 : memref<624x128xf32, #tpu.memory_space<hbm>>)
      tpu.yield
    }) : () -> ()
    %eq3A_245 = arith.constant 15 : i32
    %eq3A_246 = arith.cmpi eq, %arg1, %eq3A_245 : i32
    %convert_element_type3A_247 = arith.extui %eq3A_246 : i1 to i32
    %cond3A_248 = arith.constant 0 : i32
    %cond3A_249 = arith.cmpi ne, %convert_element_type3A_247, %cond3A_248 : i32
    scf.if %cond3A_249 {
      "tpu.region"() ({
        %run_scoped3A = tpu.sem_alloc : memref<!tpu.dma_semaphore, #tpu.memory_space<semaphore_mem>>
        %dma_start3A_250 = arith.constant 9984 : i32
        %dma_start3A_251 = arith.constant 0 : i32
        %dma_start3A_252 = tpu.memref_slice %arg5[%arg0, %dma_start3A_250, %dma_start3A_251] : memref<2x10000x128xf32, #tpu.memory_space<hbm>> -> memref<1x16x128xf32, #tpu.memory_space<hbm>>
        %dma_start3A_253 = tpu.memref_squeeze %dma_start3A_252 : memref<1x16x128xf32, #tpu.memory_space<hbm>> -> memref<16x128xf32, #tpu.memory_space<hbm>>
        %dma_start3A_254 = arith.constant 9984 : i32
        %dma_start3A_255 = arith.constant 0 : i32
        %dma_start3A_256 = tpu.memref_slice %arg13[%dma_start3A_254, %dma_start3A_255] : memref<10000x128xf32, #tpu.memory_space<vmem_shared>> -> memref<16x128xf32, #tpu.memory_space<vmem_shared>>
        tpu.enqueue_dma source(%dma_start3A_256 : memref<16x128xf32, #tpu.memory_space<vmem_shared>>) target(%dma_start3A_253 : memref<16x128xf32, #tpu.memory_space<hbm>>) target_semaphore(%run_scoped3A : memref<!tpu.dma_semaphore, #tpu.memory_space<semaphore_mem>>)
        %dma_wait3A_257 = arith.constant 9984 : i32
        %dma_wait3A_258 = arith.constant 0 : i32
        %dma_wait3A_259 = tpu.memref_slice %arg5[%arg0, %dma_wait3A_257, %dma_wait3A_258] : memref<2x10000x128xf32, #tpu.memory_space<hbm>> -> memref<1x16x128xf32, #tpu.memory_space<hbm>>
        %dma_wait3A_260 = tpu.memref_squeeze %dma_wait3A_259 : memref<1x16x128xf32, #tpu.memory_space<hbm>> -> memref<16x128xf32, #tpu.memory_space<hbm>>
        %dma_wait3A_261 = arith.constant 9984 : i32
        %dma_wait3A_262 = arith.constant 0 : i32
        %dma_wait3A_263 = tpu.memref_slice %arg13[%dma_wait3A_261, %dma_wait3A_262] : memref<10000x128xf32, #tpu.memory_space<vmem_shared>> -> memref<16x128xf32, #tpu.memory_space<vmem_shared>>
        tpu.wait_dma2 semaphore(%run_scoped3A : memref<!tpu.dma_semaphore, #tpu.memory_space<semaphore_mem>>) src(%dma_wait3A_263 : memref<16x128xf32, #tpu.memory_space<vmem_shared>>) dst(%dma_wait3A_260 : memref<16x128xf32, #tpu.memory_space<hbm>>)
        tpu.yield
      }) : () -> ()
    } else {
    }
    return
  }
}

module attributes {stable_mosaic.version = 14 : i64} {
  func.func @_layer_body(%arg0: memref<1xf32, #tpu.memory_space<smem>>, %arg1: memref<10000x128xf32, #tpu.memory_space<vmem>>, %arg2: memref<10000x128xf32, #tpu.memory_space<vmem>>, %arg3: memref<10000x128xf32, #tpu.memory_space<vmem>>, %arg4: memref<128x128xf32, #tpu.memory_space<vmem>>, %arg5: memref<1x128xf32, #tpu.memory_space<vmem>>, %arg6: memref<128x128xf32, #tpu.memory_space<vmem>>, %arg7: memref<1x128xf32, #tpu.memory_space<vmem>>, %arg8: memref<1x128xf32, #tpu.memory_space<vmem>>, %arg9: memref<1x128xf32, #tpu.memory_space<vmem>>, %arg10: memref<10000x128xf32, #tpu.memory_space<vmem>>) attributes {dimension_semantics = [], scalar_prefetch = 0 : i64, scratch_operands = 0 : i64, tpu.core_type = #tpu.core_type<tc>} {
    %get3A = arith.constant 0 : index
    %get3A_0 = arith.constant 0 : index
    %get3A_1 = vector.load %arg1[%get3A, %get3A_0] : memref<10000x128xf32, #tpu.memory_space<vmem>>, vector<10000x128xf32>
    %get3A_2 = arith.constant 0 : index
    %get3A_3 = memref.load %arg0[%get3A_2] : memref<1xf32, #tpu.memory_space<smem>>
    %add3A = arith.constant 1.000000e+00 : f32
    %add3A_4 = arith.addf %add3A, %get3A_3 : f32
    %mul3A = vector.broadcast %add3A_4 : f32 to vector<10000x128xf32>
    %mul3A_5 = arith.mulf %get3A_1, %mul3A : vector<10000x128xf32>
    %get3A_6 = arith.constant 0 : index
    %get3A_7 = arith.constant 0 : index
    %get3A_8 = vector.load %arg2[%get3A_6, %get3A_7] : memref<10000x128xf32, #tpu.memory_space<vmem>>, vector<10000x128xf32>
    %add3A_9 = arith.addf %mul3A_5, %get3A_8 : vector<10000x128xf32>
    %get3A_10 = arith.constant 0 : index
    %get3A_11 = arith.constant 0 : index
    %get3A_12 = vector.load %arg3[%get3A_10, %get3A_11] : memref<10000x128xf32, #tpu.memory_space<vmem>>, vector<10000x128xf32>
    %add3A_13 = arith.addf %add3A_9, %get3A_12 : vector<10000x128xf32>
    %get3A_14 = arith.constant 0 : index
    %get3A_15 = arith.constant 0 : index
    %get3A_16 = vector.load %arg4[%get3A_14, %get3A_15] : memref<128x128xf32, #tpu.memory_space<vmem>>, vector<128x128xf32>
    %dot_general3A = arith.constant dense<0.000000e+00> : vector<10000x128xf32>
    %dot_general3A_17 = tpu.matmul %add3A_13, %get3A_16, %dot_general3A {dimension_numbers = #tpu.dot_dimension_numbers<[1], [0], [0], [1], [0, 0, 1, 1], [], []>, transpose_lhs_hint = false} : vector<10000x128xf32>, vector<128x128xf32>, vector<10000x128xf32> -> vector<10000x128xf32>
    %get3A_18 = arith.constant 0 : index
    %get3A_19 = arith.constant 0 : index
    %get3A_20 = vector.load %arg5[%get3A_18, %get3A_19] : memref<1x128xf32, #tpu.memory_space<vmem>>, vector<1x128xf32>
    %add3A_21 = vector.broadcast %get3A_20 : vector<1x128xf32> to vector<10000x128xf32>
    %add3A_22 = arith.addf %dot_general3A_17, %add3A_21 : vector<10000x128xf32>
    %max3A = arith.constant 0.000000e+00 : f32
    %max3A_23 = vector.broadcast %max3A : f32 to vector<10000x128xf32>
    %max3A_24 = arith.maximumf %add3A_22, %max3A_23 : vector<10000x128xf32>
    %get3A_25 = arith.constant 0 : index
    %get3A_26 = arith.constant 0 : index
    %get3A_27 = vector.load %arg6[%get3A_25, %get3A_26] : memref<128x128xf32, #tpu.memory_space<vmem>>, vector<128x128xf32>
    %dot_general3A_28 = arith.constant dense<0.000000e+00> : vector<10000x128xf32>
    %dot_general3A_29 = tpu.matmul %max3A_24, %get3A_27, %dot_general3A_28 {dimension_numbers = #tpu.dot_dimension_numbers<[1], [0], [0], [1], [0, 0, 1, 1], [], []>, transpose_lhs_hint = false} : vector<10000x128xf32>, vector<128x128xf32>, vector<10000x128xf32> -> vector<10000x128xf32>
    %get3A_30 = arith.constant 0 : index
    %get3A_31 = arith.constant 0 : index
    %get3A_32 = vector.load %arg7[%get3A_30, %get3A_31] : memref<1x128xf32, #tpu.memory_space<vmem>>, vector<1x128xf32>
    %add3A_33 = vector.broadcast %get3A_32 : vector<1x128xf32> to vector<10000x128xf32>
    %add3A_34 = arith.addf %dot_general3A_29, %add3A_33 : vector<10000x128xf32>
    %max3A_35 = arith.constant 0.000000e+00 : f32
    %max3A_36 = vector.broadcast %max3A_35 : f32 to vector<10000x128xf32>
    %max3A_37 = arith.maximumf %add3A_34, %max3A_36 : vector<10000x128xf32>
    %reduce_sum3A = arith.constant dense<0.000000e+00> : vector<128xf32>
    %reduce_sum3A_38 = vector.multi_reduction <add>, %max3A_37, %reduce_sum3A [0] : vector<10000x128xf32> to vector<128xf32>
    %broadcast_in_dim3A = vector.shape_cast %reduce_sum3A_38 : vector<128xf32> to vector<1x128xf32>
    %div3A = arith.constant 1.000000e+04 : f32
    %div3A_39 = vector.broadcast %div3A : f32 to vector<1x128xf32>
    %div3A_40 = arith.divf %broadcast_in_dim3A, %div3A_39 : vector<1x128xf32>
    %sub3A = vector.broadcast %div3A_40 : vector<1x128xf32> to vector<10000x128xf32>
    %sub3A_41 = arith.subf %max3A_37, %sub3A : vector<10000x128xf32>
    %square3A = arith.mulf %sub3A_41, %sub3A_41 : vector<10000x128xf32>
    %reduce_sum3A_42 = arith.constant dense<0.000000e+00> : vector<128xf32>
    %reduce_sum3A_43 = vector.multi_reduction <add>, %square3A, %reduce_sum3A_42 [0] : vector<10000x128xf32> to vector<128xf32>
    %broadcast_in_dim3A_44 = vector.shape_cast %reduce_sum3A_43 : vector<128xf32> to vector<1x128xf32>
    %div3A_45 = arith.constant 1.000000e+04 : f32
    %div3A_46 = vector.broadcast %div3A_45 : f32 to vector<1x128xf32>
    %div3A_47 = arith.divf %broadcast_in_dim3A_44, %div3A_46 : vector<1x128xf32>
    %sub3A_48 = vector.broadcast %div3A_40 : vector<1x128xf32> to vector<10000x128xf32>
    %sub3A_49 = arith.subf %max3A_37, %sub3A_48 : vector<10000x128xf32>
    %add3A_50 = arith.constant 9.99999974E-6 : f32
    %add3A_51 = vector.broadcast %add3A_50 : f32 to vector<1x128xf32>
    %add3A_52 = arith.addf %div3A_47, %add3A_51 : vector<1x128xf32>
    %rsqrt3A = math.rsqrt %add3A_52 : vector<1x128xf32>
    %mul3A_53 = vector.broadcast %rsqrt3A : vector<1x128xf32> to vector<10000x128xf32>
    %mul3A_54 = arith.mulf %sub3A_49, %mul3A_53 : vector<10000x128xf32>
    %get3A_55 = arith.constant 0 : index
    %get3A_56 = arith.constant 0 : index
    %get3A_57 = vector.load %arg8[%get3A_55, %get3A_56] : memref<1x128xf32, #tpu.memory_space<vmem>>, vector<1x128xf32>
    %mul3A_58 = vector.broadcast %get3A_57 : vector<1x128xf32> to vector<10000x128xf32>
    %mul3A_59 = arith.mulf %mul3A_54, %mul3A_58 : vector<10000x128xf32>
    %get3A_60 = arith.constant 0 : index
    %get3A_61 = arith.constant 0 : index
    %get3A_62 = vector.load %arg9[%get3A_60, %get3A_61] : memref<1x128xf32, #tpu.memory_space<vmem>>, vector<1x128xf32>
    %add3A_63 = vector.broadcast %get3A_62 : vector<1x128xf32> to vector<10000x128xf32>
    %add3A_64 = arith.addf %mul3A_59, %add3A_63 : vector<10000x128xf32>
    %swap3A = arith.constant 0 : index
    %swap3A_65 = arith.constant 0 : index
    %swap3A_66 = vector.load %arg10[%swap3A, %swap3A_65] : memref<10000x128xf32, #tpu.memory_space<vmem>>, vector<10000x128xf32>
    tpu.vector_store %arg10[%swap3A, %swap3A_65], %add3A_64 {strides = array<i32>} : memref<10000x128xf32, #tpu.memory_space<vmem>>, vector<10000x128xf32>,
    return
  }
}

module attributes {stable_mosaic.version = 14 : i64} {
  func.func @_head_body(%arg0: memref<10000x128xf32, #tpu.memory_space<vmem>>, %arg1: memref<10000x1xi32, #tpu.memory_space<vmem>>, %arg2: memref<128x128xf32, #tpu.memory_space<vmem>>, %arg3: memref<1x128xf32, #tpu.memory_space<vmem>>, %arg4: memref<128x128xf32, #tpu.memory_space<vmem>>, %arg5: memref<1x128xf32, #tpu.memory_space<vmem>>, %arg6: memref<64x128xf32, #tpu.memory_space<vmem>>) attributes {dimension_semantics = [], scalar_prefetch = 0 : i64, scratch_operands = 0 : i64, tpu.core_type = #tpu.core_type<tc>} {
    %get3A = arith.constant 0 : index
    %get3A_0 = arith.constant 0 : index
    %get3A_1 = vector.load %arg1[%get3A, %get3A_0] : memref<10000x1xi32, #tpu.memory_space<vmem>>, vector<10000x1xi32>
    %iota3A = tpu.iota {dimensions = array<i32: 1>} : vector<10000x64xi32>
    %eq3A = vector.broadcast %get3A_1 : vector<10000x1xi32> to vector<10000x64xi32>
    %eq3A_2 = arith.cmpi eq, %eq3A, %iota3A : vector<10000x64xi32>
    %convert_element_type3A = arith.extui %eq3A_2 : vector<10000x64xi1> to vector<10000x64xi32>
    %convert_element_type3A_3 = arith.sitofp %convert_element_type3A : vector<10000x64xi32> to vector<10000x64xf32>
    %get3A_4 = arith.constant 0 : index
    %get3A_5 = arith.constant 0 : index
    %get3A_6 = vector.load %arg0[%get3A_4, %get3A_5] : memref<10000x128xf32, #tpu.memory_space<vmem>>, vector<10000x128xf32>
    %dot_general3A = arith.constant dense<0.000000e+00> : vector<64x128xf32>
    %dot_general3A_7 = tpu.matmul %convert_element_type3A_3, %get3A_6, %dot_general3A {dimension_numbers = #tpu.dot_dimension_numbers<[0], [0], [1], [1], [0, 1, 1, 1], [], []>, transpose_lhs_hint = false} : vector<10000x64xf32>, vector<10000x128xf32>, vector<64x128xf32> -> vector<64x128xf32>
    %reduce_sum3A = arith.constant dense<0.000000e+00> : vector<64xf32>
    %reduce_sum3A_8 = vector.multi_reduction <add>, %convert_element_type3A_3, %reduce_sum3A [0] : vector<10000x64xf32> to vector<64xf32>
    %broadcast_in_dim3A = vector.shape_cast %reduce_sum3A_8 : vector<64xf32> to vector<64x1xf32>
    %max3A = arith.constant 1.000000e+00 : f32
    %max3A_9 = vector.broadcast %max3A : f32 to vector<64x1xf32>
    %max3A_10 = arith.maximumf %broadcast_in_dim3A, %max3A_9 : vector<64x1xf32>
    %div3A = vector.broadcast %max3A_10 : vector<64x1xf32> to vector<64x128xf32>
    %div3A_11 = arith.divf %dot_general3A_7, %div3A : vector<64x128xf32>
    %get3A_12 = arith.constant 0 : index
    %get3A_13 = arith.constant 0 : index
    %get3A_14 = vector.load %arg2[%get3A_12, %get3A_13] : memref<128x128xf32, #tpu.memory_space<vmem>>, vector<128x128xf32>
    %dot_general3A_15 = arith.constant dense<0.000000e+00> : vector<64x128xf32>
    %dot_general3A_16 = tpu.matmul %div3A_11, %get3A_14, %dot_general3A_15 {dimension_numbers = #tpu.dot_dimension_numbers<[1], [0], [0], [1], [0, 0, 1, 1], [], []>, transpose_lhs_hint = false} : vector<64x128xf32>, vector<128x128xf32>, vector<64x128xf32> -> vector<64x128xf32>
    %get3A_17 = arith.constant 0 : index
    %get3A_18 = arith.constant 0 : index
    %get3A_19 = vector.load %arg3[%get3A_17, %get3A_18] : memref<1x128xf32, #tpu.memory_space<vmem>>, vector<1x128xf32>
    %add3A = vector.broadcast %get3A_19 : vector<1x128xf32> to vector<64x128xf32>
    %add3A_20 = arith.addf %dot_general3A_16, %add3A : vector<64x128xf32>
    %max3A_21 = arith.constant 0.000000e+00 : f32
    %max3A_22 = vector.broadcast %max3A_21 : f32 to vector<64x128xf32>
    %max3A_23 = arith.maximumf %add3A_20, %max3A_22 : vector<64x128xf32>
    %get3A_24 = arith.constant 0 : index
    %get3A_25 = arith.constant 0 : index
    %get3A_26 = vector.load %arg4[%get3A_24, %get3A_25] : memref<128x128xf32, #tpu.memory_space<vmem>>, vector<128x128xf32>
    %dot_general3A_27 = arith.constant dense<0.000000e+00> : vector<64x128xf32>
    %dot_general3A_28 = tpu.matmul %max3A_23, %get3A_26, %dot_general3A_27 {dimension_numbers = #tpu.dot_dimension_numbers<[1], [0], [0], [1], [0, 0, 1, 1], [], []>, transpose_lhs_hint = false} : vector<64x128xf32>, vector<128x128xf32>, vector<64x128xf32> -> vector<64x128xf32>
    %get3A_29 = arith.constant 0 : index
    %get3A_30 = arith.constant 0 : index
    %get3A_31 = vector.load %arg5[%get3A_29, %get3A_30] : memref<1x128xf32, #tpu.memory_space<vmem>>, vector<1x128xf32>
    %add3A_32 = vector.broadcast %get3A_31 : vector<1x128xf32> to vector<64x128xf32>
    %add3A_33 = arith.addf %dot_general3A_28, %add3A_32 : vector<64x128xf32>
    %reduce_max3A = arith.constant dense<0xFF800000> : vector<64xf32>
    %reduce_max3A_34 = vector.multi_reduction <maximumf>, %add3A_33, %reduce_max3A [1] : vector<64x128xf32> to vector<64xf32>
    %broadcast_in_dim3A_35 = vector.shape_cast %reduce_max3A_34 : vector<64xf32> to vector<64x1xf32>
    %sub3A = vector.broadcast %broadcast_in_dim3A_35 : vector<64x1xf32> to vector<64x128xf32>
    %sub3A_36 = arith.subf %add3A_33, %sub3A : vector<64x128xf32>
    %exp3A = math.exp %sub3A_36 : vector<64x128xf32>
    %reduce_sum3A_37 = arith.constant dense<0.000000e+00> : vector<64xf32>
    %reduce_sum3A_38 = vector.multi_reduction <add>, %exp3A, %reduce_sum3A_37 [1] : vector<64x128xf32> to vector<64xf32>
    %broadcast_in_dim3A_39 = vector.shape_cast %reduce_sum3A_38 : vector<64xf32> to vector<64x1xf32>
    %log3A = math.log %broadcast_in_dim3A_39 : vector<64x1xf32>
    %add3A_40 = arith.addf %log3A, %broadcast_in_dim3A_35 : vector<64x1xf32>
    %sub3A_41 = vector.broadcast %add3A_40 : vector<64x1xf32> to vector<64x128xf32>
    %sub3A_42 = arith.subf %add3A_33, %sub3A_41 : vector<64x128xf32>
    %swap3A = arith.constant 0 : index
    %swap3A_43 = arith.constant 0 : index
    %swap3A_44 = vector.load %arg6[%swap3A, %swap3A_43] : memref<64x128xf32, #tpu.memory_space<vmem>>, vector<64x128xf32>
    tpu.vector_store %arg6[%swap3A, %swap3A_43], %sub3A_42 {strides = array<i32>} : memref<64x128xf32, #tpu.memory_space<vmem>>, vector<64x128xf32>,
    return
  }
}

</mosaic_0001>

<sc_bundles>
// kernel: kernel.12.cloned.1.call-start
scs
__scs_entry_jumppad:
0x0: {  	(pc) =	sbr.rel $0x88, $3  }
0x1: {  	(tag) =	ssettag $0x0;
	lr =	simm.s32 $0x1  }
0x2: {  	[smem:$0x3F93] =	sst lr;
	_ =	strace $0xD0000000  }
0x3: {  	_ = 	snop  }
0x4: {  	_ = 	snop  }
0x5: {  	_ = 	snop  }
0x6: {  	_ = 	snop  }
0x7: {  	_ = 	snop  }
__scs_overlays_trampoline_lowered:
0x8: {  	[smem:$0x3FA2] =	sst s0  }
0x9: {  	[smem:$0x3FA3] =	sst s1  }
0xa: {  	[smem:$0x3FA4] =	sst s2  }
0xb: {  	[smem:$0x3FA5] =	sst s3  }
0xc: {  	[smem:$0x3FA6] =	sst s4  }
0xd: {  	[smem:$0x3FA7] =	sst s5  }
0xe: {  	[smem:$0x3FA8] =	sst s6  }
0xf: {  	[smem:$0x3FA9] =	sst s7  }
0x10: {  	[smem:$0x3FAA] =	sst s8  }
0x11: {  	[smem:$0x3FAB] =	sst s9;
	s0 =	simm.s32 @!p0 $0x0  }
0x12: {  	s1 =	sld [smem:$0x3F91];
	s0 =	simm.s32 @p0 $0x1  }
0x13: {  	[smem:$0x3FAC] =	sst s0;
	s0 =	simm.s32 @!p1 $0x0  }
0x14: {  	s2 =	sld [smem:$0x3F90];
	s0 =	simm.s32 @p1 $0x1  }
0x15: {  	[smem:$0x3FAD] =	sst s0;
	s0 =	simm.s32 @!p2 $0x0  }
0x16: {  	s3 =	sld [smem:$0x3FDB];
	s0 =	simm.s32 @p2 $0x1  }
0x17: {  	s4 =	simm.s32 $0x1BF5;
	[smem:$0x3FAF] =	sst s0  }
0x18: {  	s0 =	sld [smem:$0x3F92];
	_ =	swait.ge [sflag:s4], $0x0  }
0x19: {  	s7 =	sld [smem:$0x3F93]  }
0x1a: {  	s8 =	sadd.s32 $0xFFFFE003, lr  }
0x1b: {  	s9 =	sadd.s32 $0xFFFFFEF7, lr;
	s5 =	simm.s32 $0xFFFFFFFF;
	p2 =	slt.u32 s8, $0xFFFFF086  }
0x1c: {  	p1 =	slt.u32 s9, $0xF7A;
	s5 =	simm.s32 @!p2 $0x0  }
0x1d: {  	s5 =	simm.s32 @p1 $0x1;
	p0 =	seq.s32 s7, s2  }
0x1e: {  	s7 =	smul.u32 @!p0 $0xF7A, s2;
	p2 =	seq.s32 @!p0 s5, $0x0  }
0x1f: {  	s9 =	smul.u32 $0xF7A, s1;
	s8 =	simm.s32 @!p0 $0x1BF5;
	p2 =	por !p2, p0  }
0x20: {  	[sflag:s8] =	ssyncset.s32 @!p0 $0xFFFFF086;
	s6 =	sadd.s32 @!p0 s3, s7;
	s7 =	simm.s32 @!p0 $0x108  }
0x21: {  	s3 =	sadd.s32 s3, s9;
	s6 =	sadd.s32 @!p0 $0x88, s6;
	s7 =	simm.s32 @p2 $0x1082  }
0x22: {  	[simem:s7], [sflag:s8] =	dma.local @!p0 [hbm:s6], $0xF7A  }
0x23: {  	s9 =	sor.u32 $0xD0000000, s2;
	s6 =	simm.s32 $0x108;
	_ =	swait.ge @!p0 [sflag:s8], $0x0  }
0x24: {  	s3 =	sadd.s32 $0x88, s3;
	s6 =	simm.s32 @!p1 $0x1082;
	[sflag:s4] =	ssyncset.s32 $0xFFFFF086  }
0x25: {  	[simem:s6], [sflag:s4] =	dma.local [hbm:s3], $0xF7A  }
0x26: {  	[smem:$0x3F93] =	sst s1;
	(tag) =	ssettag s2;
	_ =	strace s9  }
0x27: {  	s1 =	sld [smem:$0x3FA3]  }
0x28: {  	s2 =	sld [smem:$0x3FA4]  }
0x29: {  	s4 =	sld [smem:$0x3FA6]  }
0x2a: {  	p0 =	seq.s32 s5, $0x0;
	s5 =	sld [smem:$0x3FA7]  }
0x2b: {  	s6 =	sld [smem:$0x3FA8]  }
0x2c: {  	s7 =	sld [smem:$0x3FA9]  }
0x2d: {  	s3 =	simm.s32 $0x108;
	s8 =	sld [smem:$0x3FAA]  }
0x2e: {  	s3 =	simm.s32 @!p0 $0x1082;
	s9 =	sld [smem:$0x3FAB]  }
0x2f: {  	lr =	sadd.s32 s0, s3;
	s0 =	sld [smem:$0x3FA2]  }
0x30: {  	s3 =	sld [smem:$0x3FA5]  }
0x31: {  	[smem:$0x3FAE] =	sst s10  }
0x32: {  	s10 =	sld [smem:$0x3FAC];
	_ =	sdelay $0x3  }
0x33: {  	p0 =	seq.s32 s10, $0x1;
	s10 =	sld [smem:$0x3FAE];
	_ =	sdelay $0x3  }
0x34: {  	[smem:$0x3FAE] =	sst s10  }
0x35: {  	s10 =	sld [smem:$0x3FAD];
	_ =	sdelay $0x3  }
0x36: {  	p1 =	seq.s32 s10, $0x1;
	s10 =	sld [smem:$0x3FAE];
	_ =	sdelay $0x3  }
0x37: {  	[smem:$0x3FAE] =	sst s10  }
0x38: {  	s10 =	sld [smem:$0x3FAF]  }
0x39: {  	_ = 	snop;
	(pc) =	sbr.ind lr, $3  }
0x3a: {  	_ = 	snop  }
0x3b: {  	_ = 	snop  }
0x3c: {  	p2 =	seq.s32 s10, $0x1;
	s10 =	sld [smem:$0x3FAE]  }
0x3d: {  	_ =	shalt  }
0x3e: {  	_ =	shalt  }
0x3f: {  	_ =	shalt  }
0x40: {  	_ =	shalt  }
0x41: {  	_ =	shalt  }
0x42: {  	_ =	shalt  }
0x43: {  	_ =	shalt  }
0x44: {  	_ =	shalt  }
0x45: {  	_ =	shalt  }
0x46: {  	_ =	shalt  }
0x47: {  	_ =	shalt  }
0x48: {  	_ =	shalt  }
0x49: {  	_ =	shalt  }
0x4a: {  	_ =	shalt  }
0x4b: {  	_ =	shalt  }
0x4c: {  	_ =	shalt  }
0x4d: {  	_ =	shalt  }
0x4e: {  	_ =	shalt  }
0x4f: {  	_ =	shalt  }
0x50: {  	_ =	shalt  }
0x51: {  	_ =	shalt  }
0x52: {  	_ =	shalt  }
0x53: {  	_ =	shalt  }
0x54: {  	_ =	shalt  }
0x55: {  	_ =	shalt  }
0x56: {  	_ =	shalt  }
0x57: {  	_ =	shalt  }
0x58: {  	_ =	shalt  }
0x59: {  	_ =	shalt  }
0x5a: {  	_ =	shalt  }
0x5b: {  	_ =	shalt  }
0x5c: {  	_ =	shalt  }
0x5d: {  	_ =	shalt  }
0x5e: {  	_ =	shalt  }
0x5f: {  	_ =	shalt  }
0x60: {  	_ =	shalt  }
0x61: {  	_ =	shalt  }
0x62: {  	_ =	shalt  }
0x63: {  	_ =	shalt  }
0x64: {  	_ =	shalt  }
0x65: {  	_ =	shalt  }
0x66: {  	_ =	shalt  }
0x67: {  	_ =	shalt  }
0x68: {  	_ =	shalt  }
0x69: {  	_ =	shalt  }
0x6a: {  	_ =	shalt  }
0x6b: {  	_ =	shalt  }
0x6c: {  	_ =	shalt  }
0x6d: {  	_ =	shalt  }
0x6e: {  	_ =	shalt  }
0x6f: {  	_ =	shalt  }
0x70: {  	_ =	shalt  }
0x71: {  	_ =	shalt  }
0x72: {  	_ =	shalt  }
0x73: {  	_ =	shalt  }
0x74: {  	_ =	shalt  }
0x75: {  	_ =	shalt  }
0x76: {  	_ =	shalt  }
0x77: {  	_ =	shalt  }
0x78: {  	_ =	shalt  }
0x79: {  	_ =	shalt  }
0x7a: {  	_ =	shalt  }
0x7b: {  	_ =	shalt  }
0x7c: {  	_ =	shalt  }
0x7d: {  	_ =	shalt  }
0x7e: {  	_ =	shalt  }
0x7f: {  	_ =	shalt  }
0x80: {  	_ =	shalt  }
0x81: {  	_ =	shalt  }
0x82: {  	_ =	shalt  }
0x83: {  	_ =	shalt  }
0x84: {  	_ =	shalt  }
0x85: {  	_ =	shalt  }
0x86: {  	_ =	shalt  }
0x87: {  	_ =	shalt  }
.Lfunc_end0:
.L_simem_size_0:
called_computation.1_lowered:
.L_overlay_start_0:
0x88: {  	s2 =	sld [smem:$0x3FD9]  }
0x89: {  	s3 =	sld [smem:$0x3FFE];
	_ =	sdelay $0x1  }
0x8a: {  	s1 =	srdreg.scid  }
0x8b: {  	s0 =	sand.u32 $0x1, s1  }
0x8c: {  	s16 =	sshll.u32 s0, $0xA;
	s2 =	sadd.s32 s3, s2  }
0x8d: {  	s2 =	sadd.s32 s2, s16  }
0x8e: {  	[smem:$0x3FBA] =	sst s2  }
0x8f: {  	_ = 	snop  }
0x90: {  	(tm) =	ssettm $0x1  }
0x91: {  	s17 =	sld [smem:$0x3FFB];
	_ =	sdelay $0x3  }
0x92: {  	_ =	strace s17  }
0x93: {  	s2 =	sld [smem:$0x3FFC];
	_ =	sdelay $0x3  }
0x94: {  	_ =	strace s2  }
0x95: {  	s2 =	sld [smem:$0x3FFD];
	_ =	sdelay $0x3  }
0x96: {  	_ =	strace s2  }
0x97: {  	_ =	strace $0x8FFFFFFF  }
0x98: {  	s18 =	sld [smem:$0x3FDB];
	_ =	sdelay $0x1  }
0x99: {  	s19 =	simm.s32 $_scs_section_size  }
0x9a: {  	s4 =	simm.s32 $_size__tile_overlayer_lowered;
	s5 =	simm.s32 $_tile_overlayer_lowered  }
0x9b: {  	s22 =	simm.s32 $0x1BFF;
	s21 =	sshll.u32 s5, $0x1;
	s2 =	sadd.s32 s19, s18  }
0x9c: {  	s6 =	simm.s32 $0x0;
	s20 =	sshll.u32 s4, $0x1;
	s4 =	sadd.s32 s21, s2  }
0x9d: {  	[timem:s6], [sflag:s22] =	dma.local [hbm:s4], s20  }
0x9e: {  	_ =	swait.ge [sflag:s22], s20  }
0x9f: {  	s3 =	ssub.s32 $0x0, s20;
	[sflag:s22] =	ssyncset.done $0x0  }
0xa0: {  	[sflag:s22] =	ssyncadd.s32 s3;
	_ =	sdelay $0x1  }
0xa1: {  	s23 =	simm.s32 $0x1B8B  }
0xa2: {  	_ =	swait.ge [sflag:s23], $0x1  }
0xa3: {  	[sflag:s23] =	ssyncset.done $0x0  }
0xa4: {  	s25 =	simm.s32 $0x1B8E;
	s24 =	sld [smem:$0x3FFE];
	[sflag:s23] =	ssyncadd.s32 $0xFFFFFFFF  }
0xa5: {  	s26 =	simm.s32 $execute0_lowered;
	[smem:$0x3FD2] =	sst s25  }
0xa6: {  	s4 =	sshll.u32 s26, $0x1;
	_ =	strace $0x80000049;
	[dreg:$0x1] =	wrdreg $0xFFFFFFFF  }
0xa7: {  	s28 =	simm.s32 $_size_execute0_lowered;
	s2 =	sadd.s32 s2, s4;
	[dreg:$0x0] =	wrdreg $0x0  }
0xa8: {  	s4 =	sshll.u32 s28, $0x1;
	[dreg:$0x2] =	wrdreg s2  }
0xa9: {  	[dreg:$0x3] =	wrdreg s4  }
0xaa: {  	[dreg:$0x4] =	wrdreg $0xC0  }
0xab: {  	_ =	task [dreg:s6], $0x5FFFF  }
0xac: {  	[dreg:$0x1] =	wrdreg $0xFFFFFFFF  }
0xad: {  	[dreg:$0x0] =	wrdreg $0x60  }
0xae: {  	[dreg:$0x2] =	wrdreg s24  }
0xaf: {  	[dreg:$0x3] =	wrdreg $0xA1000  }
0xb0: {  	[dreg:$0x4] =	wrdreg $0x9  }
0xb1: {  	_ =	task.clear_ibuf [dreg:s6], $0x5FFFF;
	_ =	strace $0x90000049  }
0xb2: {  	s29 =	simm.s32 $0x9;
	_ =	strace $0x8000004B  }
0xb3: {  	_ =	swait.ge [sflag:s29], $0x1  }
0xb4: {  	[sflag:s29] =	ssyncadd.s32 $0xFFFFFFFF  }
0xb5: {  	_ =	strace $0x9000004B  }
0xb6: {  	_ =	sfence  }
0xb7: {  	s30 =	sld [smem:$0x0];
	_ =	sdelay $0x2  }
0xb8: {  	s31 =	sshll.u32 s1, $0xD;
	s1 =	sshrl.u32 s1, $0x2  }
0xb9: {  	s3 =	sand.u32 $0x4000, s31;
	s1 =	sadd.s32 s1, s30  }
0xba: {  	s0 =	sor.u32 s3, s0;
	s1 =	sshll.u32 s1, $0x11  }
0xbb: {  	s0 =	sor.u32 s1, s0  }
0xbc: {  	s0 =	sadd.s32 $0x8F2B, s0  }
0xbd: {  	[sflag:s0] =	ssyncadd.remote.s32 $0x1  }
0xbe: {  	_ =	sfence.sel $0xFFFF  }
0xbf: {  	[dreg:$0x0] =	wrdreg $0xFFFFFFFF;
	(pc) =	sbr.abs _section_cstart, $3  }
0xc0: {  	[dreg:$0x1] =	wrdreg $0xFFFFFFFF  }
0xc1: {  	_ =	task.clear_ibuf [dreg:s6], $0x2FFFF;
	_ =	strace $0x9FFFFFFF  }
0xc2: {  	(tm) =	ssettm $0x7FFFFFFF  }
0xc3: {  	_ =	shalt  }
tec
execute0_lowered:
.L_overlay_start_1:
0x0: {  	(tag) =	ssettag $0x1  }
0x1: {  	s0 =	srdreg.scid;
	s6 =	rddreg [dreg:$0x0]  }
0x2: {  	s12 =	stileid.u32;
	s2 =	rddreg [dreg:$0x1]  }
0x3: {  	s3 =	simm.s32 $0x0;
	s28 =	simm.s32 $0x7;
	s29 =	simm.s32 $0x2900  }
0x4: {  	s30 =	simm.s32 $0x2780;
	s31 =	simm.s32 $0x50;
	s0 =	sand.u32 $0x1, s0  }
0x5: {  	[smem:$0x7FF] =	sst s3;
	s7 =	smul.u32 $0x4E000, s12;
	s4 =	sadd.s32 $0x18200, s6  }
0x6: {  	s5 =	sadd.s32 $0x4600, s6;
	s10 =	sadd.s32 $0x66800, s6;
	s18 =	smul.u32 $0x13800, s12  }
0x7: {  	s20 =	smul.u32 $0x2710, s12;
	p0 =	sne.s32 s12, $0xF;
	s1 =	sshll.u32 s0, $0x4  }
0x8: {  	s9 =	ssub.s32 $0x2, s0;
	s15 =	smul.u32 $0x138800, s0;
	s1 =	sor.u32 s12, s1  }
0x9: {  	_ =	strace $0x8000004A;
	s11 =	sshrl.u32 s9, $0x1;
	s1 =	smul.u32 $0x2710, s1  }
0xa: {  	s0 =	smul.u32 $0x27100, s0;
	s7 =	sshrl.u32 s7, $0x2;
	s24 =	ssub.s32 s9, s11  }
0xb: {  	s12 =	simm.s32 $0x2;
	s22 =	smax.u32 s24, $0x1;
	s1 =	sshrl.u32 s1, $0x3  }
0xc: {  	[dreg:$0x10] =	wrdreg s22;
	s8 =	sadd.s32 s1, s6;
	s17 =	sadd.s32 s5, s1  }
0xd: {  	s6 =	sadd.s32 s7, s2;
	s8 =	sadd.s32 $0xE400, s8;
	[dreg:$0xb] =	wrdreg s17  }
0xe: {  	s0 =	sadd.s32 s20, s0;
	s25 =	sadd.s32 $0x2800, s6;
	[dreg:$0x3] =	wrdreg s8  }
0xf: {  	s23 =	sadd.s32 $0x190, s0;
	s26 =	sadd.s32 $0x5000, s6;
	[dreg:$0x4] =	wrdreg s25  }
0x10: {  	s24 =	sadd.s32 $0x140, s0;
	s9 =	sadd.s32 $0x7800, s6;
	[dreg:$0x5] =	wrdreg s26  }
0x11: {  	s1 =	sadd.s32 s18, s15;
	s11 =	sadd.s32 $0xA000, s6;
	[dreg:$0x6] =	wrdreg s9  }
0x12: {  	s7 =	sshrl.u32 s24, $0x3;
	s13 =	sadd.s32 $0xC800, s6;
	[dreg:$0x7] =	wrdreg s11  }
0x13: {  	s18 =	simm.s32 $0x0;
	s14 =	sadd.s32 $0xF000, s6;
	[dreg:$0x8] =	wrdreg s13  }
0x14: {  	s16 =	sadd.s32 $0x11800, s6;
	s19 =	sadd.s32 $0xA, s17;
	[dreg:$0x9] =	wrdreg s14  }
0x15: {  	s1 =	sshrl.u32 s1, $0x3;
	s24 =	sadd.s32 s7, s5;
	[dreg:$0xa] =	wrdreg s16  }
0x16: {  	s7 =	simm.s32 $0x2880;
	s16 =	sadd.s32 $0x138000, s2;
	[dreg:$0xc] =	wrdreg s19  }
0x17: {  	s8 =	sshrl.u32 s15, $0x3;
	s13 =	sadd.s32 $0x14, s17;
	s1 =	sadd.s32 s10, s1  }
0x18: {  	s25 =	sadd.s32 $0x4CE, s17;
	s26 =	sadd.s32 $0x4D8, s17;
	s9 =	simm.s32 $0x1  }
0x19: {  	s11 =	simm.s32 $0x8;
	s14 =	simm.s32 $0x3;
	[dreg:$0xd] =	wrdreg s13  }
0x1a: {  	s17 =	simm.s32 $0x6;
	s8 =	sadd.s32 s10, s8;
	[dreg:$0xe] =	wrdreg s1  }
0x1b: {  	[dreg:$0x11] =	wrdreg s25;
	s1 =	sshrl.u32 s23, $0x3;
	s25 =	sadd.s32 $0xF0, s0  }
0x1c: {  	[dreg:$0x12] =	wrdreg s26;
	s0 =	simm.s32 $0x5100;
	s10 =	simm.s32 $0x4  }
0x1d: {  	s13 =	simm.s32 $0x5;
	s21 =	sadd.s32 $0x27000, s8;
	s23 =	sadd.s32 s1, s5  }
0x1e: {  	v0 =	vimm.f32 $0.0e+00;
	s1 =	simm.s32 $0x2800;
	s8 =	simm.s32 $0x7900;
	[dreg:$0xf] =	wrdreg s21  }
.LBB2_1:
0x1f: {  	s15 =	rddreg [dreg:$0x3];
	s19 =	simm.s32 $0x0;
	s20 =	simm.s32 $0x200  }
0x20: {  	[tilespmem:s3], [sflag:$0x7] =	stream.linear.gather [hbm4b:s15+s3], $0x2710, $0x38;
	[tilespmem:$0x1D980] =	vst v63  }
.LBB2_2:
0x21: {  	p1 =	sne.s32 s20, $0x9E00;
	[tilespmem:s19+$0x2970] =	vst v0  }
0x22: {  	[tilespmem:s19+$0x2900] =	vst v0  }
0x23: {  	[tilespmem:s19+$0x2910] =	vst v0  }
.Ltmp0:
0x24: {  	[tilespmem:s19+$0x2920] =	vst v0;
	(pc) =	sbr.rel @p1 .LBB2_2-.Ltmp0, $4  }
0x25: {  	[tilespmem:s19+$0x2930] =	vst v0  }
0x26: {  	[tilespmem:s19+$0x2940] =	vst v0  }
0x27: {  	[tilespmem:s19+$0x2950] =	vst v0  }
0x28: {  	[tilespmem:s19+$0x2960] =	vst v0;
	s19 =	sshra.s32 s20, $0x2;
	s20 =	sadd.s32 $0x200, s20  }
0x29: {  	[tilespmem:s19+$0x2970] =	vst v0  }
0x2a: {  	[tilespmem:s19+$0x2900] =	vst v0  }
0x2b: {  	[tilespmem:s19+$0x2910] =	vst v0  }
0x2c: {  	[tilespmem:s19+$0x2920] =	vst v0  }
0x2d: {  	[tilespmem:s19+$0x2930] =	vst v0  }
0x2e: {  	[tilespmem:s19+$0x2940] =	vst v0  }
0x2f: {  	[tilespmem:s19+$0x2950] =	vst v0  }
0x30: {  	[tilespmem:s19+$0x2960] =	vst v0  }
0x31: {  	_ =	swait.ge [sflag:s28], $0x2710  }
0x32: {  	[sflag:s28] =	ssyncset.done $0x0  }
0x33: {  	[sflag:s28] =	ssyncadd.s32 $0xFFFFD8F0  }
0x34: {  	[spmem:s6] =	stream.linear.scatter [tilespmem:s29], [sflag:$0x7], $0x2800, $0x38;
	[tilespmem:$0x1D980] =	vst v63  }
0x35: {  	s15 =	rddreg [dreg:$0x4]  }
0x36: {  	[spmem:s15] =	stream.linear.scatter [tilespmem:s29], [sflag:$0x7], $0x2800, $0x38;
	[tilespmem:$0x1D980] =	vst v63  }
0x37: {  	s19 =	rddreg [dreg:$0x5]  }
0x38: {  	[spmem:s19] =	stream.linear.scatter [tilespmem:s29], [sflag:$0x7], $0x2800, $0x38;
	[tilespmem:$0x1D980] =	vst v63  }
0x39: {  	s20 =	rddreg [dreg:$0x6]  }
0x3a: {  	[spmem:s20] =	stream.linear.scatter [tilespmem:s29], [sflag:$0x7], $0x2800, $0x38;
	[tilespmem:$0x1D980] =	vst v63  }
0x3b: {  	s21 =	rddreg [dreg:$0x7]  }
0x3c: {  	[spmem:s21] =	stream.linear.scatter [tilespmem:s29], [sflag:$0x7], $0x2800, $0x38;
	[tilespmem:$0x1D980] =	vst v63  }
0x3d: {  	s22 =	rddreg [dreg:$0x8]  }
0x3e: {  	[spmem:s22] =	stream.linear.scatter [tilespmem:s29], [sflag:$0x7], $0x2800, $0x38;
	[tilespmem:$0x1D980] =	vst v63  }
0x3f: {  	s26 =	rddreg [dreg:$0x9]  }
0x40: {  	[spmem:s26] =	stream.linear.scatter [tilespmem:s29], [sflag:$0x7], $0x2800, $0x38;
	[tilespmem:$0x1D980] =	vst v63  }
0x41: {  	s19 =	rddreg [dreg:$0xa]  }
0x42: {  	[spmem:s19] =	stream.linear.scatter [tilespmem:s29], [sflag:$0x7], $0x2000, $0x38;
	[tilespmem:$0x1D980] =	vst v63  }
0x43: {  	s19 =	simm.s32 @!p0 $0x2900  }
0x44: {  	[spmem:s16] =	stream.linear.scatter @!p0 [tilespmem:s19], [sflag:$0x7], $0x800, $0x38;
	[tilespmem:$0x1D980] =	vst v63  }
0x45: {  	s19 =	simm.s32 @!p0 $0x7  }
0x46: {  	_ =	swait.ge @!p0 [sflag:s19], $0x800  }
0x47: {  	[sflag:s19] =	ssyncset.done @!p0 $0x0  }
0x48: {  	[sflag:s19] =	ssyncadd.s32 @!p0 $0xFFFFF800  }
0x49: {  	_ =	swait.ge [sflag:s28], $0x2800  }
0x4a: {  	[sflag:s28] =	ssyncset.done $0x0  }
0x4b: {  	[sflag:s28] =	ssyncadd.s32 $0xFFFFD800  }
0x4c: {  	_ =	swait.ge [sflag:s28], $0x2800  }
0x4d: {  	[sflag:s28] =	ssyncset.done $0x0  }
0x4e: {  	[sflag:s28] =	ssyncadd.s32 $0xFFFFD800  }
0x4f: {  	_ =	swait.ge [sflag:s28], $0x2800  }
0x50: {  	[sflag:s28] =	ssyncset.done $0x0  }
0x51: {  	[sflag:s28] =	ssyncadd.s32 $0xFFFFD800  }
0x52: {  	_ =	swait.ge [sflag:s28], $0x2800  }
0x53: {  	[sflag:s28] =	ssyncset.done $0x0  }
0x54: {  	[sflag:s28] =	ssyncadd.s32 $0xFFFFD800  }
0x55: {  	_ =	swait.ge [sflag:s28], $0x2800  }
0x56: {  	[sflag:s28] =	ssyncset.done $0x0  }
0x57: {  	[sflag:s28] =	ssyncadd.s32 $0xFFFFD800  }
0x58: {  	_ =	swait.ge [sflag:s28], $0x2800  }
0x59: {  	[sflag:s28] =	ssyncset.done $0x0  }
0x5a: {  	[sflag:s28] =	ssyncadd.s32 $0xFFFFD800  }
0x5b: {  	_ =	swait.ge [sflag:s28], $0x2800  }
0x5c: {  	[sflag:s28] =	ssyncset.done $0x0  }
0x5d: {  	[sflag:s28] =	ssyncadd.s32 $0xFFFFD800  }
0x5e: {  	_ =	swait.ge [sflag:s28], $0x2000  }
0x5f: {  	[sflag:s28] =	ssyncset.done $0x0  }
0x60: {  	[sflag:s28] =	ssyncadd.s32 $0xFFFFE000  }
0x61: {  	[bflag:$0x0] =	sbarrier.arrive $0xFFFF  }
0x62: {  	s20 =	simm.s32 $0x0;
	s21 =	rddreg [dreg:$0xb]  }
0x63: {  	[tilespmem:s30], [sflag:$0x1] =	stream.linear.gather [hbm4b:s21+s20], $0x50, $0x38;
	[tilespmem:$0x1D980] =	vst v63  }
0x64: {  	_ = 	snop  }
0x65: {  	[tilespmem:s29], [sflag:$0x4] =	stream.indirect.gather [hbm4b:s4+s31], $0x80, s20, s31, $0xb8;
	[tilespmem:$0x1D980] =	vst v63  }
0x66: {  	s22 =	rddreg [dreg:$0xc]  }
0x67: {  	[tilespmem:s1], [sflag:$0x2] =	stream.linear.gather [hbm4b:s22+s20], $0x50, $0x38;
	[tilespmem:$0x1D980] =	vst v63  }
0x68: {  	_ = 	snop  }
0x69: {  	[tilespmem:s0], [sflag:$0x5] =	stream.indirect.gather [hbm4b:s4+s31], $0x80, s31, s31, $0xb8;
	[tilespmem:$0x1D980] =	vst v63  }
0x6a: {  	s26 =	rddreg [dreg:$0xd]  }
0x6b: {  	[tilespmem:s7], [sflag:$0x3] =	stream.linear.gather [hbm4b:s26+s20], $0x50, $0x38;
	[tilespmem:$0x1D980] =	vst v63  }
0x6c: {  	s20 =	simm.s32 $0xA0  }
0x6d: {  	[tilespmem:s8], [sflag:$0x6] =	stream.indirect.gather [hbm4b:s4+s31], $0x80, s20, s31, $0xb8;
	[tilespmem:$0x1D980] =	vst v63  }
0x6e: {  	_ =	swait.ge [sflag:s9], $0x50  }
0x6f: {  	[sflag:s9] =	ssyncset.done $0x0  }
0x70: {  	[sflag:s9] =	ssyncadd.s32 $0xFFFFFFB0  }
0x71: {  	_ =	swait.ge [sflag:s10], $0x2800  }
0x72: {  	[sflag:s10] =	ssyncset.done $0x0  }
0x73: {  	[sflag:s10] =	ssyncadd.s32 $0xFFFFD800  }
0x74: {  	[spmem:s2] =	stream.indirect.scatter.add.f32 [tilespmem:s29], [sflag:$0x8], $0x80, s30, s31, $0xb8;
	[tilespmem:$0x1D980] =	vst v63  }
0x75: {  	_ =	swait.ge [sflag:s11], $0x2800  }
0x76: {  	s21 =	sshrl.u32 s25, $0x3;
	[sflag:s11] =	ssyncset.done $0x0  }
0x77: {  	s19 =	sadd.s32 s5, s21;
	[sflag:s11] =	ssyncadd.s32 $0xFFFFD800  }
0x78: {  	[tilespmem:s30], [sflag:$0x1] =	stream.linear.gather [hbm4b:s19+s3], $0x50, $0x38;
	[tilespmem:$0x1D980] =	vst v63  }
0x79: {  	s22 =	simm.s32 $0xF0  }
0x7a: {  	[tilespmem:s29], [sflag:$0x4] =	stream.indirect.gather [hbm4b:s4+s31], $0x80, s22, s31, $0xb8;
	[tilespmem:$0x1D980] =	vst v63  }
0x7b: {  	_ =	swait.ge [sflag:s12], $0x50  }
0x7c: {  	[sflag:s12] =	ssyncset.done $0x0  }
0x7d: {  	[sflag:s12] =	ssyncadd.s32 $0xFFFFFFB0  }
0x7e: {  	_ =	swait.ge [sflag:s13], $0x2800  }
0x7f: {  	[sflag:s13] =	ssyncset.done $0x0  }
0x80: {  	[sflag:s13] =	ssyncadd.s32 $0xFFFFD800  }
0x81: {  	[spmem:s2] =	stream.indirect.scatter.add.f32 [tilespmem:s0], [sflag:$0x8], $0x80, s1, s31, $0xb8;
	[tilespmem:$0x1D980] =	vst v63  }
0x82: {  	_ =	swait.ge [sflag:s11], $0x2800  }
0x83: {  	[sflag:s11] =	ssyncset.done $0x0  }
0x84: {  	[sflag:s11] =	ssyncadd.s32 $0xFFFFD800  }
0x85: {  	[tilespmem:s1], [sflag:$0x2] =	stream.linear.gather [hbm4b:s24+s3], $0x50, $0x38;
	[tilespmem:$0x1D980] =	vst v63  }
0x86: {  	s26 =	simm.s32 $0x140  }
0x87: {  	[tilespmem:s0], [sflag:$0x5] =	stream.indirect.gather [hbm4b:s4+s31], $0x80, s26, s31, $0xb8;
	[tilespmem:$0x1D980] =	vst v63  }
0x88: {  	_ =	swait.ge [sflag:s14], $0x50  }
0x89: {  	[sflag:s14] =	ssyncset.done $0x0  }
0x8a: {  	[sflag:s14] =	ssyncadd.s32 $0xFFFFFFB0  }
0x8b: {  	_ =	swait.ge [sflag:s17], $0x2800  }
0x8c: {  	[sflag:s17] =	ssyncset.done $0x0  }
0x8d: {  	[sflag:s17] =	ssyncadd.s32 $0xFFFFD800  }
0x8e: {  	[spmem:s2] =	stream.indirect.scatter.add.f32 [tilespmem:s8], [sflag:$0x8], $0x80, s7, s31, $0xb8;
	[tilespmem:$0x1D980] =	vst v63  }
0x8f: {  	s21 =	sadd.s32 $0x1E, s23;
	_ =	swait.ge [sflag:s11], $0x2800  }
0x90: {  	s20 =	sadd.s32 $0xF0, s25;
	s19 =	simm.s32 $0x3C0;
	[sflag:s11] =	ssyncset.done $0x0  }
0x91: {  	s22 =	sadd.s32 $0x1E, s24;
	s26 =	simm.s32 $0x190;
	[sflag:s11] =	ssyncadd.s32 $0xFFFFD800  }
0x92: {  	[tilespmem:s7], [sflag:$0x3] =	stream.linear.gather [hbm4b:s23+s3], $0x50, $0x38;
	[tilespmem:$0x1D980] =	vst v63  }
.LBB2_4:
0x93: {  	[tilespmem:s8], [sflag:$0x6] =	stream.indirect.gather [hbm4b:s4+s31], $0x80, s26, s31, $0xb8;
	[tilespmem:$0x1D980] =	vst v63  }
0x94: {  	s26 =	smov.u32 s19  }
0x95: {  	p1 =	sne.s32 s19, $0x9240;
	s19 =	sadd.s32 $0x3C0, s19;
	_ =	swait.ge [sflag:s9], $0x50  }
0x96: {  	[sflag:s9] =	ssyncset.done $0x0  }
0x97: {  	[sflag:s9] =	ssyncadd.s32 $0xFFFFFFB0  }
0x98: {  	_ =	swait.ge [sflag:s10], $0x2800  }
0x99: {  	[sflag:s10] =	ssyncset.done $0x0  }
0x9a: {  	[sflag:s10] =	ssyncadd.s32 $0xFFFFD800  }
0x9b: {  	[spmem:s2] =	stream.indirect.scatter.add.f32 [tilespmem:s29], [sflag:$0x8], $0x80, s30, s31, $0xb8;
	[tilespmem:$0x1D980] =	vst v63  }
0x9c: {  	_ =	swait.ge [sflag:s11], $0x2800  }
0x9d: {  	s15 =	sshrl.u32 s20, $0x3;
	[sflag:s11] =	ssyncset.done $0x0  }
0x9e: {  	s15 =	sadd.s32 s5, s15;
	s26 =	sshra.s32 s26, $0x2;
	[sflag:s11] =	ssyncadd.s32 $0xFFFFD800  }
0x9f: {  	[tilespmem:s30], [sflag:$0x1] =	stream.linear.gather [hbm4b:s15+s3], $0x50, $0x38;
	[tilespmem:$0x1D980] =	vst v63  }
0xa0: {  	s15 =	sadd.s32 $0xF0, s26  }
0xa1: {  	[tilespmem:s29], [sflag:$0x4] =	stream.indirect.gather [hbm4b:s4+s31], $0x80, s15, s31, $0xb8;
	[tilespmem:$0x1D980] =	vst v63  }
0xa2: {  	_ =	swait.ge [sflag:s12], $0x50  }
0xa3: {  	[sflag:s12] =	ssyncset.done $0x0  }
0xa4: {  	[sflag:s12] =	ssyncadd.s32 $0xFFFFFFB0  }
0xa5: {  	_ =	swait.ge [sflag:s13], $0x2800  }
0xa6: {  	[sflag:s13] =	ssyncset.done $0x0  }
0xa7: {  	[sflag:s13] =	ssyncadd.s32 $0xFFFFD800  }
0xa8: {  	[spmem:s2] =	stream.indirect.scatter.add.f32 [tilespmem:s0], [sflag:$0x8], $0x80, s1, s31, $0xb8;
	[tilespmem:$0x1D980] =	vst v63  }
0xa9: {  	_ =	swait.ge [sflag:s11], $0x2800  }
0xaa: {  	[sflag:s11] =	ssyncset.done $0x0  }
0xab: {  	[sflag:s11] =	ssyncadd.s32 $0xFFFFD800  }
0xac: {  	[tilespmem:s1], [sflag:$0x2] =	stream.linear.gather [hbm4b:s22+s3], $0x50, $0x38;
	[tilespmem:$0x1D980] =	vst v63  }
0xad: {  	s15 =	sadd.s32 $0x140, s26  }
0xae: {  	[tilespmem:s0], [sflag:$0x5] =	stream.indirect.gather [hbm4b:s4+s31], $0x80, s15, s31, $0xb8;
	[tilespmem:$0x1D980] =	vst v63  }
0xaf: {  	_ =	swait.ge [sflag:s14], $0x50  }
0xb0: {  	[sflag:s14] =	ssyncset.done $0x0  }
0xb1: {  	[sflag:s14] =	ssyncadd.s32 $0xFFFFFFB0  }
0xb2: {  	_ =	swait.ge [sflag:s17], $0x2800  }
0xb3: {  	[sflag:s17] =	ssyncset.done $0x0  }
0xb4: {  	[sflag:s17] =	ssyncadd.s32 $0xFFFFD800  }
0xb5: {  	[spmem:s2] =	stream.indirect.scatter.add.f32 [tilespmem:s8], [sflag:$0x8], $0x80, s7, s31, $0xb8;
	[tilespmem:$0x1D980] =	vst v63  }
.Ltmp1:
0xb6: {  	_ =	swait.ge [sflag:s11], $0x2800;
	(pc) =	sbr.rel @p1 .LBB2_4-.Ltmp1, $4  }
0xb7: {  	[sflag:s11] =	ssyncset.done $0x0  }
0xb8: {  	s20 =	sadd.s32 $0xF0, s20;
	[sflag:s11] =	ssyncadd.s32 $0xFFFFD800  }
0xb9: {  	[tilespmem:s7], [sflag:$0x3] =	stream.linear.gather [hbm4b:s21+s3], $0x50, $0x38;
	[tilespmem:$0x1D980] =	vst v63  }
0xba: {  	s26 =	sadd.s32 $0x190, s26;
	s22 =	sadd.s32 $0x1E, s22;
	s21 =	sadd.s32 $0x1E, s21  }
0xbb: {  	[tilespmem:s8], [sflag:$0x6] =	stream.indirect.gather [hbm4b:s4+s31], $0x80, s26, s31, $0xb8;
	[tilespmem:$0x1D980] =	vst v63  }
0xbc: {  	_ =	swait.ge [sflag:s9], $0x50  }
0xbd: {  	[sflag:s9] =	ssyncset.done $0x0  }
0xbe: {  	[sflag:s9] =	ssyncadd.s32 $0xFFFFFFB0  }
0xbf: {  	_ =	swait.ge [sflag:s10], $0x2800  }
0xc0: {  	[sflag:s10] =	ssyncset.done $0x0  }
0xc1: {  	[sflag:s10] =	ssyncadd.s32 $0xFFFFD800  }
0xc2: {  	[spmem:s2] =	stream.indirect.scatter.add.f32 [tilespmem:s29], [sflag:$0x8], $0x80, s30, s31, $0xb8;
	[tilespmem:$0x1D980] =	vst v63  }
0xc3: {  	_ =	swait.ge [sflag:s11], $0x2800  }
0xc4: {  	[sflag:s11] =	ssyncset.done $0x0  }
0xc5: {  	s15 =	rddreg [dreg:$0x11];
	[sflag:s11] =	ssyncadd.s32 $0xFFFFD800  }
0xc6: {  	[tilespmem:s30], [sflag:$0x1] =	stream.linear.gather [hbm4b:s15+s3], $0x50, $0x38;
	[tilespmem:$0x1D980] =	vst v63  }
0xc7: {  	s19 =	simm.s32 $0x2670  }
0xc8: {  	[tilespmem:s29], [sflag:$0x4] =	stream.indirect.gather [hbm4b:s4+s31], $0x80, s19, s31, $0xb8;
	[tilespmem:$0x1D980] =	vst v63  }
0xc9: {  	_ =	swait.ge [sflag:s12], $0x50  }
0xca: {  	[sflag:s12] =	ssyncset.done $0x0  }
0xcb: {  	[sflag:s12] =	ssyncadd.s32 $0xFFFFFFB0  }
0xcc: {  	_ =	swait.ge [sflag:s13], $0x2800  }
0xcd: {  	[sflag:s13] =	ssyncset.done $0x0  }
0xce: {  	[sflag:s13] =	ssyncadd.s32 $0xFFFFD800  }
0xcf: {  	[spmem:s2] =	stream.indirect.scatter.add.f32 [tilespmem:s0], [sflag:$0x8], $0x80, s1, s31, $0xb8;
	[tilespmem:$0x1D980] =	vst v63  }
0xd0: {  	_ =	swait.ge [sflag:s11], $0x2800  }
0xd1: {  	[sflag:s11] =	ssyncset.done $0x0  }
0xd2: {  	s20 =	rddreg [dreg:$0x12];
	[sflag:s11] =	ssyncadd.s32 $0xFFFFD800  }
0xd3: {  	[tilespmem:s1], [sflag:$0x2] =	stream.linear.gather [hbm4b:s20+s3], $0x50, $0x38;
	[tilespmem:$0x1D980] =	vst v63  }
0xd4: {  	s21 =	simm.s32 $0x26C0  }
0xd5: {  	[tilespmem:s0], [sflag:$0x5] =	stream.indirect.gather [hbm4b:s4+s31], $0x80, s21, s31, $0xb8;
	[tilespmem:$0x1D980] =	vst v63  }
0xd6: {  	_ =	swait.ge [sflag:s14], $0x50  }
0xd7: {  	[sflag:s14] =	ssyncset.done $0x0  }
0xd8: {  	[sflag:s14] =	ssyncadd.s32 $0xFFFFFFB0  }
0xd9: {  	_ =	swait.ge [sflag:s17], $0x2800  }
0xda: {  	[sflag:s17] =	ssyncset.done $0x0  }
0xdb: {  	[sflag:s17] =	ssyncadd.s32 $0xFFFFD800  }
0xdc: {  	[spmem:s2] =	stream.indirect.scatter.add.f32 [tilespmem:s8], [sflag:$0x8], $0x80, s7, s31, $0xb8;
	[tilespmem:$0x1D980] =	vst v63  }
0xdd: {  	_ =	swait.ge [sflag:s11], $0x2800  }
0xde: {  	[sflag:s11] =	ssyncset.done $0x0  }
0xdf: {  	[sflag:s11] =	ssyncadd.s32 $0xFFFFD800  }
0xe0: {  	_ =	swait.ge [sflag:s9], $0x50  }
0xe1: {  	[sflag:s9] =	ssyncset.done $0x0  }
0xe2: {  	[sflag:s9] =	ssyncadd.s32 $0xFFFFFFB0  }
0xe3: {  	_ =	swait.ge [sflag:s10], $0x2800  }
0xe4: {  	[sflag:s10] =	ssyncset.done $0x0  }
0xe5: {  	[sflag:s10] =	ssyncadd.s32 $0xFFFFD800  }
0xe6: {  	[spmem:s2] =	stream.indirect.scatter.add.f32 [tilespmem:s29], [sflag:$0x8], $0x80, s30, s31, $0xb8;
	[tilespmem:$0x1D980] =	vst v63  }
0xe7: {  	_ =	swait.ge [sflag:s11], $0x2800  }
0xe8: {  	[sflag:s11] =	ssyncset.done $0x0  }
0xe9: {  	[sflag:s11] =	ssyncadd.s32 $0xFFFFD800  }
0xea: {  	_ =	swait.ge [sflag:s12], $0x50  }
0xeb: {  	[sflag:s12] =	ssyncset.done $0x0  }
0xec: {  	[sflag:s12] =	ssyncadd.s32 $0xFFFFFFB0  }
0xed: {  	_ =	swait.ge [sflag:s13], $0x2800  }
0xee: {  	[sflag:s13] =	ssyncset.done $0x0  }
0xef: {  	[sflag:s13] =	ssyncadd.s32 $0xFFFFD800  }
0xf0: {  	[spmem:s2] =	stream.indirect.scatter.add.f32 [tilespmem:s0], [sflag:$0x8], $0x80, s1, s31, $0xb8;
	[tilespmem:$0x1D980] =	vst v63  }
0xf1: {  	_ =	swait.ge [sflag:s11], $0x2800  }
0xf2: {  	[sflag:s11] =	ssyncset.done $0x0  }
0xf3: {  	s22 =	stileid.u32;
	[sflag:s11] =	ssyncadd.s32 $0xFFFFD800  }
0xf4: {  	s15 =	sshll.u32 s22, $0x6;
	[bflag:$0x0] =	sbarrier.arrive $0xFFFF  }
0xf5: {  	s15 =	sor.u32 $0x1C08, s15;
	s19 =	sshrl.u32 s6, $0x3;
	s20 =	rddreg [dreg:$0xe]  }
0xf6: {  	[hbm:s20], [sflag:s15] =	dma.local [spmem:s19], $0x2700  }
0xf7: {  	_ =	swait.ge [sflag:s11], $0x2700  }
0xf8: {  	[sflag:s11] =	ssyncset.done $0x0  }
0xf9: {  	s19 =	sshrl.u32 @!p0 s16, $0x3;
	s20 =	rddreg [dreg:$0xf];
	[sflag:s11] =	ssyncadd.s32 $0xFFFFD900  }
0xfa: {  	[hbm:s20], [sflag:s15] =	dma.local @!p0 [spmem:s19], $0x100  }
0xfb: {  	s15 =	simm.s32 @!p0 $0x8  }
0xfc: {  	_ =	swait.ge @!p0 [sflag:s15], $0x100  }
0xfd: {  	s18 =	sadd.s32 $0x1, s18;
	s26 =	rddreg [dreg:$0x10]  }
0xfe: {  	p1 =	sne.s32 s18, s26  }
.Ltmp2:
0xff: {  	_ = 	snop;
	(pc) =	sbr.rel @p1 .LBB2_1-.Ltmp2, $3  }
0x100: {  	_ =	sdelay $0x1  }
0x101: {  	[sflag:s15] =	ssyncset.done @!p0 $0x0  }
0x102: {  	[sflag:s15] =	ssyncadd.s32 @!p0 $0xFFFFFF00  }
0x103: {  	_ =	sfence.sel $0x180000  }
0x104: {  	[bflag:$0x0] =	sbarrier.arrive $0xFFFF  }
0x105: {  	_ =	strace $0x9000004A  }
0x106: {  	s0 =	stileid.u32;
	[bflag:$0x2] =	sbarrier.arrive $0xFFFF  }
0x107: {  	p0 =	sne.s32 s0, $0x0;
	s0 =	rddreg [dreg:$0x2]  }
0x108: {  	s0 =	sadd.s32 @!p0 $0x100000, s0  }
0x109: {  	[sflag:s0] =	ssyncadd.tile.s32 @!p0 $0x1;
	_ =	shalt  }
.Lfunc_end2:
_tile_overlayer_lowered:
.L_overlay_start_2:
0x10a: {  	(tag) =	ssettag $0x2  }
0x10b: {  	s0 =	rddreg [dreg:$0x0];
	s2 =	stileid.u32  }
0x10c: {  	s1 =	rddreg [dreg:$0x1];
	p0 =	sne.s32 s2, $0x0  }
0x10d: {  	s3 =	rddreg [dreg:$0x2];
	[bflag:$0x3] =	sbarrier.arrive $0xFFFF;
	s2 =	simm.s32 @!p0 $0x1C08  }
0x10e: {  	[timem:s3], [sflag:s2] =	dma.local @!p0 [hbm:s0], s1  }
0x10f: {  	s0 =	simm.s32 @!p0 $0x8  }
0x110: {  	_ =	swait.ge @!p0 [sflag:s0], s1  }
0x111: {  	s1 =	ssub.s32 @!p0 $0x0, s1;
	[sflag:s0] =	ssyncset.done @!p0 $0x0  }
0x112: {  	[sflag:s0] =	ssyncadd.s32 @!p0 s1  }
0x113: {  	[bflag:$0x3] =	sbarrier.arrive $0xFFFF  }
0x114: {  	_ =	shalt  }

// kernel: kernel.15.cloned.1.call-start
scs
__scs_entry_jumppad:
0x0: {  	(pc) =	sbr.rel $0x88, $3  }
0x1: {  	(tag) =	ssettag $0x0;
	lr =	simm.s32 $0x1  }
0x2: {  	[smem:$0x3F93] =	sst lr;
	_ =	strace $0xD0000000  }
0x3: {  	_ = 	snop  }
0x4: {  	_ = 	snop  }
0x5: {  	_ = 	snop  }
0x6: {  	_ = 	snop  }
0x7: {  	_ = 	snop  }
__scs_overlays_trampoline_lowered:
0x8: {  	[smem:$0x3FA2] =	sst s0  }
0x9: {  	[smem:$0x3FA3] =	sst s1  }
0xa: {  	[smem:$0x3FA4] =	sst s2  }
0xb: {  	[smem:$0x3FA5] =	sst s3  }
0xc: {  	[smem:$0x3FA6] =	sst s4  }
0xd: {  	[smem:$0x3FA7] =	sst s5  }
0xe: {  	[smem:$0x3FA8] =	sst s6  }
0xf: {  	[smem:$0x3FA9] =	sst s7  }
0x10: {  	[smem:$0x3FAA] =	sst s8  }
0x11: {  	[smem:$0x3FAB] =	sst s9;
	s0 =	simm.s32 @!p0 $0x0  }
0x12: {  	s1 =	sld [smem:$0x3F91];
	s0 =	simm.s32 @p0 $0x1  }
0x13: {  	[smem:$0x3FAC] =	sst s0;
	s0 =	simm.s32 @!p1 $0x0  }
0x14: {  	s2 =	sld [smem:$0x3F90];
	s0 =	simm.s32 @p1 $0x1  }
0x15: {  	[smem:$0x3FAD] =	sst s0;
	s0 =	simm.s32 @!p2 $0x0  }
0x16: {  	s3 =	sld [smem:$0x3FDB];
	s0 =	simm.s32 @p2 $0x1  }
0x17: {  	s4 =	simm.s32 $0x1BF5;
	[smem:$0x3FAF] =	sst s0  }
0x18: {  	s0 =	sld [smem:$0x3F92];
	_ =	swait.ge [sflag:s4], $0x0  }
0x19: {  	s7 =	sld [smem:$0x3F93]  }
0x1a: {  	s8 =	sadd.s32 $0xFFFFE003, lr  }
0x1b: {  	s9 =	sadd.s32 $0xFFFFFEF7, lr;
	s5 =	simm.s32 $0xFFFFFFFF;
	p2 =	slt.u32 s8, $0xFFFFF086  }
0x1c: {  	p1 =	slt.u32 s9, $0xF7A;
	s5 =	simm.s32 @!p2 $0x0  }
0x1d: {  	s5 =	simm.s32 @p1 $0x1;
	p0 =	seq.s32 s7, s2  }
0x1e: {  	s7 =	smul.u32 @!p0 $0xF7A, s2;
	p2 =	seq.s32 @!p0 s5, $0x0  }
0x1f: {  	s9 =	smul.u32 $0xF7A, s1;
	s8 =	simm.s32 @!p0 $0x1BF5;
	p2 =	por !p2, p0  }
0x20: {  	[sflag:s8] =	ssyncset.s32 @!p0 $0xFFFFF086;
	s6 =	sadd.s32 @!p0 s3, s7;
	s7 =	simm.s32 @!p0 $0x108  }
0x21: {  	s3 =	sadd.s32 s3, s9;
	s6 =	sadd.s32 @!p0 $0x88, s6;
	s7 =	simm.s32 @p2 $0x1082  }
0x22: {  	[simem:s7], [sflag:s8] =	dma.local @!p0 [hbm:s6], $0xF7A  }
0x23: {  	s9 =	sor.u32 $0xD0000000, s2;
	s6 =	simm.s32 $0x108;
	_ =	swait.ge @!p0 [sflag:s8], $0x0  }
0x24: {  	s3 =	sadd.s32 $0x88, s3;
	s6 =	simm.s32 @!p1 $0x1082;
	[sflag:s4] =	ssyncset.s32 $0xFFFFF086  }
0x25: {  	[simem:s6], [sflag:s4] =	dma.local [hbm:s3], $0xF7A  }
0x26: {  	[smem:$0x3F93] =	sst s1;
	(tag) =	ssettag s2;
	_ =	strace s9  }
0x27: {  	s1 =	sld [smem:$0x3FA3]  }
0x28: {  	s2 =	sld [smem:$0x3FA4]  }
0x29: {  	s4 =	sld [smem:$0x3FA6]  }
0x2a: {  	p0 =	seq.s32 s5, $0x0;
	s5 =	sld [smem:$0x3FA7]  }
0x2b: {  	s6 =	sld [smem:$0x3FA8]  }
0x2c: {  	s7 =	sld [smem:$0x3FA9]  }
0x2d: {  	s3 =	simm.s32 $0x108;
	s8 =	sld [smem:$0x3FAA]  }
0x2e: {  	s3 =	simm.s32 @!p0 $0x1082;
	s9 =	sld [smem:$0x3FAB]  }
0x2f: {  	lr =	sadd.s32 s0, s3;
	s0 =	sld [smem:$0x3FA2]  }
0x30: {  	s3 =	sld [smem:$0x3FA5]  }
0x31: {  	[smem:$0x3FAE] =	sst s10  }
0x32: {  	s10 =	sld [smem:$0x3FAC];
	_ =	sdelay $0x3  }
0x33: {  	p0 =	seq.s32 s10, $0x1;
	s10 =	sld [smem:$0x3FAE];
	_ =	sdelay $0x3  }
0x34: {  	[smem:$0x3FAE] =	sst s10  }
0x35: {  	s10 =	sld [smem:$0x3FAD];
	_ =	sdelay $0x3  }
0x36: {  	p1 =	seq.s32 s10, $0x1;
	s10 =	sld [smem:$0x3FAE];
	_ =	sdelay $0x3  }
0x37: {  	[smem:$0x3FAE] =	sst s10  }
0x38: {  	s10 =	sld [smem:$0x3FAF]  }
0x39: {  	_ = 	snop;
	(pc) =	sbr.ind lr, $3  }
0x3a: {  	_ = 	snop  }
0x3b: {  	_ = 	snop  }
0x3c: {  	p2 =	seq.s32 s10, $0x1;
	s10 =	sld [smem:$0x3FAE]  }
0x3d: {  	_ =	shalt  }
0x3e: {  	_ =	shalt  }
0x3f: {  	_ =	shalt  }
0x40: {  	_ =	shalt  }
0x41: {  	_ =	shalt  }
0x42: {  	_ =	shalt  }
0x43: {  	_ =	shalt  }
0x44: {  	_ =	shalt  }
0x45: {  	_ =	shalt  }
0x46: {  	_ =	shalt  }
0x47: {  	_ =	shalt  }
0x48: {  	_ =	shalt  }
0x49: {  	_ =	shalt  }
0x4a: {  	_ =	shalt  }
0x4b: {  	_ =	shalt  }
0x4c: {  	_ =	shalt  }
0x4d: {  	_ =	shalt  }
0x4e: {  	_ =	shalt  }
0x4f: {  	_ =	shalt  }
0x50: {  	_ =	shalt  }
0x51: {  	_ =	shalt  }
0x52: {  	_ =	shalt  }
0x53: {  	_ =	shalt  }
0x54: {  	_ =	shalt  }
0x55: {  	_ =	shalt  }
0x56: {  	_ =	shalt  }
0x57: {  	_ =	shalt  }
0x58: {  	_ =	shalt  }
0x59: {  	_ =	shalt  }
0x5a: {  	_ =	shalt  }
0x5b: {  	_ =	shalt  }
0x5c: {  	_ =	shalt  }
0x5d: {  	_ =	shalt  }
0x5e: {  	_ =	shalt  }
0x5f: {  	_ =	shalt  }
0x60: {  	_ =	shalt  }
0x61: {  	_ =	shalt  }
0x62: {  	_ =	shalt  }
0x63: {  	_ =	shalt  }
0x64: {  	_ =	shalt  }
0x65: {  	_ =	shalt  }
0x66: {  	_ =	shalt  }
0x67: {  	_ =	shalt  }
0x68: {  	_ =	shalt  }
0x69: {  	_ =	shalt  }
0x6a: {  	_ =	shalt  }
0x6b: {  	_ =	shalt  }
0x6c: {  	_ =	shalt  }
0x6d: {  	_ =	shalt  }
0x6e: {  	_ =	shalt  }
0x6f: {  	_ =	shalt  }
0x70: {  	_ =	shalt  }
0x71: {  	_ =	shalt  }
0x72: {  	_ =	shalt  }
0x73: {  	_ =	shalt  }
0x74: {  	_ =	shalt  }
0x75: {  	_ =	shalt  }
0x76: {  	_ =	shalt  }
0x77: {  	_ =	shalt  }
0x78: {  	_ =	shalt  }
0x79: {  	_ =	shalt  }
0x7a: {  	_ =	shalt  }
0x7b: {  	_ =	shalt  }
0x7c: {  	_ =	shalt  }
0x7d: {  	_ =	shalt  }
0x7e: {  	_ =	shalt  }
0x7f: {  	_ =	shalt  }
0x80: {  	_ =	shalt  }
0x81: {  	_ =	shalt  }
0x82: {  	_ =	shalt  }
0x83: {  	_ =	shalt  }
0x84: {  	_ =	shalt  }
0x85: {  	_ =	shalt  }
0x86: {  	_ =	shalt  }
0x87: {  	_ =	shalt  }
.Lfunc_end0:
.L_simem_size_0:
called_computation.2_lowered:
.L_overlay_start_0:
0x88: {  	s2 =	sld [smem:$0x3FD9]  }
0x89: {  	s3 =	sld [smem:$0x3FFE];
	_ =	sdelay $0x1  }
0x8a: {  	s1 =	srdreg.scid  }
0x8b: {  	s0 =	sand.u32 $0x1, s1  }
0x8c: {  	s16 =	sshll.u32 s0, $0xA;
	s2 =	sadd.s32 s3, s2  }
0x8d: {  	s2 =	sadd.s32 s2, s16  }
0x8e: {  	[smem:$0x3FBA] =	sst s2  }
0x8f: {  	_ = 	snop  }
0x90: {  	(tm) =	ssettm $0x1  }
0x91: {  	s17 =	sld [smem:$0x3FFB];
	_ =	sdelay $0x3  }
0x92: {  	_ =	strace s17  }
0x93: {  	s2 =	sld [smem:$0x3FFC];
	_ =	sdelay $0x3  }
0x94: {  	_ =	strace s2  }
0x95: {  	s2 =	sld [smem:$0x3FFD];
	_ =	sdelay $0x3  }
0x96: {  	_ =	strace s2  }
0x97: {  	_ =	strace $0x8FFFFFFF  }
0x98: {  	s18 =	sld [smem:$0x3FDB];
	_ =	sdelay $0x1  }
0x99: {  	s19 =	simm.s32 $_scs_section_size  }
0x9a: {  	s4 =	simm.s32 $_size__tile_overlayer_lowered;
	s5 =	simm.s32 $_tile_overlayer_lowered  }
0x9b: {  	s22 =	simm.s32 $0x1BFF;
	s21 =	sshll.u32 s5, $0x1;
	s2 =	sadd.s32 s19, s18  }
0x9c: {  	s6 =	simm.s32 $0x0;
	s20 =	sshll.u32 s4, $0x1;
	s4 =	sadd.s32 s21, s2  }
0x9d: {  	[timem:s6], [sflag:s22] =	dma.local [hbm:s4], s20  }
0x9e: {  	_ =	swait.ge [sflag:s22], s20  }
0x9f: {  	s3 =	ssub.s32 $0x0, s20;
	[sflag:s22] =	ssyncset.done $0x0  }
0xa0: {  	[sflag:s22] =	ssyncadd.s32 s3;
	_ =	sdelay $0x1  }
0xa1: {  	s23 =	simm.s32 $0x1B8B  }
0xa2: {  	_ =	swait.ge [sflag:s23], $0x1  }
0xa3: {  	[sflag:s23] =	ssyncset.done $0x0  }
0xa4: {  	s25 =	simm.s32 $0x1B8E;
	s24 =	sld [smem:$0x3FFE];
	[sflag:s23] =	ssyncadd.s32 $0xFFFFFFFF  }
0xa5: {  	s26 =	simm.s32 $execute0_lowered;
	[smem:$0x3FD2] =	sst s25  }
0xa6: {  	s4 =	sshll.u32 s26, $0x1;
	_ =	strace $0x8000004C;
	[dreg:$0x1] =	wrdreg $0xFFFFFFFF  }
0xa7: {  	s28 =	simm.s32 $_size_execute0_lowered;
	s2 =	sadd.s32 s2, s4;
	[dreg:$0x0] =	wrdreg $0x0  }
0xa8: {  	s4 =	sshll.u32 s28, $0x1;
	[dreg:$0x2] =	wrdreg s2  }
0xa9: {  	[dreg:$0x3] =	wrdreg s4  }
0xaa: {  	[dreg:$0x4] =	wrdreg $0xC0  }
0xab: {  	_ =	task [dreg:s6], $0x5FFFF  }
0xac: {  	[dreg:$0x1] =	wrdreg $0xFFFFFFFF  }
0xad: {  	[dreg:$0x0] =	wrdreg $0x60  }
0xae: {  	[dreg:$0x2] =	wrdreg s24  }
0xaf: {  	[dreg:$0x3] =	wrdreg $0xA1000  }
0xb0: {  	[dreg:$0x4] =	wrdreg $0x9  }
0xb1: {  	_ =	task.clear_ibuf [dreg:s6], $0x5FFFF;
	_ =	strace $0x9000004C  }
0xb2: {  	s29 =	simm.s32 $0x9;
	_ =	strace $0x8000004E  }
0xb3: {  	_ =	swait.ge [sflag:s29], $0x1  }
0xb4: {  	[sflag:s29] =	ssyncadd.s32 $0xFFFFFFFF  }
0xb5: {  	_ =	strace $0x9000004E  }
0xb6: {  	_ =	sfence  }
0xb7: {  	s30 =	sld [smem:$0x0];
	_ =	sdelay $0x2  }
0xb8: {  	s31 =	sshll.u32 s1, $0xD;
	s1 =	sshrl.u32 s1, $0x2  }
0xb9: {  	s3 =	sand.u32 $0x4000, s31;
	s1 =	sadd.s32 s1, s30  }
0xba: {  	s0 =	sor.u32 s3, s0;
	s1 =	sshll.u32 s1, $0x11  }
0xbb: {  	s0 =	sor.u32 s1, s0  }
0xbc: {  	s0 =	sadd.s32 $0x8F2B, s0  }
0xbd: {  	[sflag:s0] =	ssyncadd.remote.s32 $0x1  }
0xbe: {  	_ =	sfence.sel $0xFFFF  }
0xbf: {  	[dreg:$0x0] =	wrdreg $0xFFFFFFFF;
	(pc) =	sbr.abs _section_cstart, $3  }
0xc0: {  	[dreg:$0x1] =	wrdreg $0xFFFFFFFF  }
0xc1: {  	_ =	task.clear_ibuf [dreg:s6], $0x2FFFF;
	_ =	strace $0x9FFFFFFF  }
0xc2: {  	(tm) =	ssettm $0x7FFFFFFF  }
0xc3: {  	_ =	shalt  }
tec
execute0_lowered:
.L_overlay_start_1:
0x0: {  	(tag) =	ssettag $0x1  }
0x1: {  	s0 =	srdreg.scid;
	s6 =	rddreg [dreg:$0x0]  }
0x2: {  	s12 =	stileid.u32;
	s2 =	rddreg [dreg:$0x1]  }
0x3: {  	s3 =	simm.s32 $0x0;
	s28 =	simm.s32 $0x7;
	s29 =	simm.s32 $0x2900  }
0x4: {  	s30 =	simm.s32 $0x2780;
	s31 =	simm.s32 $0x50;
	s0 =	sand.u32 $0x1, s0  }
0x5: {  	[smem:$0x7FF] =	sst s3;
	s7 =	smul.u32 $0x4E000, s12;
	s4 =	sadd.s32 $0x18200, s6  }
0x6: {  	s5 =	sadd.s32 $0x4600, s6;
	s10 =	sadd.s32 $0x66800, s6;
	s18 =	smul.u32 $0x13800, s12  }
0x7: {  	s20 =	smul.u32 $0x2710, s12;
	p0 =	sne.s32 s12, $0xF;
	s1 =	sshll.u32 s0, $0x4  }
0x8: {  	s9 =	ssub.s32 $0x2, s0;
	s15 =	smul.u32 $0x138800, s0;
	s1 =	sor.u32 s12, s1  }
0x9: {  	_ =	strace $0x8000004D;
	s11 =	sshrl.u32 s9, $0x1;
	s1 =	smul.u32 $0x2710, s1  }
0xa: {  	s0 =	smul.u32 $0x27100, s0;
	s7 =	sshrl.u32 s7, $0x2;
	s24 =	ssub.s32 s9, s11  }
0xb: {  	s12 =	simm.s32 $0x2;
	s22 =	smax.u32 s24, $0x1;
	s1 =	sshrl.u32 s1, $0x3  }
0xc: {  	[dreg:$0x10] =	wrdreg s22;
	s8 =	sadd.s32 s1, s6;
	s17 =	sadd.s32 s5, s1  }
0xd: {  	s6 =	sadd.s32 s7, s2;
	s8 =	sadd.s32 $0xE400, s8;
	[dreg:$0xb] =	wrdreg s17  }
0xe: {  	s0 =	sadd.s32 s20, s0;
	s25 =	sadd.s32 $0x2800, s6;
	[dreg:$0x3] =	wrdreg s8  }
0xf: {  	s23 =	sadd.s32 $0x190, s0;
	s26 =	sadd.s32 $0x5000, s6;
	[dreg:$0x4] =	wrdreg s25  }
0x10: {  	s24 =	sadd.s32 $0x140, s0;
	s9 =	sadd.s32 $0x7800, s6;
	[dreg:$0x5] =	wrdreg s26  }
0x11: {  	s1 =	sadd.s32 s18, s15;
	s11 =	sadd.s32 $0xA000, s6;
	[dreg:$0x6] =	wrdreg s9  }
0x12: {  	s7 =	sshrl.u32 s24, $0x3;
	s13 =	sadd.s32 $0xC800, s6;
	[dreg:$0x7] =	wrdreg s11  }
0x13: {  	s18 =	simm.s32 $0x0;
	s14 =	sadd.s32 $0xF000, s6;
	[dreg:$0x8] =	wrdreg s13  }
0x14: {  	s16 =	sadd.s32 $0x11800, s6;
	s19 =	sadd.s32 $0xA, s17;
	[dreg:$0x9] =	wrdreg s14  }
0x15: {  	s1 =	sshrl.u32 s1, $0x3;
	s24 =	sadd.s32 s7, s5;
	[dreg:$0xa] =	wrdreg s16  }
0x16: {  	s7 =	simm.s32 $0x2880;
	s16 =	sadd.s32 $0x138000, s2;
	[dreg:$0xc] =	wrdreg s19  }
0x17: {  	s8 =	sshrl.u32 s15, $0x3;
	s13 =	sadd.s32 $0x14, s17;
	s1 =	sadd.s32 s10, s1  }
0x18: {  	s25 =	sadd.s32 $0x4CE, s17;
	s26 =	sadd.s32 $0x4D8, s17;
	s9 =	simm.s32 $0x1  }
0x19: {  	s11 =	simm.s32 $0x8;
	s14 =	simm.s32 $0x3;
	[dreg:$0xd] =	wrdreg s13  }
0x1a: {  	s17 =	simm.s32 $0x6;
	s8 =	sadd.s32 s10, s8;
	[dreg:$0xe] =	wrdreg s1  }
0x1b: {  	[dreg:$0x11] =	wrdreg s25;
	s1 =	sshrl.u32 s23, $0x3;
	s25 =	sadd.s32 $0xF0, s0  }
0x1c: {  	[dreg:$0x12] =	wrdreg s26;
	s0 =	simm.s32 $0x5100;
	s10 =	simm.s32 $0x4  }
0x1d: {  	s13 =	simm.s32 $0x5;
	s21 =	sadd.s32 $0x27000, s8;
	s23 =	sadd.s32 s1, s5  }
0x1e: {  	v0 =	vimm.f32 $0.0e+00;
	s1 =	simm.s32 $0x2800;
	s8 =	simm.s32 $0x7900;
	[dreg:$0xf] =	wrdreg s21  }
.LBB2_1:
0x1f: {  	s15 =	rddreg [dreg:$0x3];
	s19 =	simm.s32 $0x0;
	s20 =	simm.s32 $0x200  }
0x20: {  	[tilespmem:s3], [sflag:$0x7] =	stream.linear.gather [hbm4b:s15+s3], $0x2710, $0x38;
	[tilespmem:$0x1D980] =	vst v63  }
.LBB2_2:
0x21: {  	p1 =	sne.s32 s20, $0x9E00;
	[tilespmem:s19+$0x2970] =	vst v0  }
0x22: {  	[tilespmem:s19+$0x2900] =	vst v0  }
0x23: {  	[tilespmem:s19+$0x2910] =	vst v0  }
.Ltmp0:
0x24: {  	[tilespmem:s19+$0x2920] =	vst v0;
	(pc) =	sbr.rel @p1 .LBB2_2-.Ltmp0, $4  }
0x25: {  	[tilespmem:s19+$0x2930] =	vst v0  }
0x26: {  	[tilespmem:s19+$0x2940] =	vst v0  }
0x27: {  	[tilespmem:s19+$0x2950] =	vst v0  }
0x28: {  	[tilespmem:s19+$0x2960] =	vst v0;
	s19 =	sshra.s32 s20, $0x2;
	s20 =	sadd.s32 $0x200, s20  }
0x29: {  	[tilespmem:s19+$0x2970] =	vst v0  }
0x2a: {  	[tilespmem:s19+$0x2900] =	vst v0  }
0x2b: {  	[tilespmem:s19+$0x2910] =	vst v0  }
0x2c: {  	[tilespmem:s19+$0x2920] =	vst v0  }
0x2d: {  	[tilespmem:s19+$0x2930] =	vst v0  }
0x2e: {  	[tilespmem:s19+$0x2940] =	vst v0  }
0x2f: {  	[tilespmem:s19+$0x2950] =	vst v0  }
0x30: {  	[tilespmem:s19+$0x2960] =	vst v0  }
0x31: {  	_ =	swait.ge [sflag:s28], $0x2710  }
0x32: {  	[sflag:s28] =	ssyncset.done $0x0  }
0x33: {  	[sflag:s28] =	ssyncadd.s32 $0xFFFFD8F0  }
0x34: {  	[spmem:s6] =	stream.linear.scatter [tilespmem:s29], [sflag:$0x7], $0x2800, $0x38;
	[tilespmem:$0x1D980] =	vst v63  }
0x35: {  	s15 =	rddreg [dreg:$0x4]  }
0x36: {  	[spmem:s15] =	stream.linear.scatter [tilespmem:s29], [sflag:$0x7], $0x2800, $0x38;
	[tilespmem:$0x1D980] =	vst v63  }
0x37: {  	s19 =	rddreg [dreg:$0x5]  }
0x38: {  	[spmem:s19] =	stream.linear.scatter [tilespmem:s29], [sflag:$0x7], $0x2800, $0x38;
	[tilespmem:$0x1D980] =	vst v63  }
0x39: {  	s20 =	rddreg [dreg:$0x6]  }
0x3a: {  	[spmem:s20] =	stream.linear.scatter [tilespmem:s29], [sflag:$0x7], $0x2800, $0x38;
	[tilespmem:$0x1D980] =	vst v63  }
0x3b: {  	s21 =	rddreg [dreg:$0x7]  }
0x3c: {  	[spmem:s21] =	stream.linear.scatter [tilespmem:s29], [sflag:$0x7], $0x2800, $0x38;
	[tilespmem:$0x1D980] =	vst v63  }
0x3d: {  	s22 =	rddreg [dreg:$0x8]  }
0x3e: {  	[spmem:s22] =	stream.linear.scatter [tilespmem:s29], [sflag:$0x7], $0x2800, $0x38;
	[tilespmem:$0x1D980] =	vst v63  }
0x3f: {  	s26 =	rddreg [dreg:$0x9]  }
0x40: {  	[spmem:s26] =	stream.linear.scatter [tilespmem:s29], [sflag:$0x7], $0x2800, $0x38;
	[tilespmem:$0x1D980] =	vst v63  }
0x41: {  	s19 =	rddreg [dreg:$0xa]  }
0x42: {  	[spmem:s19] =	stream.linear.scatter [tilespmem:s29], [sflag:$0x7], $0x2000, $0x38;
	[tilespmem:$0x1D980] =	vst v63  }
0x43: {  	s19 =	simm.s32 @!p0 $0x2900  }
0x44: {  	[spmem:s16] =	stream.linear.scatter @!p0 [tilespmem:s19], [sflag:$0x7], $0x800, $0x38;
	[tilespmem:$0x1D980] =	vst v63  }
0x45: {  	s19 =	simm.s32 @!p0 $0x7  }
0x46: {  	_ =	swait.ge @!p0 [sflag:s19], $0x800  }
0x47: {  	[sflag:s19] =	ssyncset.done @!p0 $0x0  }
0x48: {  	[sflag:s19] =	ssyncadd.s32 @!p0 $0xFFFFF800  }
0x49: {  	_ =	swait.ge [sflag:s28], $0x2800  }
0x4a: {  	[sflag:s28] =	ssyncset.done $0x0  }
0x4b: {  	[sflag:s28] =	ssyncadd.s32 $0xFFFFD800  }
0x4c: {  	_ =	swait.ge [sflag:s28], $0x2800  }
0x4d: {  	[sflag:s28] =	ssyncset.done $0x0  }
0x4e: {  	[sflag:s28] =	ssyncadd.s32 $0xFFFFD800  }
0x4f: {  	_ =	swait.ge [sflag:s28], $0x2800  }
0x50: {  	[sflag:s28] =	ssyncset.done $0x0  }
0x51: {  	[sflag:s28] =	ssyncadd.s32 $0xFFFFD800  }
0x52: {  	_ =	swait.ge [sflag:s28], $0x2800  }
0x53: {  	[sflag:s28] =	ssyncset.done $0x0  }
0x54: {  	[sflag:s28] =	ssyncadd.s32 $0xFFFFD800  }
0x55: {  	_ =	swait.ge [sflag:s28], $0x2800  }
0x56: {  	[sflag:s28] =	ssyncset.done $0x0  }
0x57: {  	[sflag:s28] =	ssyncadd.s32 $0xFFFFD800  }
0x58: {  	_ =	swait.ge [sflag:s28], $0x2800  }
0x59: {  	[sflag:s28] =	ssyncset.done $0x0  }
0x5a: {  	[sflag:s28] =	ssyncadd.s32 $0xFFFFD800  }
0x5b: {  	_ =	swait.ge [sflag:s28], $0x2800  }
0x5c: {  	[sflag:s28] =	ssyncset.done $0x0  }
0x5d: {  	[sflag:s28] =	ssyncadd.s32 $0xFFFFD800  }
0x5e: {  	_ =	swait.ge [sflag:s28], $0x2000  }
0x5f: {  	[sflag:s28] =	ssyncset.done $0x0  }
0x60: {  	[sflag:s28] =	ssyncadd.s32 $0xFFFFE000  }
0x61: {  	[bflag:$0x0] =	sbarrier.arrive $0xFFFF  }
0x62: {  	s20 =	simm.s32 $0x0;
	s21 =	rddreg [dreg:$0xb]  }
0x63: {  	[tilespmem:s30], [sflag:$0x1] =	stream.linear.gather [hbm4b:s21+s20], $0x50, $0x38;
	[tilespmem:$0x1D980] =	vst v63  }
0x64: {  	_ = 	snop  }
0x65: {  	[tilespmem:s29], [sflag:$0x4] =	stream.indirect.gather [hbm4b:s4+s31], $0x80, s20, s31, $0xb8;
	[tilespmem:$0x1D980] =	vst v63  }
0x66: {  	s22 =	rddreg [dreg:$0xc]  }
0x67: {  	[tilespmem:s1], [sflag:$0x2] =	stream.linear.gather [hbm4b:s22+s20], $0x50, $0x38;
	[tilespmem:$0x1D980] =	vst v63  }
0x68: {  	_ = 	snop  }
0x69: {  	[tilespmem:s0], [sflag:$0x5] =	stream.indirect.gather [hbm4b:s4+s31], $0x80, s31, s31, $0xb8;
	[tilespmem:$0x1D980] =	vst v63  }
0x6a: {  	s26 =	rddreg [dreg:$0xd]  }
0x6b: {  	[tilespmem:s7], [sflag:$0x3] =	stream.linear.gather [hbm4b:s26+s20], $0x50, $0x38;
	[tilespmem:$0x1D980] =	vst v63  }
0x6c: {  	s20 =	simm.s32 $0xA0  }
0x6d: {  	[tilespmem:s8], [sflag:$0x6] =	stream.indirect.gather [hbm4b:s4+s31], $0x80, s20, s31, $0xb8;
	[tilespmem:$0x1D980] =	vst v63  }
0x6e: {  	_ =	swait.ge [sflag:s9], $0x50  }
0x6f: {  	[sflag:s9] =	ssyncset.done $0x0  }
0x70: {  	[sflag:s9] =	ssyncadd.s32 $0xFFFFFFB0  }
0x71: {  	_ =	swait.ge [sflag:s10], $0x2800  }
0x72: {  	[sflag:s10] =	ssyncset.done $0x0  }
0x73: {  	[sflag:s10] =	ssyncadd.s32 $0xFFFFD800  }
0x74: {  	[spmem:s2] =	stream.indirect.scatter.add.f32 [tilespmem:s29], [sflag:$0x8], $0x80, s30, s31, $0xb8;
	[tilespmem:$0x1D980] =	vst v63  }
0x75: {  	_ =	swait.ge [sflag:s11], $0x2800  }
0x76: {  	s21 =	sshrl.u32 s25, $0x3;
	[sflag:s11] =	ssyncset.done $0x0  }
0x77: {  	s19 =	sadd.s32 s5, s21;
	[sflag:s11] =	ssyncadd.s32 $0xFFFFD800  }
0x78: {  	[tilespmem:s30], [sflag:$0x1] =	stream.linear.gather [hbm4b:s19+s3], $0x50, $0x38;
	[tilespmem:$0x1D980] =	vst v63  }
0x79: {  	s22 =	simm.s32 $0xF0  }
0x7a: {  	[tilespmem:s29], [sflag:$0x4] =	stream.indirect.gather [hbm4b:s4+s31], $0x80, s22, s31, $0xb8;
	[tilespmem:$0x1D980] =	vst v63  }
0x7b: {  	_ =	swait.ge [sflag:s12], $0x50  }
0x7c: {  	[sflag:s12] =	ssyncset.done $0x0  }
0x7d: {  	[sflag:s12] =	ssyncadd.s32 $0xFFFFFFB0  }
0x7e: {  	_ =	swait.ge [sflag:s13], $0x2800  }
0x7f: {  	[sflag:s13] =	ssyncset.done $0x0  }
0x80: {  	[sflag:s13] =	ssyncadd.s32 $0xFFFFD800  }
0x81: {  	[spmem:s2] =	stream.indirect.scatter.add.f32 [tilespmem:s0], [sflag:$0x8], $0x80, s1, s31, $0xb8;
	[tilespmem:$0x1D980] =	vst v63  }
0x82: {  	_ =	swait.ge [sflag:s11], $0x2800  }
0x83: {  	[sflag:s11] =	ssyncset.done $0x0  }
0x84: {  	[sflag:s11] =	ssyncadd.s32 $0xFFFFD800  }
0x85: {  	[tilespmem:s1], [sflag:$0x2] =	stream.linear.gather [hbm4b:s24+s3], $0x50, $0x38;
	[tilespmem:$0x1D980] =	vst v63  }
0x86: {  	s26 =	simm.s32 $0x140  }
0x87: {  	[tilespmem:s0], [sflag:$0x5] =	stream.indirect.gather [hbm4b:s4+s31], $0x80, s26, s31, $0xb8;
	[tilespmem:$0x1D980] =	vst v63  }
0x88: {  	_ =	swait.ge [sflag:s14], $0x50  }
0x89: {  	[sflag:s14] =	ssyncset.done $0x0  }
0x8a: {  	[sflag:s14] =	ssyncadd.s32 $0xFFFFFFB0  }
0x8b: {  	_ =	swait.ge [sflag:s17], $0x2800  }
0x8c: {  	[sflag:s17] =	ssyncset.done $0x0  }
0x8d: {  	[sflag:s17] =	ssyncadd.s32 $0xFFFFD800  }
0x8e: {  	[spmem:s2] =	stream.indirect.scatter.add.f32 [tilespmem:s8], [sflag:$0x8], $0x80, s7, s31, $0xb8;
	[tilespmem:$0x1D980] =	vst v63  }
0x8f: {  	s21 =	sadd.s32 $0x1E, s23;
	_ =	swait.ge [sflag:s11], $0x2800  }
0x90: {  	s20 =	sadd.s32 $0xF0, s25;
	s19 =	simm.s32 $0x3C0;
	[sflag:s11] =	ssyncset.done $0x0  }
0x91: {  	s22 =	sadd.s32 $0x1E, s24;
	s26 =	simm.s32 $0x190;
	[sflag:s11] =	ssyncadd.s32 $0xFFFFD800  }
0x92: {  	[tilespmem:s7], [sflag:$0x3] =	stream.linear.gather [hbm4b:s23+s3], $0x50, $0x38;
	[tilespmem:$0x1D980] =	vst v63  }
.LBB2_4:
0x93: {  	[tilespmem:s8], [sflag:$0x6] =	stream.indirect.gather [hbm4b:s4+s31], $0x80, s26, s31, $0xb8;
	[tilespmem:$0x1D980] =	vst v63  }
0x94: {  	s26 =	smov.u32 s19  }
0x95: {  	p1 =	sne.s32 s19, $0x9240;
	s19 =	sadd.s32 $0x3C0, s19;
	_ =	swait.ge [sflag:s9], $0x50  }
0x96: {  	[sflag:s9] =	ssyncset.done $0x0  }
0x97: {  	[sflag:s9] =	ssyncadd.s32 $0xFFFFFFB0  }
0x98: {  	_ =	swait.ge [sflag:s10], $0x2800  }
0x99: {  	[sflag:s10] =	ssyncset.done $0x0  }
0x9a: {  	[sflag:s10] =	ssyncadd.s32 $0xFFFFD800  }
0x9b: {  	[spmem:s2] =	stream.indirect.scatter.add.f32 [tilespmem:s29], [sflag:$0x8], $0x80, s30, s31, $0xb8;
	[tilespmem:$0x1D980] =	vst v63  }
0x9c: {  	_ =	swait.ge [sflag:s11], $0x2800  }
0x9d: {  	s15 =	sshrl.u32 s20, $0x3;
	[sflag:s11] =	ssyncset.done $0x0  }
0x9e: {  	s15 =	sadd.s32 s5, s15;
	s26 =	sshra.s32 s26, $0x2;
	[sflag:s11] =	ssyncadd.s32 $0xFFFFD800  }
0x9f: {  	[tilespmem:s30], [sflag:$0x1] =	stream.linear.gather [hbm4b:s15+s3], $0x50, $0x38;
	[tilespmem:$0x1D980] =	vst v63  }
0xa0: {  	s15 =	sadd.s32 $0xF0, s26  }
0xa1: {  	[tilespmem:s29], [sflag:$0x4] =	stream.indirect.gather [hbm4b:s4+s31], $0x80, s15, s31, $0xb8;
	[tilespmem:$0x1D980] =	vst v63  }
0xa2: {  	_ =	swait.ge [sflag:s12], $0x50  }
0xa3: {  	[sflag:s12] =	ssyncset.done $0x0  }
0xa4: {  	[sflag:s12] =	ssyncadd.s32 $0xFFFFFFB0  }
0xa5: {  	_ =	swait.ge [sflag:s13], $0x2800  }
0xa6: {  	[sflag:s13] =	ssyncset.done $0x0  }
0xa7: {  	[sflag:s13] =	ssyncadd.s32 $0xFFFFD800  }
0xa8: {  	[spmem:s2] =	stream.indirect.scatter.add.f32 [tilespmem:s0], [sflag:$0x8], $0x80, s1, s31, $0xb8;
	[tilespmem:$0x1D980] =	vst v63  }
0xa9: {  	_ =	swait.ge [sflag:s11], $0x2800  }
0xaa: {  	[sflag:s11] =	ssyncset.done $0x0  }
0xab: {  	[sflag:s11] =	ssyncadd.s32 $0xFFFFD800  }
0xac: {  	[tilespmem:s1], [sflag:$0x2] =	stream.linear.gather [hbm4b:s22+s3], $0x50, $0x38;
	[tilespmem:$0x1D980] =	vst v63  }
0xad: {  	s15 =	sadd.s32 $0x140, s26  }
0xae: {  	[tilespmem:s0], [sflag:$0x5] =	stream.indirect.gather [hbm4b:s4+s31], $0x80, s15, s31, $0xb8;
	[tilespmem:$0x1D980] =	vst v63  }
0xaf: {  	_ =	swait.ge [sflag:s14], $0x50  }
0xb0: {  	[sflag:s14] =	ssyncset.done $0x0  }
0xb1: {  	[sflag:s14] =	ssyncadd.s32 $0xFFFFFFB0  }
0xb2: {  	_ =	swait.ge [sflag:s17], $0x2800  }
0xb3: {  	[sflag:s17] =	ssyncset.done $0x0  }
0xb4: {  	[sflag:s17] =	ssyncadd.s32 $0xFFFFD800  }
0xb5: {  	[spmem:s2] =	stream.indirect.scatter.add.f32 [tilespmem:s8], [sflag:$0x8], $0x80, s7, s31, $0xb8;
	[tilespmem:$0x1D980] =	vst v63  }
.Ltmp1:
0xb6: {  	_ =	swait.ge [sflag:s11], $0x2800;
	(pc) =	sbr.rel @p1 .LBB2_4-.Ltmp1, $4  }
0xb7: {  	[sflag:s11] =	ssyncset.done $0x0  }
0xb8: {  	s20 =	sadd.s32 $0xF0, s20;
	[sflag:s11] =	ssyncadd.s32 $0xFFFFD800  }
0xb9: {  	[tilespmem:s7], [sflag:$0x3] =	stream.linear.gather [hbm4b:s21+s3], $0x50, $0x38;
	[tilespmem:$0x1D980] =	vst v63  }
0xba: {  	s26 =	sadd.s32 $0x190, s26;
	s22 =	sadd.s32 $0x1E, s22;
	s21 =	sadd.s32 $0x1E, s21  }
0xbb: {  	[tilespmem:s8], [sflag:$0x6] =	stream.indirect.gather [hbm4b:s4+s31], $0x80, s26, s31, $0xb8;
	[tilespmem:$0x1D980] =	vst v63  }
0xbc: {  	_ =	swait.ge [sflag:s9], $0x50  }
0xbd: {  	[sflag:s9] =	ssyncset.done $0x0  }
0xbe: {  	[sflag:s9] =	ssyncadd.s32 $0xFFFFFFB0  }
0xbf: {  	_ =	swait.ge [sflag:s10], $0x2800  }
0xc0: {  	[sflag:s10] =	ssyncset.done $0x0  }
0xc1: {  	[sflag:s10] =	ssyncadd.s32 $0xFFFFD800  }
0xc2: {  	[spmem:s2] =	stream.indirect.scatter.add.f32 [tilespmem:s29], [sflag:$0x8], $0x80, s30, s31, $0xb8;
	[tilespmem:$0x1D980] =	vst v63  }
0xc3: {  	_ =	swait.ge [sflag:s11], $0x2800  }
0xc4: {  	[sflag:s11] =	ssyncset.done $0x0  }
0xc5: {  	s15 =	rddreg [dreg:$0x11];
	[sflag:s11] =	ssyncadd.s32 $0xFFFFD800  }
0xc6: {  	[tilespmem:s30], [sflag:$0x1] =	stream.linear.gather [hbm4b:s15+s3], $0x50, $0x38;
	[tilespmem:$0x1D980] =	vst v63  }
0xc7: {  	s19 =	simm.s32 $0x2670  }
0xc8: {  	[tilespmem:s29], [sflag:$0x4] =	stream.indirect.gather [hbm4b:s4+s31], $0x80, s19, s31, $0xb8;
	[tilespmem:$0x1D980] =	vst v63  }
0xc9: {  	_ =	swait.ge [sflag:s12], $0x50  }
0xca: {  	[sflag:s12] =	ssyncset.done $0x0  }
0xcb: {  	[sflag:s12] =	ssyncadd.s32 $0xFFFFFFB0  }
0xcc: {  	_ =	swait.ge [sflag:s13], $0x2800  }
0xcd: {  	[sflag:s13] =	ssyncset.done $0x0  }
0xce: {  	[sflag:s13] =	ssyncadd.s32 $0xFFFFD800  }
0xcf: {  	[spmem:s2] =	stream.indirect.scatter.add.f32 [tilespmem:s0], [sflag:$0x8], $0x80, s1, s31, $0xb8;
	[tilespmem:$0x1D980] =	vst v63  }
0xd0: {  	_ =	swait.ge [sflag:s11], $0x2800  }
0xd1: {  	[sflag:s11] =	ssyncset.done $0x0  }
0xd2: {  	s20 =	rddreg [dreg:$0x12];
	[sflag:s11] =	ssyncadd.s32 $0xFFFFD800  }
0xd3: {  	[tilespmem:s1], [sflag:$0x2] =	stream.linear.gather [hbm4b:s20+s3], $0x50, $0x38;
	[tilespmem:$0x1D980] =	vst v63  }
0xd4: {  	s21 =	simm.s32 $0x26C0  }
0xd5: {  	[tilespmem:s0], [sflag:$0x5] =	stream.indirect.gather [hbm4b:s4+s31], $0x80, s21, s31, $0xb8;
	[tilespmem:$0x1D980] =	vst v63  }
0xd6: {  	_ =	swait.ge [sflag:s14], $0x50  }
0xd7: {  	[sflag:s14] =	ssyncset.done $0x0  }
0xd8: {  	[sflag:s14] =	ssyncadd.s32 $0xFFFFFFB0  }
0xd9: {  	_ =	swait.ge [sflag:s17], $0x2800  }
0xda: {  	[sflag:s17] =	ssyncset.done $0x0  }
0xdb: {  	[sflag:s17] =	ssyncadd.s32 $0xFFFFD800  }
0xdc: {  	[spmem:s2] =	stream.indirect.scatter.add.f32 [tilespmem:s8], [sflag:$0x8], $0x80, s7, s31, $0xb8;
	[tilespmem:$0x1D980] =	vst v63  }
0xdd: {  	_ =	swait.ge [sflag:s11], $0x2800  }
0xde: {  	[sflag:s11] =	ssyncset.done $0x0  }
0xdf: {  	[sflag:s11] =	ssyncadd.s32 $0xFFFFD800  }
0xe0: {  	_ =	swait.ge [sflag:s9], $0x50  }
0xe1: {  	[sflag:s9] =	ssyncset.done $0x0  }
0xe2: {  	[sflag:s9] =	ssyncadd.s32 $0xFFFFFFB0  }
0xe3: {  	_ =	swait.ge [sflag:s10], $0x2800  }
0xe4: {  	[sflag:s10] =	ssyncset.done $0x0  }
0xe5: {  	[sflag:s10] =	ssyncadd.s32 $0xFFFFD800  }
0xe6: {  	[spmem:s2] =	stream.indirect.scatter.add.f32 [tilespmem:s29], [sflag:$0x8], $0x80, s30, s31, $0xb8;
	[tilespmem:$0x1D980] =	vst v63  }
0xe7: {  	_ =	swait.ge [sflag:s11], $0x2800  }
0xe8: {  	[sflag:s11] =	ssyncset.done $0x0  }
0xe9: {  	[sflag:s11] =	ssyncadd.s32 $0xFFFFD800  }
0xea: {  	_ =	swait.ge [sflag:s12], $0x50  }
0xeb: {  	[sflag:s12] =	ssyncset.done $0x0  }
0xec: {  	[sflag:s12] =	ssyncadd.s32 $0xFFFFFFB0  }
0xed: {  	_ =	swait.ge [sflag:s13], $0x2800  }
0xee: {  	[sflag:s13] =	ssyncset.done $0x0  }
0xef: {  	[sflag:s13] =	ssyncadd.s32 $0xFFFFD800  }
0xf0: {  	[spmem:s2] =	stream.indirect.scatter.add.f32 [tilespmem:s0], [sflag:$0x8], $0x80, s1, s31, $0xb8;
	[tilespmem:$0x1D980] =	vst v63  }
0xf1: {  	_ =	swait.ge [sflag:s11], $0x2800  }
0xf2: {  	[sflag:s11] =	ssyncset.done $0x0  }
0xf3: {  	s22 =	stileid.u32;
	[sflag:s11] =	ssyncadd.s32 $0xFFFFD800  }
0xf4: {  	s15 =	sshll.u32 s22, $0x6;
	[bflag:$0x0] =	sbarrier.arrive $0xFFFF  }
0xf5: {  	s15 =	sor.u32 $0x1C08, s15;
	s19 =	sshrl.u32 s6, $0x3;
	s20 =	rddreg [dreg:$0xe]  }
0xf6: {  	[hbm:s20], [sflag:s15] =	dma.local [spmem:s19], $0x2700  }
0xf7: {  	_ =	swait.ge [sflag:s11], $0x2700  }
0xf8: {  	[sflag:s11] =	ssyncset.done $0x0  }
0xf9: {  	s19 =	sshrl.u32 @!p0 s16, $0x3;
	s20 =	rddreg [dreg:$0xf];
	[sflag:s11] =	ssyncadd.s32 $0xFFFFD900  }
0xfa: {  	[hbm:s20], [sflag:s15] =	dma.local @!p0 [spmem:s19], $0x100  }
0xfb: {  	s15 =	simm.s32 @!p0 $0x8  }
0xfc: {  	_ =	swait.ge @!p0 [sflag:s15], $0x100  }
0xfd: {  	s18 =	sadd.s32 $0x1, s18;
	s26 =	rddreg [dreg:$0x10]  }
0xfe: {  	p1 =	sne.s32 s18, s26  }
.Ltmp2:
0xff: {  	_ = 	snop;
	(pc) =	sbr.rel @p1 .LBB2_1-.Ltmp2, $3  }
0x100: {  	_ =	sdelay $0x1  }
0x101: {  	[sflag:s15] =	ssyncset.done @!p0 $0x0  }
0x102: {  	[sflag:s15] =	ssyncadd.s32 @!p0 $0xFFFFFF00  }
0x103: {  	_ =	sfence.sel $0x180000  }
0x104: {  	[bflag:$0x0] =	sbarrier.arrive $0xFFFF  }
0x105: {  	_ =	strace $0x9000004D  }
0x106: {  	s0 =	stileid.u32;
	[bflag:$0x2] =	sbarrier.arrive $0xFFFF  }
0x107: {  	p0 =	sne.s32 s0, $0x0;
	s0 =	rddreg [dreg:$0x2]  }
0x108: {  	s0 =	sadd.s32 @!p0 $0x100000, s0  }
0x109: {  	[sflag:s0] =	ssyncadd.tile.s32 @!p0 $0x1;
	_ =	shalt  }
.Lfunc_end2:
_tile_overlayer_lowered:
.L_overlay_start_2:
0x10a: {  	(tag) =	ssettag $0x2  }
0x10b: {  	s0 =	rddreg [dreg:$0x0];
	s2 =	stileid.u32  }
0x10c: {  	s1 =	rddreg [dreg:$0x1];
	p0 =	sne.s32 s2, $0x0  }
0x10d: {  	s3 =	rddreg [dreg:$0x2];
	[bflag:$0x3] =	sbarrier.arrive $0xFFFF;
	s2 =	simm.s32 @!p0 $0x1C08  }
0x10e: {  	[timem:s3], [sflag:s2] =	dma.local @!p0 [hbm:s0], s1  }
0x10f: {  	s0 =	simm.s32 @!p0 $0x8  }
0x110: {  	_ =	swait.ge @!p0 [sflag:s0], s1  }
0x111: {  	s1 =	ssub.s32 @!p0 $0x0, s1;
	[sflag:s0] =	ssyncset.done @!p0 $0x0  }
0x112: {  	[sflag:s0] =	ssyncadd.s32 @!p0 s1  }
0x113: {  	[bflag:$0x3] =	sbarrier.arrive $0xFFFF  }
0x114: {  	_ =	shalt  }

// kernel: kernel.9.cloned.1.call-start
scs
__scs_entry_jumppad:
0x0: {  	(pc) =	sbr.rel $0x88, $3  }
0x1: {  	(tag) =	ssettag $0x0;
	lr =	simm.s32 $0x1  }
0x2: {  	[smem:$0x3F93] =	sst lr;
	_ =	strace $0xD0000000  }
0x3: {  	_ = 	snop  }
0x4: {  	_ = 	snop  }
0x5: {  	_ = 	snop  }
0x6: {  	_ = 	snop  }
0x7: {  	_ = 	snop  }
__scs_overlays_trampoline_lowered:
0x8: {  	[smem:$0x3FA2] =	sst s0  }
0x9: {  	[smem:$0x3FA3] =	sst s1  }
0xa: {  	[smem:$0x3FA4] =	sst s2  }
0xb: {  	[smem:$0x3FA5] =	sst s3  }
0xc: {  	[smem:$0x3FA6] =	sst s4  }
0xd: {  	[smem:$0x3FA7] =	sst s5  }
0xe: {  	[smem:$0x3FA8] =	sst s6  }
0xf: {  	[smem:$0x3FA9] =	sst s7  }
0x10: {  	[smem:$0x3FAA] =	sst s8  }
0x11: {  	[smem:$0x3FAB] =	sst s9;
	s0 =	simm.s32 @!p0 $0x0  }
0x12: {  	s1 =	sld [smem:$0x3F91];
	s0 =	simm.s32 @p0 $0x1  }
0x13: {  	[smem:$0x3FAC] =	sst s0;
	s0 =	simm.s32 @!p1 $0x0  }
0x14: {  	s2 =	sld [smem:$0x3F90];
	s0 =	simm.s32 @p1 $0x1  }
0x15: {  	[smem:$0x3FAD] =	sst s0;
	s0 =	simm.s32 @!p2 $0x0  }
0x16: {  	s3 =	sld [smem:$0x3FDB];
	s0 =	simm.s32 @p2 $0x1  }
0x17: {  	s4 =	simm.s32 $0x1BF5;
	[smem:$0x3FAF] =	sst s0  }
0x18: {  	s0 =	sld [smem:$0x3F92];
	_ =	swait.ge [sflag:s4], $0x0  }
0x19: {  	s7 =	sld [smem:$0x3F93]  }
0x1a: {  	s8 =	sadd.s32 $0xFFFFE003, lr  }
0x1b: {  	s9 =	sadd.s32 $0xFFFFFEF7, lr;
	s5 =	simm.s32 $0xFFFFFFFF;
	p2 =	slt.u32 s8, $0xFFFFF086  }
0x1c: {  	p1 =	slt.u32 s9, $0xF7A;
	s5 =	simm.s32 @!p2 $0x0  }
0x1d: {  	s5 =	simm.s32 @p1 $0x1;
	p0 =	seq.s32 s7, s2  }
0x1e: {  	s7 =	smul.u32 @!p0 $0xF7A, s2;
	p2 =	seq.s32 @!p0 s5, $0x0  }
0x1f: {  	s9 =	smul.u32 $0xF7A, s1;
	s8 =	simm.s32 @!p0 $0x1BF5;
	p2 =	por !p2, p0  }
0x20: {  	[sflag:s8] =	ssyncset.s32 @!p0 $0xFFFFF086;
	s6 =	sadd.s32 @!p0 s3, s7;
	s7 =	simm.s32 @!p0 $0x108  }
0x21: {  	s3 =	sadd.s32 s3, s9;
	s6 =	sadd.s32 @!p0 $0x88, s6;
	s7 =	simm.s32 @p2 $0x1082  }
0x22: {  	[simem:s7], [sflag:s8] =	dma.local @!p0 [hbm:s6], $0xF7A  }
0x23: {  	s9 =	sor.u32 $0xD0000000, s2;
	s6 =	simm.s32 $0x108;
	_ =	swait.ge @!p0 [sflag:s8], $0x0  }
0x24: {  	s3 =	sadd.s32 $0x88, s3;
	s6 =	simm.s32 @!p1 $0x1082;
	[sflag:s4] =	ssyncset.s32 $0xFFFFF086  }
0x25: {  	[simem:s6], [sflag:s4] =	dma.local [hbm:s3], $0xF7A  }
0x26: {  	[smem:$0x3F93] =	sst s1;
	(tag) =	ssettag s2;
	_ =	strace s9  }
0x27: {  	s1 =	sld [smem:$0x3FA3]  }
0x28: {  	s2 =	sld [smem:$0x3FA4]  }
0x29: {  	s4 =	sld [smem:$0x3FA6]  }
0x2a: {  	p0 =	seq.s32 s5, $0x0;
	s5 =	sld [smem:$0x3FA7]  }
0x2b: {  	s6 =	sld [smem:$0x3FA8]  }
0x2c: {  	s7 =	sld [smem:$0x3FA9]  }
0x2d: {  	s3 =	simm.s32 $0x108;
	s8 =	sld [smem:$0x3FAA]  }
0x2e: {  	s3 =	simm.s32 @!p0 $0x1082;
	s9 =	sld [smem:$0x3FAB]  }
0x2f: {  	lr =	sadd.s32 s0, s3;
	s0 =	sld [smem:$0x3FA2]  }
0x30: {  	s3 =	sld [smem:$0x3FA5]  }
0x31: {  	[smem:$0x3FAE] =	sst s10  }
0x32: {  	s10 =	sld [smem:$0x3FAC];
	_ =	sdelay $0x3  }
0x33: {  	p0 =	seq.s32 s10, $0x1;
	s10 =	sld [smem:$0x3FAE];
	_ =	sdelay $0x3  }
0x34: {  	[smem:$0x3FAE] =	sst s10  }
0x35: {  	s10 =	sld [smem:$0x3FAD];
	_ =	sdelay $0x3  }
0x36: {  	p1 =	seq.s32 s10, $0x1;
	s10 =	sld [smem:$0x3FAE];
	_ =	sdelay $0x3  }
0x37: {  	[smem:$0x3FAE] =	sst s10  }
0x38: {  	s10 =	sld [smem:$0x3FAF]  }
0x39: {  	_ = 	snop;
	(pc) =	sbr.ind lr, $3  }
0x3a: {  	_ = 	snop  }
0x3b: {  	_ = 	snop  }
0x3c: {  	p2 =	seq.s32 s10, $0x1;
	s10 =	sld [smem:$0x3FAE]  }
0x3d: {  	_ =	shalt  }
0x3e: {  	_ =	shalt  }
0x3f: {  	_ =	shalt  }
0x40: {  	_ =	shalt  }
0x41: {  	_ =	shalt  }
0x42: {  	_ =	shalt  }
0x43: {  	_ =	shalt  }
0x44: {  	_ =	shalt  }
0x45: {  	_ =	shalt  }
0x46: {  	_ =	shalt  }
0x47: {  	_ =	shalt  }
0x48: {  	_ =	shalt  }
0x49: {  	_ =	shalt  }
0x4a: {  	_ =	shalt  }
0x4b: {  	_ =	shalt  }
0x4c: {  	_ =	shalt  }
0x4d: {  	_ =	shalt  }
0x4e: {  	_ =	shalt  }
0x4f: {  	_ =	shalt  }
0x50: {  	_ =	shalt  }
0x51: {  	_ =	shalt  }
0x52: {  	_ =	shalt  }
0x53: {  	_ =	shalt  }
0x54: {  	_ =	shalt  }
0x55: {  	_ =	shalt  }
0x56: {  	_ =	shalt  }
0x57: {  	_ =	shalt  }
0x58: {  	_ =	shalt  }
0x59: {  	_ =	shalt  }
0x5a: {  	_ =	shalt  }
0x5b: {  	_ =	shalt  }
0x5c: {  	_ =	shalt  }
0x5d: {  	_ =	shalt  }
0x5e: {  	_ =	shalt  }
0x5f: {  	_ =	shalt  }
0x60: {  	_ =	shalt  }
0x61: {  	_ =	shalt  }
0x62: {  	_ =	shalt  }
0x63: {  	_ =	shalt  }
0x64: {  	_ =	shalt  }
0x65: {  	_ =	shalt  }
0x66: {  	_ =	shalt  }
0x67: {  	_ =	shalt  }
0x68: {  	_ =	shalt  }
0x69: {  	_ =	shalt  }
0x6a: {  	_ =	shalt  }
0x6b: {  	_ =	shalt  }
0x6c: {  	_ =	shalt  }
0x6d: {  	_ =	shalt  }
0x6e: {  	_ =	shalt  }
0x6f: {  	_ =	shalt  }
0x70: {  	_ =	shalt  }
0x71: {  	_ =	shalt  }
0x72: {  	_ =	shalt  }
0x73: {  	_ =	shalt  }
0x74: {  	_ =	shalt  }
0x75: {  	_ =	shalt  }
0x76: {  	_ =	shalt  }
0x77: {  	_ =	shalt  }
0x78: {  	_ =	shalt  }
0x79: {  	_ =	shalt  }
0x7a: {  	_ =	shalt  }
0x7b: {  	_ =	shalt  }
0x7c: {  	_ =	shalt  }
0x7d: {  	_ =	shalt  }
0x7e: {  	_ =	shalt  }
0x7f: {  	_ =	shalt  }
0x80: {  	_ =	shalt  }
0x81: {  	_ =	shalt  }
0x82: {  	_ =	shalt  }
0x83: {  	_ =	shalt  }
0x84: {  	_ =	shalt  }
0x85: {  	_ =	shalt  }
0x86: {  	_ =	shalt  }
0x87: {  	_ =	shalt  }
.Lfunc_end0:
.L_simem_size_0:
called_computation_lowered:
.L_overlay_start_0:
0x88: {  	s2 =	sld [smem:$0x3FD9]  }
0x89: {  	s3 =	sld [smem:$0x3FFE];
	_ =	sdelay $0x1  }
0x8a: {  	s1 =	srdreg.scid  }
0x8b: {  	s0 =	sand.u32 $0x1, s1  }
0x8c: {  	s17 =	sshll.u32 s0, $0xA;
	s2 =	sadd.s32 s3, s2  }
0x8d: {  	s2 =	sadd.s32 s2, s17  }
0x8e: {  	[smem:$0x3FBA] =	sst s2  }
0x8f: {  	_ = 	snop  }
0x90: {  	s2 =	sld [smem:$0x3FC9];
	(tm) =	ssettm $0x1  }
0x91: {  	s18 =	sld [smem:$0x3FFB];
	_ =	sdelay $0x3  }
0x92: {  	_ =	strace s18  }
0x93: {  	s3 =	sld [smem:$0x3FFC];
	_ =	sdelay $0x3  }
0x94: {  	_ =	strace s3  }
0x95: {  	s3 =	sld [smem:$0x3FFD];
	_ =	sdelay $0x3  }
0x96: {  	_ =	strace s3  }
0x97: {  	_ =	strace $0x8FFFFFFF  }
0x98: {  	s19 =	sld [smem:$0x3FDB];
	_ =	sdelay $0x1  }
0x99: {  	s4 =	simm.s32 $_scs_section_size  }
0x9a: {  	s5 =	simm.s32 $_size__tile_overlayer_lowered;
	s6 =	simm.s32 $_tile_overlayer_lowered  }
0x9b: {  	s22 =	simm.s32 $0x1BFF;
	s21 =	sshll.u32 s6, $0x1;
	s3 =	sadd.s32 s4, s19  }
0x9c: {  	s7 =	simm.s32 $0x0;
	s20 =	sshll.u32 s5, $0x1;
	s5 =	sadd.s32 s21, s3  }
0x9d: {  	[timem:s7], [sflag:s22] =	dma.local [hbm:s5], s20  }
0x9e: {  	_ =	swait.ge [sflag:s22], s20  }
0x9f: {  	s4 =	ssub.s32 $0x0, s20;
	[sflag:s22] =	ssyncset.done $0x0  }
0xa0: {  	[sflag:s22] =	ssyncadd.s32 s4;
	_ =	sdelay $0x1  }
0xa1: {  	s23 =	simm.s32 $0x1B8B  }
0xa2: {  	_ =	swait.ge [sflag:s23], $0x1  }
0xa3: {  	[sflag:s23] =	ssyncset.done $0x0  }
0xa4: {  	s25 =	simm.s32 $0x1B8E;
	s24 =	sld [smem:$0x3FFE];
	[sflag:s23] =	ssyncadd.s32 $0xFFFFFFFF  }
0xa5: {  	s26 =	simm.s32 $execute0_lowered;
	[smem:$0x3FD2] =	sst s25  }
0xa6: {  	s5 =	sshll.u32 s26, $0x1;
	_ =	strace $0x80000046;
	[dreg:$0x1] =	wrdreg $0xFFFFFFFF  }
0xa7: {  	s28 =	simm.s32 $_size_execute0_lowered;
	s3 =	sadd.s32 s3, s5;
	[dreg:$0x0] =	wrdreg $0x0  }
0xa8: {  	s5 =	sshll.u32 s28, $0x1;
	[dreg:$0x2] =	wrdreg s3  }
0xa9: {  	[dreg:$0x3] =	wrdreg s5  }
0xaa: {  	[dreg:$0x4] =	wrdreg $0xC0  }
0xab: {  	_ =	task [dreg:s7], $0x5FFFF  }
0xac: {  	[dreg:$0x1] =	wrdreg $0xFFFFFFFF  }
0xad: {  	[dreg:$0x0] =	wrdreg $0x60  }
0xae: {  	[dreg:$0x2] =	wrdreg s2  }
0xaf: {  	[dreg:$0x3] =	wrdreg s24  }
0xb0: {  	[dreg:$0x4] =	wrdreg $0xA1000  }
0xb1: {  	[dreg:$0x5] =	wrdreg $0x9  }
0xb2: {  	_ =	task.clear_ibuf [dreg:s7], $0x6FFFF;
	_ =	strace $0x90000046  }
0xb3: {  	s29 =	simm.s32 $0x9;
	_ =	strace $0x80000048  }
0xb4: {  	_ =	swait.ge [sflag:s29], $0x1  }
0xb5: {  	[sflag:s29] =	ssyncadd.s32 $0xFFFFFFFF  }
0xb6: {  	_ =	strace $0x90000048  }
0xb7: {  	_ =	sfence  }
0xb8: {  	s30 =	sld [smem:$0x0];
	_ =	sdelay $0x2  }
0xb9: {  	s31 =	sshll.u32 s1, $0xD;
	s1 =	sshrl.u32 s1, $0x2  }
0xba: {  	s3 =	sand.u32 $0x4000, s31;
	s1 =	sadd.s32 s1, s30  }
0xbb: {  	s0 =	sor.u32 s3, s0;
	s1 =	sshll.u32 s1, $0x11  }
0xbc: {  	s0 =	sor.u32 s1, s0  }
0xbd: {  	s0 =	sadd.s32 $0x8F2B, s0  }
0xbe: {  	[sflag:s0] =	ssyncadd.remote.s32 $0x1  }
0xbf: {  	_ =	sfence.sel $0xFFFF  }
0xc0: {  	[dreg:$0x0] =	wrdreg $0xFFFFFFFF;
	(pc) =	sbr.abs _section_cstart, $3  }
0xc1: {  	[dreg:$0x1] =	wrdreg $0xFFFFFFFF  }
0xc2: {  	_ =	task.clear_ibuf [dreg:s7], $0x2FFFF;
	_ =	strace $0x9FFFFFFF  }
0xc3: {  	(tm) =	ssettm $0x7FFFFFFF  }
tec
execute0_lowered:
.L_overlay_start_1:
0x0: {  	(tag) =	ssettag $0x1  }
0x1: {  	s0 =	srdreg.scid;
	s1 =	rddreg [dreg:$0x0]  }
0x2: {  	s12 =	stileid.u32;
	s6 =	rddreg [dreg:$0x1]  }
0x3: {  	s3 =	rddreg [dreg:$0x2];
	s4 =	simm.s32 $0x0;
	s28 =	simm.s32 $0x7  }
0x4: {  	s29 =	simm.s32 $0x2900;
	s30 =	simm.s32 $0x2780;
	s31 =	simm.s32 $0x50  }
0x5: {  	s0 =	sand.u32 $0x1, s0;
	[smem:$0x7FF] =	sst s4;
	s7 =	smul.u32 $0x4E000, s12  }
0x6: {  	s5 =	sadd.s32 $0x4600, s6;
	s10 =	sadd.s32 $0x18200, s6;
	s18 =	smul.u32 $0x13800, s12  }
0x7: {  	s20 =	smul.u32 $0x2710, s12;
	p0 =	sne.s32 s12, $0xF;
	s2 =	sshll.u32 s0, $0x4  }
0x8: {  	s9 =	ssub.s32 $0x2, s0;
	s15 =	smul.u32 $0x138800, s0;
	s2 =	sor.u32 s12, s2  }
0x9: {  	_ =	strace $0x80000047;
	s11 =	sshrl.u32 s9, $0x1;
	s2 =	smul.u32 $0x2710, s2  }
0xa: {  	s0 =	smul.u32 $0x27100, s0;
	s7 =	sshrl.u32 s7, $0x2;
	s24 =	ssub.s32 s9, s11  }
0xb: {  	s12 =	simm.s32 $0x2;
	s22 =	smax.u32 s24, $0x1;
	s2 =	sshrl.u32 s2, $0x3  }
0xc: {  	[dreg:$0x11] =	wrdreg s22;
	s8 =	sadd.s32 s2, s6;
	s17 =	sadd.s32 s5, s2  }
0xd: {  	s6 =	sadd.s32 s7, s3;
	s8 =	sadd.s32 $0xE400, s8;
	[dreg:$0xc] =	wrdreg s17  }
0xe: {  	s0 =	sadd.s32 s20, s0;
	s25 =	sadd.s32 $0x2800, s6;
	[dreg:$0x4] =	wrdreg s8  }
0xf: {  	s23 =	sadd.s32 $0x190, s0;
	s26 =	sadd.s32 $0x5000, s6;
	[dreg:$0x5] =	wrdreg s25  }
0x10: {  	s24 =	sadd.s32 $0x140, s0;
	s9 =	sadd.s32 $0x7800, s6;
	[dreg:$0x6] =	wrdreg s26  }
0x11: {  	s2 =	sadd.s32 s18, s15;
	s11 =	sadd.s32 $0xA000, s6;
	[dreg:$0x7] =	wrdreg s9  }
0x12: {  	s7 =	sshrl.u32 s24, $0x3;
	s13 =	sadd.s32 $0xC800, s6;
	[dreg:$0x8] =	wrdreg s11  }
0x13: {  	s18 =	simm.s32 $0x0;
	s14 =	sadd.s32 $0xF000, s6;
	[dreg:$0x9] =	wrdreg s13  }
0x14: {  	s16 =	sadd.s32 $0x11800, s6;
	s19 =	sadd.s32 $0xA, s17;
	[dreg:$0xa] =	wrdreg s14  }
0x15: {  	s2 =	sshrl.u32 s2, $0x3;
	s24 =	sadd.s32 s7, s5;
	[dreg:$0xb] =	wrdreg s16  }
0x16: {  	s7 =	simm.s32 $0x2880;
	s16 =	sadd.s32 $0x138000, s3;
	[dreg:$0xd] =	wrdreg s19  }
0x17: {  	s8 =	sshrl.u32 s15, $0x3;
	s13 =	sadd.s32 $0x14, s17;
	s2 =	sadd.s32 s10, s2  }
0x18: {  	s25 =	sadd.s32 $0x4CE, s17;
	s26 =	sadd.s32 $0x4D8, s17;
	s9 =	simm.s32 $0x1  }
0x19: {  	s11 =	simm.s32 $0x8;
	s14 =	simm.s32 $0x3;
	[dreg:$0xe] =	wrdreg s13  }
0x1a: {  	s17 =	simm.s32 $0x6;
	s8 =	sadd.s32 s10, s8;
	[dreg:$0xf] =	wrdreg s2  }
0x1b: {  	[dreg:$0x12] =	wrdreg s25;
	s2 =	sshrl.u32 s23, $0x3;
	s25 =	sadd.s32 $0xF0, s0  }
0x1c: {  	[dreg:$0x13] =	wrdreg s26;
	s0 =	simm.s32 $0x5100;
	s10 =	simm.s32 $0x4  }
0x1d: {  	s13 =	simm.s32 $0x5;
	s21 =	sadd.s32 $0x27000, s8;
	s23 =	sadd.s32 s2, s5  }
0x1e: {  	v0 =	vimm.f32 $0.0e+00;
	s2 =	simm.s32 $0x2800;
	s8 =	simm.s32 $0x7900;
	[dreg:$0x10] =	wrdreg s21  }
.LBB2_1:
0x1f: {  	s15 =	rddreg [dreg:$0x4];
	s19 =	simm.s32 $0x0;
	s20 =	simm.s32 $0x200  }
0x20: {  	[tilespmem:s4], [sflag:$0x7] =	stream.linear.gather [hbm4b:s15+s4], $0x2710, $0x38;
	[tilespmem:$0x1D980] =	vst v63  }
.LBB2_2:
0x21: {  	p1 =	sne.s32 s20, $0x9E00;
	[tilespmem:s19+$0x2970] =	vst v0  }
0x22: {  	[tilespmem:s19+$0x2900] =	vst v0  }
0x23: {  	[tilespmem:s19+$0x2910] =	vst v0  }
.Ltmp0:
0x24: {  	[tilespmem:s19+$0x2920] =	vst v0;
	(pc) =	sbr.rel @p1 .LBB2_2-.Ltmp0, $4  }
0x25: {  	[tilespmem:s19+$0x2930] =	vst v0  }
0x26: {  	[tilespmem:s19+$0x2940] =	vst v0  }
0x27: {  	[tilespmem:s19+$0x2950] =	vst v0  }
0x28: {  	[tilespmem:s19+$0x2960] =	vst v0;
	s19 =	sshra.s32 s20, $0x2;
	s20 =	sadd.s32 $0x200, s20  }
0x29: {  	[tilespmem:s19+$0x2970] =	vst v0  }
0x2a: {  	[tilespmem:s19+$0x2900] =	vst v0  }
0x2b: {  	[tilespmem:s19+$0x2910] =	vst v0  }
0x2c: {  	[tilespmem:s19+$0x2920] =	vst v0  }
0x2d: {  	[tilespmem:s19+$0x2930] =	vst v0  }
0x2e: {  	[tilespmem:s19+$0x2940] =	vst v0  }
0x2f: {  	[tilespmem:s19+$0x2950] =	vst v0  }
0x30: {  	[tilespmem:s19+$0x2960] =	vst v0  }
0x31: {  	_ =	swait.ge [sflag:s28], $0x2710  }
0x32: {  	[sflag:s28] =	ssyncset.done $0x0  }
0x33: {  	[sflag:s28] =	ssyncadd.s32 $0xFFFFD8F0  }
0x34: {  	[spmem:s6] =	stream.linear.scatter [tilespmem:s29], [sflag:$0x7], $0x2800, $0x38;
	[tilespmem:$0x1D980] =	vst v63  }
0x35: {  	s15 =	rddreg [dreg:$0x5]  }
0x36: {  	[spmem:s15] =	stream.linear.scatter [tilespmem:s29], [sflag:$0x7], $0x2800, $0x38;
	[tilespmem:$0x1D980] =	vst v63  }
0x37: {  	s19 =	rddreg [dreg:$0x6]  }
0x38: {  	[spmem:s19] =	stream.linear.scatter [tilespmem:s29], [sflag:$0x7], $0x2800, $0x38;
	[tilespmem:$0x1D980] =	vst v63  }
0x39: {  	s20 =	rddreg [dreg:$0x7]  }
0x3a: {  	[spmem:s20] =	stream.linear.scatter [tilespmem:s29], [sflag:$0x7], $0x2800, $0x38;
	[tilespmem:$0x1D980] =	vst v63  }
0x3b: {  	s21 =	rddreg [dreg:$0x8]  }
0x3c: {  	[spmem:s21] =	stream.linear.scatter [tilespmem:s29], [sflag:$0x7], $0x2800, $0x38;
	[tilespmem:$0x1D980] =	vst v63  }
0x3d: {  	s22 =	rddreg [dreg:$0x9]  }
0x3e: {  	[spmem:s22] =	stream.linear.scatter [tilespmem:s29], [sflag:$0x7], $0x2800, $0x38;
	[tilespmem:$0x1D980] =	vst v63  }
0x3f: {  	s26 =	rddreg [dreg:$0xa]  }
0x40: {  	[spmem:s26] =	stream.linear.scatter [tilespmem:s29], [sflag:$0x7], $0x2800, $0x38;
	[tilespmem:$0x1D980] =	vst v63  }
0x41: {  	s19 =	rddreg [dreg:$0xb]  }
0x42: {  	[spmem:s19] =	stream.linear.scatter [tilespmem:s29], [sflag:$0x7], $0x2000, $0x38;
	[tilespmem:$0x1D980] =	vst v63  }
0x43: {  	s19 =	simm.s32 @!p0 $0x2900  }
0x44: {  	[spmem:s16] =	stream.linear.scatter @!p0 [tilespmem:s19], [sflag:$0x7], $0x800, $0x38;
	[tilespmem:$0x1D980] =	vst v63  }
0x45: {  	s19 =	simm.s32 @!p0 $0x7  }
0x46: {  	_ =	swait.ge @!p0 [sflag:s19], $0x800  }
0x47: {  	[sflag:s19] =	ssyncset.done @!p0 $0x0  }
0x48: {  	[sflag:s19] =	ssyncadd.s32 @!p0 $0xFFFFF800  }
0x49: {  	_ =	swait.ge [sflag:s28], $0x2800  }
0x4a: {  	[sflag:s28] =	ssyncset.done $0x0  }
0x4b: {  	[sflag:s28] =	ssyncadd.s32 $0xFFFFD800  }
0x4c: {  	_ =	swait.ge [sflag:s28], $0x2800  }
0x4d: {  	[sflag:s28] =	ssyncset.done $0x0  }
0x4e: {  	[sflag:s28] =	ssyncadd.s32 $0xFFFFD800  }
0x4f: {  	_ =	swait.ge [sflag:s28], $0x2800  }
0x50: {  	[sflag:s28] =	ssyncset.done $0x0  }
0x51: {  	[sflag:s28] =	ssyncadd.s32 $0xFFFFD800  }
0x52: {  	_ =	swait.ge [sflag:s28], $0x2800  }
0x53: {  	[sflag:s28] =	ssyncset.done $0x0  }
0x54: {  	[sflag:s28] =	ssyncadd.s32 $0xFFFFD800  }
0x55: {  	_ =	swait.ge [sflag:s28], $0x2800  }
0x56: {  	[sflag:s28] =	ssyncset.done $0x0  }
0x57: {  	[sflag:s28] =	ssyncadd.s32 $0xFFFFD800  }
0x58: {  	_ =	swait.ge [sflag:s28], $0x2800  }
0x59: {  	[sflag:s28] =	ssyncset.done $0x0  }
0x5a: {  	[sflag:s28] =	ssyncadd.s32 $0xFFFFD800  }
0x5b: {  	_ =	swait.ge [sflag:s28], $0x2800  }
0x5c: {  	[sflag:s28] =	ssyncset.done $0x0  }
0x5d: {  	[sflag:s28] =	ssyncadd.s32 $0xFFFFD800  }
0x5e: {  	_ =	swait.ge [sflag:s28], $0x2000  }
0x5f: {  	[sflag:s28] =	ssyncset.done $0x0  }
0x60: {  	[sflag:s28] =	ssyncadd.s32 $0xFFFFE000  }
0x61: {  	[bflag:$0x0] =	sbarrier.arrive $0xFFFF  }
0x62: {  	s20 =	simm.s32 $0x0;
	s21 =	rddreg [dreg:$0xc]  }
0x63: {  	[tilespmem:s30], [sflag:$0x1] =	stream.linear.gather [hbm4b:s21+s20], $0x50, $0x38;
	[tilespmem:$0x1D980] =	vst v63  }
0x64: {  	_ = 	snop  }
0x65: {  	[tilespmem:s29], [sflag:$0x4] =	stream.indirect.gather [hbm4b:s1+s31], $0x80, s20, s31, $0xb8;
	[tilespmem:$0x1D980] =	vst v63  }
0x66: {  	s22 =	rddreg [dreg:$0xd]  }
0x67: {  	[tilespmem:s2], [sflag:$0x2] =	stream.linear.gather [hbm4b:s22+s20], $0x50, $0x38;
	[tilespmem:$0x1D980] =	vst v63  }
0x68: {  	_ = 	snop  }
0x69: {  	[tilespmem:s0], [sflag:$0x5] =	stream.indirect.gather [hbm4b:s1+s31], $0x80, s31, s31, $0xb8;
	[tilespmem:$0x1D980] =	vst v63  }
0x6a: {  	s26 =	rddreg [dreg:$0xe]  }
0x6b: {  	[tilespmem:s7], [sflag:$0x3] =	stream.linear.gather [hbm4b:s26+s20], $0x50, $0x38;
	[tilespmem:$0x1D980] =	vst v63  }
0x6c: {  	s20 =	simm.s32 $0xA0  }
0x6d: {  	[tilespmem:s8], [sflag:$0x6] =	stream.indirect.gather [hbm4b:s1+s31], $0x80, s20, s31, $0xb8;
	[tilespmem:$0x1D980] =	vst v63  }
0x6e: {  	_ =	swait.ge [sflag:s9], $0x50  }
0x6f: {  	[sflag:s9] =	ssyncset.done $0x0  }
0x70: {  	[sflag:s9] =	ssyncadd.s32 $0xFFFFFFB0  }
0x71: {  	_ =	swait.ge [sflag:s10], $0x2800  }
0x72: {  	[sflag:s10] =	ssyncset.done $0x0  }
0x73: {  	[sflag:s10] =	ssyncadd.s32 $0xFFFFD800  }
0x74: {  	[spmem:s3] =	stream.indirect.scatter.add.f32 [tilespmem:s29], [sflag:$0x8], $0x80, s30, s31, $0xb8;
	[tilespmem:$0x1D980] =	vst v63  }
0x75: {  	_ =	swait.ge [sflag:s11], $0x2800  }
0x76: {  	s21 =	sshrl.u32 s25, $0x3;
	[sflag:s11] =	ssyncset.done $0x0  }
0x77: {  	s19 =	sadd.s32 s5, s21;
	[sflag:s11] =	ssyncadd.s32 $0xFFFFD800  }
0x78: {  	[tilespmem:s30], [sflag:$0x1] =	stream.linear.gather [hbm4b:s19+s4], $0x50, $0x38;
	[tilespmem:$0x1D980] =	vst v63  }
0x79: {  	s22 =	simm.s32 $0xF0  }
0x7a: {  	[tilespmem:s29], [sflag:$0x4] =	stream.indirect.gather [hbm4b:s1+s31], $0x80, s22, s31, $0xb8;
	[tilespmem:$0x1D980] =	vst v63  }
0x7b: {  	_ =	swait.ge [sflag:s12], $0x50  }
0x7c: {  	[sflag:s12] =	ssyncset.done $0x0  }
0x7d: {  	[sflag:s12] =	ssyncadd.s32 $0xFFFFFFB0  }
0x7e: {  	_ =	swait.ge [sflag:s13], $0x2800  }
0x7f: {  	[sflag:s13] =	ssyncset.done $0x0  }
0x80: {  	[sflag:s13] =	ssyncadd.s32 $0xFFFFD800  }
0x81: {  	[spmem:s3] =	stream.indirect.scatter.add.f32 [tilespmem:s0], [sflag:$0x8], $0x80, s2, s31, $0xb8;
	[tilespmem:$0x1D980] =	vst v63  }
0x82: {  	_ =	swait.ge [sflag:s11], $0x2800  }
0x83: {  	[sflag:s11] =	ssyncset.done $0x0  }
0x84: {  	[sflag:s11] =	ssyncadd.s32 $0xFFFFD800  }
0x85: {  	[tilespmem:s2], [sflag:$0x2] =	stream.linear.gather [hbm4b:s24+s4], $0x50, $0x38;
	[tilespmem:$0x1D980] =	vst v63  }
0x86: {  	s26 =	simm.s32 $0x140  }
0x87: {  	[tilespmem:s0], [sflag:$0x5] =	stream.indirect.gather [hbm4b:s1+s31], $0x80, s26, s31, $0xb8;
	[tilespmem:$0x1D980] =	vst v63  }
0x88: {  	_ =	swait.ge [sflag:s14], $0x50  }
0x89: {  	[sflag:s14] =	ssyncset.done $0x0  }
0x8a: {  	[sflag:s14] =	ssyncadd.s32 $0xFFFFFFB0  }
0x8b: {  	_ =	swait.ge [sflag:s17], $0x2800  }
0x8c: {  	[sflag:s17] =	ssyncset.done $0x0  }
0x8d: {  	[sflag:s17] =	ssyncadd.s32 $0xFFFFD800  }
0x8e: {  	[spmem:s3] =	stream.indirect.scatter.add.f32 [tilespmem:s8], [sflag:$0x8], $0x80, s7, s31, $0xb8;
	[tilespmem:$0x1D980] =	vst v63  }
0x8f: {  	s21 =	sadd.s32 $0x1E, s23;
	_ =	swait.ge [sflag:s11], $0x2800  }
0x90: {  	s20 =	sadd.s32 $0xF0, s25;
	s19 =	simm.s32 $0x3C0;
	[sflag:s11] =	ssyncset.done $0x0  }
0x91: {  	s22 =	sadd.s32 $0x1E, s24;
	s26 =	simm.s32 $0x190;
	[sflag:s11] =	ssyncadd.s32 $0xFFFFD800  }
0x92: {  	[tilespmem:s7], [sflag:$0x3] =	stream.linear.gather [hbm4b:s23+s4], $0x50, $0x38;
	[tilespmem:$0x1D980] =	vst v63  }
.LBB2_4:
0x93: {  	[tilespmem:s8], [sflag:$0x6] =	stream.indirect.gather [hbm4b:s1+s31], $0x80, s26, s31, $0xb8;
	[tilespmem:$0x1D980] =	vst v63  }
0x94: {  	s26 =	smov.u32 s19  }
0x95: {  	p1 =	sne.s32 s19, $0x9240;
	s19 =	sadd.s32 $0x3C0, s19;
	_ =	swait.ge [sflag:s9], $0x50  }
0x96: {  	[sflag:s9] =	ssyncset.done $0x0  }
0x97: {  	[sflag:s9] =	ssyncadd.s32 $0xFFFFFFB0  }
0x98: {  	_ =	swait.ge [sflag:s10], $0x2800  }
0x99: {  	[sflag:s10] =	ssyncset.done $0x0  }
0x9a: {  	[sflag:s10] =	ssyncadd.s32 $0xFFFFD800  }
0x9b: {  	[spmem:s3] =	stream.indirect.scatter.add.f32 [tilespmem:s29], [sflag:$0x8], $0x80, s30, s31, $0xb8;
	[tilespmem:$0x1D980] =	vst v63  }
0x9c: {  	_ =	swait.ge [sflag:s11], $0x2800  }
0x9d: {  	s15 =	sshrl.u32 s20, $0x3;
	[sflag:s11] =	ssyncset.done $0x0  }
0x9e: {  	s15 =	sadd.s32 s5, s15;
	s26 =	sshra.s32 s26, $0x2;
	[sflag:s11] =	ssyncadd.s32 $0xFFFFD800  }
0x9f: {  	[tilespmem:s30], [sflag:$0x1] =	stream.linear.gather [hbm4b:s15+s4], $0x50, $0x38;
	[tilespmem:$0x1D980] =	vst v63  }
0xa0: {  	s15 =	sadd.s32 $0xF0, s26  }
0xa1: {  	[tilespmem:s29], [sflag:$0x4] =	stream.indirect.gather [hbm4b:s1+s31], $0x80, s15, s31, $0xb8;
	[tilespmem:$0x1D980] =	vst v63  }
0xa2: {  	_ =	swait.ge [sflag:s12], $0x50  }
0xa3: {  	[sflag:s12] =	ssyncset.done $0x0  }
0xa4: {  	[sflag:s12] =	ssyncadd.s32 $0xFFFFFFB0  }
0xa5: {  	_ =	swait.ge [sflag:s13], $0x2800  }
0xa6: {  	[sflag:s13] =	ssyncset.done $0x0  }
0xa7: {  	[sflag:s13] =	ssyncadd.s32 $0xFFFFD800  }
0xa8: {  	[spmem:s3] =	stream.indirect.scatter.add.f32 [tilespmem:s0], [sflag:$0x8], $0x80, s2, s31, $0xb8;
	[tilespmem:$0x1D980] =	vst v63  }
0xa9: {  	_ =	swait.ge [sflag:s11], $0x2800  }
0xaa: {  	[sflag:s11] =	ssyncset.done $0x0  }
0xab: {  	[sflag:s11] =	ssyncadd.s32 $0xFFFFD800  }
0xac: {  	[tilespmem:s2], [sflag:$0x2] =	stream.linear.gather [hbm4b:s22+s4], $0x50, $0x38;
	[tilespmem:$0x1D980] =	vst v63  }
0xad: {  	s15 =	sadd.s32 $0x140, s26  }
0xae: {  	[tilespmem:s0], [sflag:$0x5] =	stream.indirect.gather [hbm4b:s1+s31], $0x80, s15, s31, $0xb8;
	[tilespmem:$0x1D980] =	vst v63  }
0xaf: {  	_ =	swait.ge [sflag:s14], $0x50  }
0xb0: {  	[sflag:s14] =	ssyncset.done $0x0  }
0xb1: {  	[sflag:s14] =	ssyncadd.s32 $0xFFFFFFB0  }
0xb2: {  	_ =	swait.ge [sflag:s17], $0x2800  }
0xb3: {  	[sflag:s17] =	ssyncset.done $0x0  }
0xb4: {  	[sflag:s17] =	ssyncadd.s32 $0xFFFFD800  }
0xb5: {  	[spmem:s3] =	stream.indirect.scatter.add.f32 [tilespmem:s8], [sflag:$0x8], $0x80, s7, s31, $0xb8;
	[tilespmem:$0x1D980] =	vst v63  }
.Ltmp1:
0xb6: {  	_ =	swait.ge [sflag:s11], $0x2800;
	(pc) =	sbr.rel @p1 .LBB2_4-.Ltmp1, $4  }
0xb7: {  	[sflag:s11] =	ssyncset.done $0x0  }
0xb8: {  	s20 =	sadd.s32 $0xF0, s20;
	[sflag:s11] =	ssyncadd.s32 $0xFFFFD800  }
0xb9: {  	[tilespmem:s7], [sflag:$0x3] =	stream.linear.gather [hbm4b:s21+s4], $0x50, $0x38;
	[tilespmem:$0x1D980] =	vst v63  }
0xba: {  	s26 =	sadd.s32 $0x190, s26;
	s22 =	sadd.s32 $0x1E, s22;
	s21 =	sadd.s32 $0x1E, s21  }
0xbb: {  	[tilespmem:s8], [sflag:$0x6] =	stream.indirect.gather [hbm4b:s1+s31], $0x80, s26, s31, $0xb8;
	[tilespmem:$0x1D980] =	vst v63  }
0xbc: {  	_ =	swait.ge [sflag:s9], $0x50  }
0xbd: {  	[sflag:s9] =	ssyncset.done $0x0  }
0xbe: {  	[sflag:s9] =	ssyncadd.s32 $0xFFFFFFB0  }
0xbf: {  	_ =	swait.ge [sflag:s10], $0x2800  }
0xc0: {  	[sflag:s10] =	ssyncset.done $0x0  }
0xc1: {  	[sflag:s10] =	ssyncadd.s32 $0xFFFFD800  }
0xc2: {  	[spmem:s3] =	stream.indirect.scatter.add.f32 [tilespmem:s29], [sflag:$0x8], $0x80, s30, s31, $0xb8;
	[tilespmem:$0x1D980] =	vst v63  }
0xc3: {  	_ =	swait.ge [sflag:s11], $0x2800  }
0xc4: {  	[sflag:s11] =	ssyncset.done $0x0  }
0xc5: {  	s15 =	rddreg [dreg:$0x12];
	[sflag:s11] =	ssyncadd.s32 $0xFFFFD800  }
0xc6: {  	[tilespmem:s30], [sflag:$0x1] =	stream.linear.gather [hbm4b:s15+s4], $0x50, $0x38;
	[tilespmem:$0x1D980] =	vst v63  }
0xc7: {  	s19 =	simm.s32 $0x2670  }
0xc8: {  	[tilespmem:s29], [sflag:$0x4] =	stream.indirect.gather [hbm4b:s1+s31], $0x80, s19, s31, $0xb8;
	[tilespmem:$0x1D980] =	vst v63  }
0xc9: {  	_ =	swait.ge [sflag:s12], $0x50  }
0xca: {  	[sflag:s12] =	ssyncset.done $0x0  }
0xcb: {  	[sflag:s12] =	ssyncadd.s32 $0xFFFFFFB0  }
0xcc: {  	_ =	swait.ge [sflag:s13], $0x2800  }
0xcd: {  	[sflag:s13] =	ssyncset.done $0x0  }
0xce: {  	[sflag:s13] =	ssyncadd.s32 $0xFFFFD800  }
0xcf: {  	[spmem:s3] =	stream.indirect.scatter.add.f32 [tilespmem:s0], [sflag:$0x8], $0x80, s2, s31, $0xb8;
	[tilespmem:$0x1D980] =	vst v63  }
0xd0: {  	_ =	swait.ge [sflag:s11], $0x2800  }
0xd1: {  	[sflag:s11] =	ssyncset.done $0x0  }
0xd2: {  	s20 =	rddreg [dreg:$0x13];
	[sflag:s11] =	ssyncadd.s32 $0xFFFFD800  }
0xd3: {  	[tilespmem:s2], [sflag:$0x2] =	stream.linear.gather [hbm4b:s20+s4], $0x50, $0x38;
	[tilespmem:$0x1D980] =	vst v63  }
0xd4: {  	s21 =	simm.s32 $0x26C0  }
0xd5: {  	[tilespmem:s0], [sflag:$0x5] =	stream.indirect.gather [hbm4b:s1+s31], $0x80, s21, s31, $0xb8;
	[tilespmem:$0x1D980] =	vst v63  }
0xd6: {  	_ =	swait.ge [sflag:s14], $0x50  }
0xd7: {  	[sflag:s14] =	ssyncset.done $0x0  }
0xd8: {  	[sflag:s14] =	ssyncadd.s32 $0xFFFFFFB0  }
0xd9: {  	_ =	swait.ge [sflag:s17], $0x2800  }
0xda: {  	[sflag:s17] =	ssyncset.done $0x0  }
0xdb: {  	[sflag:s17] =	ssyncadd.s32 $0xFFFFD800  }
0xdc: {  	[spmem:s3] =	stream.indirect.scatter.add.f32 [tilespmem:s8], [sflag:$0x8], $0x80, s7, s31, $0xb8;
	[tilespmem:$0x1D980] =	vst v63  }
0xdd: {  	_ =	swait.ge [sflag:s11], $0x2800  }
0xde: {  	[sflag:s11] =	ssyncset.done $0x0  }
0xdf: {  	[sflag:s11] =	ssyncadd.s32 $0xFFFFD800  }
0xe0: {  	_ =	swait.ge [sflag:s9], $0x50  }
0xe1: {  	[sflag:s9] =	ssyncset.done $0x0  }
0xe2: {  	[sflag:s9] =	ssyncadd.s32 $0xFFFFFFB0  }
0xe3: {  	_ =	swait.ge [sflag:s10], $0x2800  }
0xe4: {  	[sflag:s10] =	ssyncset.done $0x0  }
0xe5: {  	[sflag:s10] =	ssyncadd.s32 $0xFFFFD800  }
0xe6: {  	[spmem:s3] =	stream.indirect.scatter.add.f32 [tilespmem:s29], [sflag:$0x8], $0x80, s30, s31, $0xb8;
	[tilespmem:$0x1D980] =	vst v63  }
0xe7: {  	_ =	swait.ge [sflag:s11], $0x2800  }
0xe8: {  	[sflag:s11] =	ssyncset.done $0x0  }
0xe9: {  	[sflag:s11] =	ssyncadd.s32 $0xFFFFD800  }
0xea: {  	_ =	swait.ge [sflag:s12], $0x50  }
0xeb: {  	[sflag:s12] =	ssyncset.done $0x0  }
0xec: {  	[sflag:s12] =	ssyncadd.s32 $0xFFFFFFB0  }
0xed: {  	_ =	swait.ge [sflag:s13], $0x2800  }
0xee: {  	[sflag:s13] =	ssyncset.done $0x0  }
0xef: {  	[sflag:s13] =	ssyncadd.s32 $0xFFFFD800  }
0xf0: {  	[spmem:s3] =	stream.indirect.scatter.add.f32 [tilespmem:s0], [sflag:$0x8], $0x80, s2, s31, $0xb8;
	[tilespmem:$0x1D980] =	vst v63  }
0xf1: {  	_ =	swait.ge [sflag:s11], $0x2800  }
0xf2: {  	[sflag:s11] =	ssyncset.done $0x0  }
0xf3: {  	s22 =	stileid.u32;
	[sflag:s11] =	ssyncadd.s32 $0xFFFFD800  }
0xf4: {  	s15 =	sshll.u32 s22, $0x6;
	[bflag:$0x0] =	sbarrier.arrive $0xFFFF  }
0xf5: {  	s15 =	sor.u32 $0x1C08, s15;
	s19 =	sshrl.u32 s6, $0x3;
	s20 =	rddreg [dreg:$0xf]  }
0xf6: {  	[hbm:s20], [sflag:s15] =	dma.local [spmem:s19], $0x2700  }
0xf7: {  	_ =	swait.ge [sflag:s11], $0x2700  }
0xf8: {  	[sflag:s11] =	ssyncset.done $0x0  }
0xf9: {  	s19 =	sshrl.u32 @!p0 s16, $0x3;
	s20 =	rddreg [dreg:$0x10];
	[sflag:s11] =	ssyncadd.s32 $0xFFFFD900  }
0xfa: {  	[hbm:s20], [sflag:s15] =	dma.local @!p0 [spmem:s19], $0x100  }
0xfb: {  	s15 =	simm.s32 @!p0 $0x8  }
0xfc: {  	_ =	swait.ge @!p0 [sflag:s15], $0x100  }
0xfd: {  	s18 =	sadd.s32 $0x1, s18;
	s26 =	rddreg [dreg:$0x11]  }
0xfe: {  	p1 =	sne.s32 s18, s26  }
.Ltmp2:
0xff: {  	_ = 	snop;
	(pc) =	sbr.rel @p1 .LBB2_1-.Ltmp2, $3  }
0x100: {  	_ =	sdelay $0x1  }
0x101: {  	[sflag:s15] =	ssyncset.done @!p0 $0x0  }
0x102: {  	[sflag:s15] =	ssyncadd.s32 @!p0 $0xFFFFFF00  }
0x103: {  	_ =	sfence.sel $0x180000  }
0x104: {  	[bflag:$0x0] =	sbarrier.arrive $0xFFFF  }
0x105: {  	_ =	strace $0x90000047  }
0x106: {  	s0 =	stileid.u32;
	[bflag:$0x2] =	sbarrier.arrive $0xFFFF  }
0x107: {  	p0 =	sne.s32 s0, $0x0;
	s0 =	rddreg [dreg:$0x3]  }
0x108: {  	s0 =	sadd.s32 @!p0 $0x100000, s0  }
0x109: {  	[sflag:s0] =	ssyncadd.tile.s32 @!p0 $0x1;
	_ =	shalt  }
.Lfunc_end2:
_tile_overlayer_lowered:
.L_overlay_start_2:
0x10a: {  	(tag) =	ssettag $0x2  }
0x10b: {  	s0 =	rddreg [dreg:$0x0];
	s2 =	stileid.u32  }
0x10c: {  	s1 =	rddreg [dreg:$0x1];
	p0 =	sne.s32 s2, $0x0  }
0x10d: {  	s3 =	rddreg [dreg:$0x2];
	[bflag:$0x3] =	sbarrier.arrive $0xFFFF;
	s2 =	simm.s32 @!p0 $0x1C08  }
0x10e: {  	[timem:s3], [sflag:s2] =	dma.local @!p0 [hbm:s0], s1  }
0x10f: {  	s0 =	simm.s32 @!p0 $0x8  }
0x110: {  	_ =	swait.ge @!p0 [sflag:s0], s1  }
0x111: {  	s1 =	ssub.s32 @!p0 $0x0, s1;
	[sflag:s0] =	ssyncset.done @!p0 $0x0  }
0x112: {  	[sflag:s0] =	ssyncadd.s32 @!p0 s1  }
0x113: {  	[bflag:$0x3] =	sbarrier.arrive $0xFFFF  }
0x114: {  	_ =	shalt  }

</sc_bundles>
